<compile_context>
chip_gen: v7x
topology: tpu7x:2x2x1
jax: 0.10.2.dev20260603
libtpu: 0.0.44.dev20260713+nightly
codegen_flags: <defaults>
</compile_context>

<pallas_src>
import functools

import jax
import jax.numpy as jnp
from jax import lax
from jax.experimental import pallas as pl
from jax.experimental.pallas import tpu as pltpu
from jax.experimental.pallas import tpu_sc as plsc

BATCH = 16384
SEQ = 200
EMB = 64
NC, NS = 2, 16
NW = NC * NS
BW = BATCH // NW
SBLK = 8
NBLK = SEQ // SBLK
BGRP = BW // 16
ROFF = 321

_MESH = plsc.VectorSubcoreMesh(core_axis_name="c", subcore_axis_name="s")


@functools.partial(
    pl.kernel,
    out_type=jax.ShapeDtypeStruct((SEQ, EMB, BATCH), jnp.float32),
    mesh=_MESH,
    scratch_types=[
        pltpu.VMEM((5 * EMB,), jnp.float32),
        pltpu.VMEM((16 * ROFF,), jnp.float32),
        pltpu.VMEM((SBLK, BW), jnp.int32),
        pltpu.VMEM((3, EMB, BW), jnp.float32),
        pltpu.SemaphoreType.DMA,
        pltpu.SemaphoreType.DMA,
        pltpu.SemaphoreType.DMA,
    ],
    compiler_params=pltpu.CompilerParams(needs_layout_passes=False),
)
def _emb_lookup(x_hbm, tab_hbm, out_hbm, tab_v, tab_r, x_v, out_v3,
                sem0, sem1, sem2):
    wid = lax.axis_index("s") * NC + lax.axis_index("c")
    b0 = wid * BW

    pltpu.sync_copy(tab_hbm, tab_v)
    lane = lax.iota(jnp.int32, 16)
    tl = [tab_v[pl.ds(16 * m, 16)] for m in range(5 * EMB // 16)]

    def repl(l, carry):
        for m in range(5 * EMB // 16):
            plsc.store_scatter(tab_r, [l * ROFF + 16 * m + lane], tl[m])
        return carry

    lax.fori_loop(0, 16, repl, 0)

    lane_off = lane * ROFF

    sems = (sem0, sem1, sem2)

    def build(row, slot):
        @plsc.parallel_loop(0, BGRP, step=1, unroll=1)
        def bgrp(bb):
            boff = pl.multiple_of(bb * 16, 16)
            idxv = x_v[row, pl.ds(boff, 16)]
            addr = lane_off + idxv * EMB
            for e in range(EMB):
                out_v3[slot, e, pl.ds(boff, 16)] = plsc.load_gather(
                    tab_r, [addr + e])

    def step(s, carry):
        rem8 = lax.rem(s, SBLK)
        s0 = pl.multiple_of(s - rem8, SBLK)

        @pl.when(rem8 == 0)
        def _():
            pltpu.sync_copy(x_hbm.at[pl.ds(s0, SBLK), pl.ds(b0, BW)], x_v)

        rem3 = lax.rem(s, 3)
        for q in range(3):
            @pl.when((rem3 == q) & (s >= 3))
            def _():
                pltpu.make_async_copy(
                    out_v3.at[pl.ds(q, 1)],
                    out_hbm.at[pl.ds(s - 3, 1), :, pl.ds(b0, BW)],
                    sems[q]).wait()

        build(rem8, rem3)
        for q in range(3):
            @pl.when(rem3 == q)
            def _():
                pltpu.make_async_copy(
                    out_v3.at[pl.ds(q, 1)],
                    out_hbm.at[pl.ds(s, 1), :, pl.ds(b0, BW)],
                    sems[q]).start()
        return carry

    lax.fori_loop(0, SEQ, step, 0)

    for s in range(SEQ - 3, SEQ):
        q = s % 3
        pltpu.make_async_copy(
            out_v3.at[pl.ds(q, 1)],
            out_hbm.at[pl.ds(s, 1), :, pl.ds(b0, BW)], sems[q]).wait()


def kernel(x, connectivity_embedding):
    xt = x.T
    tab1d = connectivity_embedding.reshape(-1)
    out_t = _emb_lookup(xt, tab1d)
    return lax.transpose(out_t, (2, 0, 1))

# --- scband reference (transcript-rebuilt; emitter-appended) ---
"""Pipeline reference for scband-connectivity-embedding-68539088109724 (READ-ONLY COPY).

The authoritative reference and input builder live on the scoring server;
editing this copy changes nothing except your own understanding.
"""

import jax, jax.numpy as jnp
import numpy as np

NUM_CONNECTIVITY_TYPES = 5
EMB_DIM = 64
BATCH = 16384
SEQ = 200

def setup_inputs(seed: int = 0) -> dict:
    key = jax.random.key(seed)
    k_idx, k_emb = jax.random.split(key)
    x = jax.random.randint(k_idx, (BATCH, SEQ), 0, NUM_CONNECTIVITY_TYPES, dtype=jnp.int32)
    connectivity_embedding = 0.02 * jax.random.normal(k_emb, (NUM_CONNECTIVITY_TYPES, EMB_DIM), dtype=jnp.float32)
    return {"x": x, "connectivity_embedding": connectivity_embedding}

def reference(x, connectivity_embedding):
    # forward: self.connectivity_embedding[x, :]
    return jnp.take(connectivity_embedding, x, axis=0)

if __name__ == "__main__":
    import jax
    _d = setup_inputs()
    print(jax.jit(kernel)(*tuple(_d.values())))

</pallas_src>

<mosaic_0001>
#map = affine_map<(d0, d1) -> (0, 0)>
#map1 = affine_map<(d0, d1) -> (0)>
#map2 = affine_map<(d0, d1) -> (0, 0, 0)>
module attributes {stable_mosaic.version = 14 : i64} {
  func.func @_emb_lookup(%arg0: i32, %arg1: i32, %arg2: memref<200x16384xi32, #tpu.memory_space<hbm>>, %arg3: memref<320xf32, #tpu.memory_space<hbm>>, %arg4: memref<200x64x16384xf32, #tpu.memory_space<hbm>>, %arg5: memref<320xf32, #tpu.memory_space<vmem>>, %arg6: memref<5136xf32, #tpu.memory_space<vmem>>, %arg7: memref<8x512xi32, #tpu.memory_space<vmem>>, %arg8: memref<3x64x512xf32, #tpu.memory_space<vmem>>, %arg9: memref<!tpu.dma_semaphore, #tpu.memory_space<semaphore_mem>>, %arg10: memref<!tpu.dma_semaphore, #tpu.memory_space<semaphore_mem>>, %arg11: memref<!tpu.dma_semaphore, #tpu.memory_space<semaphore_mem>>) attributes {dimension_semantics = [#tpu.dimension_semantics<core_parallel>, #tpu.dimension_semantics<subcore_parallel>], iteration_bounds = array<i64: 2, 16>, scalar_prefetch = 0 : i64, scratch_operands = 7 : i64, tpu.core_type = #tpu.core_type<sc_vector_subcore>, window_params = [{transform_indices = #map}, {transform_indices = #map1}, {transform_indices = #map2}]} {
    %mul3A = arith.constant 2 : i32
    %mul3A_0 = arith.muli %arg1, %mul3A : i32
    %add3A = arith.addi %mul3A_0, %arg0 : i32
    %mul3A_1 = arith.constant 512 : i32
    %mul3A_2 = arith.muli %add3A, %mul3A_1 : i32
    "tpu.region"() ({
      %run_scoped3A = tpu.sem_alloc : memref<!tpu.dma_semaphore, #tpu.memory_space<semaphore_mem>>
      tpu.enqueue_dma source(%arg3 : memref<320xf32, #tpu.memory_space<hbm>>) target(%arg5 : memref<320xf32, #tpu.memory_space<vmem>>) target_semaphore(%run_scoped3A : memref<!tpu.dma_semaphore, #tpu.memory_space<semaphore_mem>>)
      tpu.wait_dma2 semaphore(%run_scoped3A : memref<!tpu.dma_semaphore, #tpu.memory_space<semaphore_mem>>) src(%arg3 : memref<320xf32, #tpu.memory_space<hbm>>) dst(%arg5 : memref<320xf32, #tpu.memory_space<vmem>>)
      tpu.yield
    }) : () -> ()
    %iota3A = tpu.iota {dimensions = array<i32: 0>} : vector<16xi32>
    %get3A = arith.constant 0 : index
    %get3A_3 = tpu.vector_load %arg5[%get3A] {strides = array<i32>} : memref<320xf32, #tpu.memory_space<vmem>>, vector<16xf32>,
    %get3A_4 = arith.constant 16 : index
    %get3A_5 = tpu.vector_load %arg5[%get3A_4] {strides = array<i32>} : memref<320xf32, #tpu.memory_space<vmem>>, vector<16xf32>,
    %get3A_6 = arith.constant 32 : index
    %get3A_7 = tpu.vector_load %arg5[%get3A_6] {strides = array<i32>} : memref<320xf32, #tpu.memory_space<vmem>>, vector<16xf32>,
    %get3A_8 = arith.constant 48 : index
    %get3A_9 = tpu.vector_load %arg5[%get3A_8] {strides = array<i32>} : memref<320xf32, #tpu.memory_space<vmem>>, vector<16xf32>,
    %get3A_10 = arith.constant 64 : index
    %get3A_11 = tpu.vector_load %arg5[%get3A_10] {strides = array<i32>} : memref<320xf32, #tpu.memory_space<vmem>>, vector<16xf32>,
    %get3A_12 = arith.constant 80 : index
    %get3A_13 = tpu.vector_load %arg5[%get3A_12] {strides = array<i32>} : memref<320xf32, #tpu.memory_space<vmem>>, vector<16xf32>,
    %get3A_14 = arith.constant 96 : index
    %get3A_15 = tpu.vector_load %arg5[%get3A_14] {strides = array<i32>} : memref<320xf32, #tpu.memory_space<vmem>>, vector<16xf32>,
    %get3A_16 = arith.constant 112 : index
    %get3A_17 = tpu.vector_load %arg5[%get3A_16] {strides = array<i32>} : memref<320xf32, #tpu.memory_space<vmem>>, vector<16xf32>,
    %get3A_18 = arith.constant 128 : index
    %get3A_19 = tpu.vector_load %arg5[%get3A_18] {strides = array<i32>} : memref<320xf32, #tpu.memory_space<vmem>>, vector<16xf32>,
    %get3A_20 = arith.constant 144 : index
    %get3A_21 = tpu.vector_load %arg5[%get3A_20] {strides = array<i32>} : memref<320xf32, #tpu.memory_space<vmem>>, vector<16xf32>,
    %get3A_22 = arith.constant 160 : index
    %get3A_23 = tpu.vector_load %arg5[%get3A_22] {strides = array<i32>} : memref<320xf32, #tpu.memory_space<vmem>>, vector<16xf32>,
    %get3A_24 = arith.constant 176 : index
    %get3A_25 = tpu.vector_load %arg5[%get3A_24] {strides = array<i32>} : memref<320xf32, #tpu.memory_space<vmem>>, vector<16xf32>,
    %get3A_26 = arith.constant 192 : index
    %get3A_27 = tpu.vector_load %arg5[%get3A_26] {strides = array<i32>} : memref<320xf32, #tpu.memory_space<vmem>>, vector<16xf32>,
    %get3A_28 = arith.constant 208 : index
    %get3A_29 = tpu.vector_load %arg5[%get3A_28] {strides = array<i32>} : memref<320xf32, #tpu.memory_space<vmem>>, vector<16xf32>,
    %get3A_30 = arith.constant 224 : index
    %get3A_31 = tpu.vector_load %arg5[%get3A_30] {strides = array<i32>} : memref<320xf32, #tpu.memory_space<vmem>>, vector<16xf32>,
    %get3A_32 = arith.constant 240 : index
    %get3A_33 = tpu.vector_load %arg5[%get3A_32] {strides = array<i32>} : memref<320xf32, #tpu.memory_space<vmem>>, vector<16xf32>,
    %get3A_34 = arith.constant 256 : index
    %get3A_35 = tpu.vector_load %arg5[%get3A_34] {strides = array<i32>} : memref<320xf32, #tpu.memory_space<vmem>>, vector<16xf32>,
    %get3A_36 = arith.constant 272 : index
    %get3A_37 = tpu.vector_load %arg5[%get3A_36] {strides = array<i32>} : memref<320xf32, #tpu.memory_space<vmem>>, vector<16xf32>,
    %get3A_38 = arith.constant 288 : index
    %get3A_39 = tpu.vector_load %arg5[%get3A_38] {strides = array<i32>} : memref<320xf32, #tpu.memory_space<vmem>>, vector<16xf32>,
    %get3A_40 = arith.constant 304 : index
    %get3A_41 = tpu.vector_load %arg5[%get3A_40] {strides = array<i32>} : memref<320xf32, #tpu.memory_space<vmem>>, vector<16xf32>,
    %scan3A = arith.constant 0 : i32
    %scan3A_42 = arith.constant 0 : i32
    %scan3A_43 = arith.constant 16 : i32
    %scan3A_44 = arith.addi %scan3A_42, %scan3A_43 : i32
    %scan3A_45 = arith.constant 1 : i32
    scf.for %scan3A_97 = %scan3A_42 to %scan3A_44 step %scan3A_45  : i32 {
      %mul3A_98 = arith.constant 321 : i32
      %mul3A_99 = arith.muli %scan3A_97, %mul3A_98 : i32
      %add3A_100 = arith.constant 0 : i32
      %add3A_101 = arith.addi %mul3A_99, %add3A_100 : i32
      %add3A_102 = vector.broadcast %add3A_101 : i32 to vector<16xi32>
      %add3A_103 = arith.addi %add3A_102, %iota3A : vector<16xi32>
      tpu.vector_store_idx %arg6[%add3A_103], %get3A_3 : memref<5136xf32, #tpu.memory_space<vmem>>[vector<16xi32>], vector<16xf32>,
      %mul3A_104 = arith.constant 321 : i32
      %mul3A_105 = arith.muli %scan3A_97, %mul3A_104 : i32
      %add3A_106 = arith.constant 16 : i32
      %add3A_107 = arith.addi %mul3A_105, %add3A_106 : i32
      %add3A_108 = vector.broadcast %add3A_107 : i32 to vector<16xi32>
      %add3A_109 = arith.addi %add3A_108, %iota3A : vector<16xi32>
      tpu.vector_store_idx %arg6[%add3A_109], %get3A_5 : memref<5136xf32, #tpu.memory_space<vmem>>[vector<16xi32>], vector<16xf32>,
      %mul3A_110 = arith.constant 321 : i32
      %mul3A_111 = arith.muli %scan3A_97, %mul3A_110 : i32
      %add3A_112 = arith.constant 32 : i32
      %add3A_113 = arith.addi %mul3A_111, %add3A_112 : i32
      %add3A_114 = vector.broadcast %add3A_113 : i32 to vector<16xi32>
      %add3A_115 = arith.addi %add3A_114, %iota3A : vector<16xi32>
      tpu.vector_store_idx %arg6[%add3A_115], %get3A_7 : memref<5136xf32, #tpu.memory_space<vmem>>[vector<16xi32>], vector<16xf32>,
      %mul3A_116 = arith.constant 321 : i32
      %mul3A_117 = arith.muli %scan3A_97, %mul3A_116 : i32
      %add3A_118 = arith.constant 48 : i32
      %add3A_119 = arith.addi %mul3A_117, %add3A_118 : i32
      %add3A_120 = vector.broadcast %add3A_119 : i32 to vector<16xi32>
      %add3A_121 = arith.addi %add3A_120, %iota3A : vector<16xi32>
      tpu.vector_store_idx %arg6[%add3A_121], %get3A_9 : memref<5136xf32, #tpu.memory_space<vmem>>[vector<16xi32>], vector<16xf32>,
      %mul3A_122 = arith.constant 321 : i32
      %mul3A_123 = arith.muli %scan3A_97, %mul3A_122 : i32
      %add3A_124 = arith.constant 64 : i32
      %add3A_125 = arith.addi %mul3A_123, %add3A_124 : i32
      %add3A_126 = vector.broadcast %add3A_125 : i32 to vector<16xi32>
      %add3A_127 = arith.addi %add3A_126, %iota3A : vector<16xi32>
      tpu.vector_store_idx %arg6[%add3A_127], %get3A_11 : memref<5136xf32, #tpu.memory_space<vmem>>[vector<16xi32>], vector<16xf32>,
      %mul3A_128 = arith.constant 321 : i32
      %mul3A_129 = arith.muli %scan3A_97, %mul3A_128 : i32
      %add3A_130 = arith.constant 80 : i32
      %add3A_131 = arith.addi %mul3A_129, %add3A_130 : i32
      %add3A_132 = vector.broadcast %add3A_131 : i32 to vector<16xi32>
      %add3A_133 = arith.addi %add3A_132, %iota3A : vector<16xi32>
      tpu.vector_store_idx %arg6[%add3A_133], %get3A_13 : memref<5136xf32, #tpu.memory_space<vmem>>[vector<16xi32>], vector<16xf32>,
      %mul3A_134 = arith.constant 321 : i32
      %mul3A_135 = arith.muli %scan3A_97, %mul3A_134 : i32
      %add3A_136 = arith.constant 96 : i32
      %add3A_137 = arith.addi %mul3A_135, %add3A_136 : i32
      %add3A_138 = vector.broadcast %add3A_137 : i32 to vector<16xi32>
      %add3A_139 = arith.addi %add3A_138, %iota3A : vector<16xi32>
      tpu.vector_store_idx %arg6[%add3A_139], %get3A_15 : memref<5136xf32, #tpu.memory_space<vmem>>[vector<16xi32>], vector<16xf32>,
      %mul3A_140 = arith.constant 321 : i32
      %mul3A_141 = arith.muli %scan3A_97, %mul3A_140 : i32
      %add3A_142 = arith.constant 112 : i32
      %add3A_143 = arith.addi %mul3A_141, %add3A_142 : i32
      %add3A_144 = vector.broadcast %add3A_143 : i32 to vector<16xi32>
      %add3A_145 = arith.addi %add3A_144, %iota3A : vector<16xi32>
      tpu.vector_store_idx %arg6[%add3A_145], %get3A_17 : memref<5136xf32, #tpu.memory_space<vmem>>[vector<16xi32>], vector<16xf32>,
      %mul3A_146 = arith.constant 321 : i32
      %mul3A_147 = arith.muli %scan3A_97, %mul3A_146 : i32
      %add3A_148 = arith.constant 128 : i32
      %add3A_149 = arith.addi %mul3A_147, %add3A_148 : i32
      %add3A_150 = vector.broadcast %add3A_149 : i32 to vector<16xi32>
      %add3A_151 = arith.addi %add3A_150, %iota3A : vector<16xi32>
      tpu.vector_store_idx %arg6[%add3A_151], %get3A_19 : memref<5136xf32, #tpu.memory_space<vmem>>[vector<16xi32>], vector<16xf32>,
      %mul3A_152 = arith.constant 321 : i32
      %mul3A_153 = arith.muli %scan3A_97, %mul3A_152 : i32
      %add3A_154 = arith.constant 144 : i32
      %add3A_155 = arith.addi %mul3A_153, %add3A_154 : i32
      %add3A_156 = vector.broadcast %add3A_155 : i32 to vector<16xi32>
      %add3A_157 = arith.addi %add3A_156, %iota3A : vector<16xi32>
      tpu.vector_store_idx %arg6[%add3A_157], %get3A_21 : memref<5136xf32, #tpu.memory_space<vmem>>[vector<16xi32>], vector<16xf32>,
      %mul3A_158 = arith.constant 321 : i32
      %mul3A_159 = arith.muli %scan3A_97, %mul3A_158 : i32
      %add3A_160 = arith.constant 160 : i32
      %add3A_161 = arith.addi %mul3A_159, %add3A_160 : i32
      %add3A_162 = vector.broadcast %add3A_161 : i32 to vector<16xi32>
      %add3A_163 = arith.addi %add3A_162, %iota3A : vector<16xi32>
      tpu.vector_store_idx %arg6[%add3A_163], %get3A_23 : memref<5136xf32, #tpu.memory_space<vmem>>[vector<16xi32>], vector<16xf32>,
      %mul3A_164 = arith.constant 321 : i32
      %mul3A_165 = arith.muli %scan3A_97, %mul3A_164 : i32
      %add3A_166 = arith.constant 176 : i32
      %add3A_167 = arith.addi %mul3A_165, %add3A_166 : i32
      %add3A_168 = vector.broadcast %add3A_167 : i32 to vector<16xi32>
      %add3A_169 = arith.addi %add3A_168, %iota3A : vector<16xi32>
      tpu.vector_store_idx %arg6[%add3A_169], %get3A_25 : memref<5136xf32, #tpu.memory_space<vmem>>[vector<16xi32>], vector<16xf32>,
      %mul3A_170 = arith.constant 321 : i32
      %mul3A_171 = arith.muli %scan3A_97, %mul3A_170 : i32
      %add3A_172 = arith.constant 192 : i32
      %add3A_173 = arith.addi %mul3A_171, %add3A_172 : i32
      %add3A_174 = vector.broadcast %add3A_173 : i32 to vector<16xi32>
      %add3A_175 = arith.addi %add3A_174, %iota3A : vector<16xi32>
      tpu.vector_store_idx %arg6[%add3A_175], %get3A_27 : memref<5136xf32, #tpu.memory_space<vmem>>[vector<16xi32>], vector<16xf32>,
      %mul3A_176 = arith.constant 321 : i32
      %mul3A_177 = arith.muli %scan3A_97, %mul3A_176 : i32
      %add3A_178 = arith.constant 208 : i32
      %add3A_179 = arith.addi %mul3A_177, %add3A_178 : i32
      %add3A_180 = vector.broadcast %add3A_179 : i32 to vector<16xi32>
      %add3A_181 = arith.addi %add3A_180, %iota3A : vector<16xi32>
      tpu.vector_store_idx %arg6[%add3A_181], %get3A_29 : memref<5136xf32, #tpu.memory_space<vmem>>[vector<16xi32>], vector<16xf32>,
      %mul3A_182 = arith.constant 321 : i32
      %mul3A_183 = arith.muli %scan3A_97, %mul3A_182 : i32
      %add3A_184 = arith.constant 224 : i32
      %add3A_185 = arith.addi %mul3A_183, %add3A_184 : i32
      %add3A_186 = vector.broadcast %add3A_185 : i32 to vector<16xi32>
      %add3A_187 = arith.addi %add3A_186, %iota3A : vector<16xi32>
      tpu.vector_store_idx %arg6[%add3A_187], %get3A_31 : memref<5136xf32, #tpu.memory_space<vmem>>[vector<16xi32>], vector<16xf32>,
      %mul3A_188 = arith.constant 321 : i32
      %mul3A_189 = arith.muli %scan3A_97, %mul3A_188 : i32
      %add3A_190 = arith.constant 240 : i32
      %add3A_191 = arith.addi %mul3A_189, %add3A_190 : i32
      %add3A_192 = vector.broadcast %add3A_191 : i32 to vector<16xi32>
      %add3A_193 = arith.addi %add3A_192, %iota3A : vector<16xi32>
      tpu.vector_store_idx %arg6[%add3A_193], %get3A_33 : memref<5136xf32, #tpu.memory_space<vmem>>[vector<16xi32>], vector<16xf32>,
      %mul3A_194 = arith.constant 321 : i32
      %mul3A_195 = arith.muli %scan3A_97, %mul3A_194 : i32
      %add3A_196 = arith.constant 256 : i32
      %add3A_197 = arith.addi %mul3A_195, %add3A_196 : i32
      %add3A_198 = vector.broadcast %add3A_197 : i32 to vector<16xi32>
      %add3A_199 = arith.addi %add3A_198, %iota3A : vector<16xi32>
      tpu.vector_store_idx %arg6[%add3A_199], %get3A_35 : memref<5136xf32, #tpu.memory_space<vmem>>[vector<16xi32>], vector<16xf32>,
      %mul3A_200 = arith.constant 321 : i32
      %mul3A_201 = arith.muli %scan3A_97, %mul3A_200 : i32
      %add3A_202 = arith.constant 272 : i32
      %add3A_203 = arith.addi %mul3A_201, %add3A_202 : i32
      %add3A_204 = vector.broadcast %add3A_203 : i32 to vector<16xi32>
      %add3A_205 = arith.addi %add3A_204, %iota3A : vector<16xi32>
      tpu.vector_store_idx %arg6[%add3A_205], %get3A_37 : memref<5136xf32, #tpu.memory_space<vmem>>[vector<16xi32>], vector<16xf32>,
      %mul3A_206 = arith.constant 321 : i32
      %mul3A_207 = arith.muli %scan3A_97, %mul3A_206 : i32
      %add3A_208 = arith.constant 288 : i32
      %add3A_209 = arith.addi %mul3A_207, %add3A_208 : i32
      %add3A_210 = vector.broadcast %add3A_209 : i32 to vector<16xi32>
      %add3A_211 = arith.addi %add3A_210, %iota3A : vector<16xi32>
      tpu.vector_store_idx %arg6[%add3A_211], %get3A_39 : memref<5136xf32, #tpu.memory_space<vmem>>[vector<16xi32>], vector<16xf32>,
      %mul3A_212 = arith.constant 321 : i32
      %mul3A_213 = arith.muli %scan3A_97, %mul3A_212 : i32
      %add3A_214 = arith.constant 304 : i32
      %add3A_215 = arith.addi %mul3A_213, %add3A_214 : i32
      %add3A_216 = vector.broadcast %add3A_215 : i32 to vector<16xi32>
      %add3A_217 = arith.addi %add3A_216, %iota3A : vector<16xi32>
      tpu.vector_store_idx %arg6[%add3A_217], %get3A_41 : memref<5136xf32, #tpu.memory_space<vmem>>[vector<16xi32>], vector<16xf32>,
    }
    %scan3A_46 = arith.constant 16 : i32
    %mul3A_47 = arith.constant 321 : i32
    %mul3A_48 = vector.broadcast %mul3A_47 : i32 to vector<16xi32>
    %mul3A_49 = arith.muli %iota3A, %mul3A_48 : vector<16xi32>
    %scan3A_50 = arith.constant 0 : i32
    %scan3A_51 = arith.constant 0 : i32
    %scan3A_52 = arith.constant 200 : i32
    %scan3A_53 = arith.addi %scan3A_51, %scan3A_52 : i32
    %scan3A_54 = arith.constant 1 : i32
    scf.for %scan3A_97 = %scan3A_51 to %scan3A_53 step %scan3A_54  : i32 {
      %rem3A = arith.constant 8 : i32
      %rem3A_98 = arith.remsi %scan3A_97, %rem3A : i32
      %sub3A = arith.subi %scan3A_97, %rem3A_98 : i32
      %multiple_of3A = tpu.assume_multiple %sub3A, 8 : i32
      %eq3A = arith.constant 0 : i32
      %eq3A_99 = arith.cmpi eq, %rem3A_98, %eq3A : i32
      %convert_element_type3A = arith.extui %eq3A_99 : i1 to i32
      %cond3A = arith.constant 0 : i32
      %cond3A_100 = arith.cmpi ne, %convert_element_type3A, %cond3A : i32
      scf.if %cond3A_100 {
        "tpu.region"() ({
          %run_scoped3A = tpu.sem_alloc : memref<!tpu.dma_semaphore, #tpu.memory_space<semaphore_mem>>
          %dma_start3A = tpu.memref_slice %arg2[%multiple_of3A, %mul3A_2] : memref<200x16384xi32, #tpu.memory_space<hbm>> -> memref<8x512xi32, #tpu.memory_space<hbm>>
          %dma_start3A_142 = tpu.memref_slice %arg2[%multiple_of3A, %mul3A_2] : memref<200x16384xi32, #tpu.memory_space<hbm>> -> memref<8x512xi32, #tpu.memory_space<hbm>>
          tpu.enqueue_dma source(%dma_start3A_142 : memref<8x512xi32, #tpu.memory_space<hbm>>) target(%arg7 : memref<8x512xi32, #tpu.memory_space<vmem>>) target_semaphore(%run_scoped3A : memref<!tpu.dma_semaphore, #tpu.memory_space<semaphore_mem>>)
          %dma_wait3A_143 = tpu.memref_slice %arg2[%multiple_of3A, %mul3A_2] : memref<200x16384xi32, #tpu.memory_space<hbm>> -> memref<8x512xi32, #tpu.memory_space<hbm>>
          %dma_wait3A_144 = tpu.memref_slice %arg2[%multiple_of3A, %mul3A_2] : memref<200x16384xi32, #tpu.memory_space<hbm>> -> memref<8x512xi32, #tpu.memory_space<hbm>>
          tpu.wait_dma2 semaphore(%run_scoped3A : memref<!tpu.dma_semaphore, #tpu.memory_space<semaphore_mem>>) src(%dma_wait3A_144 : memref<8x512xi32, #tpu.memory_space<hbm>>) dst(%arg7 : memref<8x512xi32, #tpu.memory_space<vmem>>)
          tpu.yield
        }) : () -> ()
      } else {
      }
      %rem3A_101 = arith.constant 3 : i32
      %rem3A_102 = arith.remsi %scan3A_97, %rem3A_101 : i32
      %eq3A_103 = arith.constant 0 : i32
      %eq3A_104 = arith.cmpi eq, %rem3A_102, %eq3A_103 : i32
      %ge3A = arith.constant 3 : i32
      %ge3A_105 = arith.cmpi sge, %scan3A_97, %ge3A : i32
      %and3A = arith.andi %eq3A_104, %ge3A_105 : i1
      %convert_element_type3A_106 = arith.extui %and3A : i1 to i32
      %cond3A_107 = arith.constant 0 : i32
      %cond3A_108 = arith.cmpi ne, %convert_element_type3A_106, %cond3A_107 : i32
      scf.if %cond3A_108 {
        %sub3A_142 = arith.constant 3 : i32
        %sub3A_143 = arith.subi %scan3A_97, %sub3A_142 : i32
        %dma_wait3A_144 = arith.constant 0 : i32
        %dma_wait3A_145 = arith.constant 0 : i32
        %dma_wait3A_146 = arith.constant 0 : i32
        %dma_wait3A_147 = tpu.memref_slice %arg8[%dma_wait3A_144, %dma_wait3A_145, %dma_wait3A_146] : memref<3x64x512xf32, #tpu.memory_space<vmem>> -> memref<1x64x512xf32, #tpu.memory_space<vmem>>
        %dma_wait3A_148 = arith.constant 0 : i32
        %dma_wait3A_149 = tpu.memref_slice %arg4[%sub3A_143, %dma_wait3A_148, %mul3A_2] : memref<200x64x16384xf32, #tpu.memory_space<hbm>> -> memref<1x64x512xf32, #tpu.memory_space<hbm>>
        %dma_wait3A_150 = arith.constant 0 : i32
        %dma_wait3A_151 = tpu.memref_slice %arg4[%sub3A_143, %dma_wait3A_150, %mul3A_2] : memref<200x64x16384xf32, #tpu.memory_space<hbm>> -> memref<1x64x512xf32, #tpu.memory_space<hbm>>
        %dma_wait3A_152 = arith.constant 0 : i32
        %dma_wait3A_153 = arith.constant 0 : i32
        %dma_wait3A_154 = arith.constant 0 : i32
        %dma_wait3A_155 = tpu.memref_slice %arg8[%dma_wait3A_152, %dma_wait3A_153, %dma_wait3A_154] : memref<3x64x512xf32, #tpu.memory_space<vmem>> -> memref<1x64x512xf32, #tpu.memory_space<vmem>>
        tpu.wait_dma2 semaphore(%arg9 : memref<!tpu.dma_semaphore, #tpu.memory_space<semaphore_mem>>) src(%dma_wait3A_155 : memref<1x64x512xf32, #tpu.memory_space<vmem>>) dst(%dma_wait3A_151 : memref<1x64x512xf32, #tpu.memory_space<hbm>>)
      } else {
      }
      %eq3A_109 = arith.constant 1 : i32
      %eq3A_110 = arith.cmpi eq, %rem3A_102, %eq3A_109 : i32
      %ge3A_111 = arith.constant 3 : i32
      %ge3A_112 = arith.cmpi sge, %scan3A_97, %ge3A_111 : i32
      %and3A_113 = arith.andi %eq3A_110, %ge3A_112 : i1
      %convert_element_type3A_114 = arith.extui %and3A_113 : i1 to i32
      %cond3A_115 = arith.constant 0 : i32
      %cond3A_116 = arith.cmpi ne, %convert_element_type3A_114, %cond3A_115 : i32
      scf.if %cond3A_116 {
        %sub3A_142 = arith.constant 3 : i32
        %sub3A_143 = arith.subi %scan3A_97, %sub3A_142 : i32
        %dma_wait3A_144 = arith.constant 1 : i32
        %dma_wait3A_145 = arith.constant 0 : i32
        %dma_wait3A_146 = arith.constant 0 : i32
        %dma_wait3A_147 = tpu.memref_slice %arg8[%dma_wait3A_144, %dma_wait3A_145, %dma_wait3A_146] : memref<3x64x512xf32, #tpu.memory_space<vmem>> -> memref<1x64x512xf32, #tpu.memory_space<vmem>>
        %dma_wait3A_148 = arith.constant 0 : i32
        %dma_wait3A_149 = tpu.memref_slice %arg4[%sub3A_143, %dma_wait3A_148, %mul3A_2] : memref<200x64x16384xf32, #tpu.memory_space<hbm>> -> memref<1x64x512xf32, #tpu.memory_space<hbm>>
        %dma_wait3A_150 = arith.constant 0 : i32
        %dma_wait3A_151 = tpu.memref_slice %arg4[%sub3A_143, %dma_wait3A_150, %mul3A_2] : memref<200x64x16384xf32, #tpu.memory_space<hbm>> -> memref<1x64x512xf32, #tpu.memory_space<hbm>>
        %dma_wait3A_152 = arith.constant 1 : i32
        %dma_wait3A_153 = arith.constant 0 : i32
        %dma_wait3A_154 = arith.constant 0 : i32
        %dma_wait3A_155 = tpu.memref_slice %arg8[%dma_wait3A_152, %dma_wait3A_153, %dma_wait3A_154] : memref<3x64x512xf32, #tpu.memory_space<vmem>> -> memref<1x64x512xf32, #tpu.memory_space<vmem>>
        tpu.wait_dma2 semaphore(%arg10 : memref<!tpu.dma_semaphore, #tpu.memory_space<semaphore_mem>>) src(%dma_wait3A_155 : memref<1x64x512xf32, #tpu.memory_space<vmem>>) dst(%dma_wait3A_151 : memref<1x64x512xf32, #tpu.memory_space<hbm>>)
      } else {
      }
      %eq3A_117 = arith.constant 2 : i32
      %eq3A_118 = arith.cmpi eq, %rem3A_102, %eq3A_117 : i32
      %ge3A_119 = arith.constant 3 : i32
      %ge3A_120 = arith.cmpi sge, %scan3A_97, %ge3A_119 : i32
      %and3A_121 = arith.andi %eq3A_118, %ge3A_120 : i1
      %convert_element_type3A_122 = arith.extui %and3A_121 : i1 to i32
      %cond3A_123 = arith.constant 0 : i32
      %cond3A_124 = arith.cmpi ne, %convert_element_type3A_122, %cond3A_123 : i32
      scf.if %cond3A_124 {
        %sub3A_142 = arith.constant 3 : i32
        %sub3A_143 = arith.subi %scan3A_97, %sub3A_142 : i32
        %dma_wait3A_144 = arith.constant 2 : i32
        %dma_wait3A_145 = arith.constant 0 : i32
        %dma_wait3A_146 = arith.constant 0 : i32
        %dma_wait3A_147 = tpu.memref_slice %arg8[%dma_wait3A_144, %dma_wait3A_145, %dma_wait3A_146] : memref<3x64x512xf32, #tpu.memory_space<vmem>> -> memref<1x64x512xf32, #tpu.memory_space<vmem>>
        %dma_wait3A_148 = arith.constant 0 : i32
        %dma_wait3A_149 = tpu.memref_slice %arg4[%sub3A_143, %dma_wait3A_148, %mul3A_2] : memref<200x64x16384xf32, #tpu.memory_space<hbm>> -> memref<1x64x512xf32, #tpu.memory_space<hbm>>
        %dma_wait3A_150 = arith.constant 0 : i32
        %dma_wait3A_151 = tpu.memref_slice %arg4[%sub3A_143, %dma_wait3A_150, %mul3A_2] : memref<200x64x16384xf32, #tpu.memory_space<hbm>> -> memref<1x64x512xf32, #tpu.memory_space<hbm>>
        %dma_wait3A_152 = arith.constant 2 : i32
        %dma_wait3A_153 = arith.constant 0 : i32
        %dma_wait3A_154 = arith.constant 0 : i32
        %dma_wait3A_155 = tpu.memref_slice %arg8[%dma_wait3A_152, %dma_wait3A_153, %dma_wait3A_154] : memref<3x64x512xf32, #tpu.memory_space<vmem>> -> memref<1x64x512xf32, #tpu.memory_space<vmem>>
        tpu.wait_dma2 semaphore(%arg11 : memref<!tpu.dma_semaphore, #tpu.memory_space<semaphore_mem>>) src(%dma_wait3A_155 : memref<1x64x512xf32, #tpu.memory_space<vmem>>) dst(%dma_wait3A_151 : memref<1x64x512xf32, #tpu.memory_space<hbm>>)
      } else {
      }
      %parallel_loop3A = arith.constant 0 : i32
      %parallel_loop3A_125 = arith.constant 32 : i32
      %parallel_loop3A_126 = arith.constant 1 : i32
      scf.for %parallel_loop3A_142 = %parallel_loop3A to %parallel_loop3A_125 step %parallel_loop3A_126  : i32 {
        %parallel_loop3A_143 = arith.constant 16 : i32
        %parallel_loop3A_144 = arith.muli %parallel_loop3A_142, %parallel_loop3A_143 : i32
        %parallel_loop3A_145 = tpu.assume_multiple %parallel_loop3A_144, 16 : i32
        %parallel_loop3A_146 = arith.index_cast %rem3A_98 : i32 to index
        %parallel_loop3A_147 = arith.index_cast %parallel_loop3A_145 : i32 to index
        %parallel_loop3A_148 = tpu.vector_load %arg7[%parallel_loop3A_146, %parallel_loop3A_147] {strides = array<i32>} : memref<8x512xi32, #tpu.memory_space<vmem>>, vector<16xi32>,
        %parallel_loop3A_149 = arith.constant 64 : i32
        %parallel_loop3A_150 = vector.broadcast %parallel_loop3A_149 : i32 to vector<16xi32>
        %parallel_loop3A_151 = arith.muli %parallel_loop3A_148, %parallel_loop3A_150 : vector<16xi32>
        %parallel_loop3A_152 = arith.addi %mul3A_49, %parallel_loop3A_151 : vector<16xi32>
        %parallel_loop3A_153 = arith.constant 0 : i32
        %parallel_loop3A_154 = vector.broadcast %parallel_loop3A_153 : i32 to vector<16xi32>
        %parallel_loop3A_155 = arith.addi %parallel_loop3A_152, %parallel_loop3A_154 : vector<16xi32>
        %parallel_loop3A_156 = tpu.vector_load_idx %arg6[%parallel_loop3A_155] : memref<5136xf32, #tpu.memory_space<vmem>>[vector<16xi32>], vector<16xf32>,
        %parallel_loop3A_157 = arith.constant 0 : i32
        %parallel_loop3A_158 = arith.index_cast %rem3A_102 : i32 to index
        %parallel_loop3A_159 = arith.index_cast %parallel_loop3A_157 : i32 to index
        %parallel_loop3A_160 = arith.index_cast %parallel_loop3A_145 : i32 to index
        %parallel_loop3A_161 = tpu.vector_load %arg8[%parallel_loop3A_158, %parallel_loop3A_159, %parallel_loop3A_160] {strides = array<i32>} : memref<3x64x512xf32, #tpu.memory_space<vmem>>, vector<16xf32>,
        tpu.vector_store %arg8[%parallel_loop3A_158, %parallel_loop3A_159, %parallel_loop3A_160], %parallel_loop3A_156 {strides = array<i32>} : memref<3x64x512xf32, #tpu.memory_space<vmem>>, vector<16xf32>,
        %parallel_loop3A_162 = arith.constant 1 : i32
        %parallel_loop3A_163 = vector.broadcast %parallel_loop3A_162 : i32 to vector<16xi32>
        %parallel_loop3A_164 = arith.addi %parallel_loop3A_152, %parallel_loop3A_163 : vector<16xi32>
        %parallel_loop3A_165 = tpu.vector_load_idx %arg6[%parallel_loop3A_164] : memref<5136xf32, #tpu.memory_space<vmem>>[vector<16xi32>], vector<16xf32>,
        %parallel_loop3A_166 = arith.constant 1 : i32
        %parallel_loop3A_167 = arith.index_cast %rem3A_102 : i32 to index
        %parallel_loop3A_168 = arith.index_cast %parallel_loop3A_166 : i32 to index
        %parallel_loop3A_169 = arith.index_cast %parallel_loop3A_145 : i32 to index
        %parallel_loop3A_170 = tpu.vector_load %arg8[%parallel_loop3A_167, %parallel_loop3A_168, %parallel_loop3A_169] {strides = array<i32>} : memref<3x64x512xf32, #tpu.memory_space<vmem>>, vector<16xf32>,
        tpu.vector_store %arg8[%parallel_loop3A_167, %parallel_loop3A_168, %parallel_loop3A_169], %parallel_loop3A_165 {strides = array<i32>} : memref<3x64x512xf32, #tpu.memory_space<vmem>>, vector<16xf32>,
        %parallel_loop3A_171 = arith.constant 2 : i32
        %parallel_loop3A_172 = vector.broadcast %parallel_loop3A_171 : i32 to vector<16xi32>
        %parallel_loop3A_173 = arith.addi %parallel_loop3A_152, %parallel_loop3A_172 : vector<16xi32>
        %parallel_loop3A_174 = tpu.vector_load_idx %arg6[%parallel_loop3A_173] : memref<5136xf32, #tpu.memory_space<vmem>>[vector<16xi32>], vector<16xf32>,
        %parallel_loop3A_175 = arith.constant 2 : i32
        %parallel_loop3A_176 = arith.index_cast %rem3A_102 : i32 to index
        %parallel_loop3A_177 = arith.index_cast %parallel_loop3A_175 : i32 to index
        %parallel_loop3A_178 = arith.index_cast %parallel_loop3A_145 : i32 to index
        %parallel_loop3A_179 = tpu.vector_load %arg8[%parallel_loop3A_176, %parallel_loop3A_177, %parallel_loop3A_178] {strides = array<i32>} : memref<3x64x512xf32, #tpu.memory_space<vmem>>, vector<16xf32>,
        tpu.vector_store %arg8[%parallel_loop3A_176, %parallel_loop3A_177, %parallel_loop3A_178], %parallel_loop3A_174 {strides = array<i32>} : memref<3x64x512xf32, #tpu.memory_space<vmem>>, vector<16xf32>,
        %parallel_loop3A_180 = arith.constant 3 : i32
        %parallel_loop3A_181 = vector.broadcast %parallel_loop3A_180 : i32 to vector<16xi32>
        %parallel_loop3A_182 = arith.addi %parallel_loop3A_152, %parallel_loop3A_181 : vector<16xi32>
        %parallel_loop3A_183 = tpu.vector_load_idx %arg6[%parallel_loop3A_182] : memref<5136xf32, #tpu.memory_space<vmem>>[vector<16xi32>], vector<16xf32>,
        %parallel_loop3A_184 = arith.constant 3 : i32
        %parallel_loop3A_185 = arith.index_cast %rem3A_102 : i32 to index
        %parallel_loop3A_186 = arith.index_cast %parallel_loop3A_184 : i32 to index
        %parallel_loop3A_187 = arith.index_cast %parallel_loop3A_145 : i32 to index
        %parallel_loop3A_188 = tpu.vector_load %arg8[%parallel_loop3A_185, %parallel_loop3A_186, %parallel_loop3A_187] {strides = array<i32>} : memref<3x64x512xf32, #tpu.memory_space<vmem>>, vector<16xf32>,
        tpu.vector_store %arg8[%parallel_loop3A_185, %parallel_loop3A_186, %parallel_loop3A_187], %parallel_loop3A_183 {strides = array<i32>} : memref<3x64x512xf32, #tpu.memory_space<vmem>>, vector<16xf32>,
        %parallel_loop3A_189 = arith.constant 4 : i32
        %parallel_loop3A_190 = vector.broadcast %parallel_loop3A_189 : i32 to vector<16xi32>
        %parallel_loop3A_191 = arith.addi %parallel_loop3A_152, %parallel_loop3A_190 : vector<16xi32>
        %parallel_loop3A_192 = tpu.vector_load_idx %arg6[%parallel_loop3A_191] : memref<5136xf32, #tpu.memory_space<vmem>>[vector<16xi32>], vector<16xf32>,
        %parallel_loop3A_193 = arith.constant 4 : i32
        %parallel_loop3A_194 = arith.index_cast %rem3A_102 : i32 to index
        %parallel_loop3A_195 = arith.index_cast %parallel_loop3A_193 : i32 to index
        %parallel_loop3A_196 = arith.index_cast %parallel_loop3A_145 : i32 to index
        %parallel_loop3A_197 = tpu.vector_load %arg8[%parallel_loop3A_194, %parallel_loop3A_195, %parallel_loop3A_196] {strides = array<i32>} : memref<3x64x512xf32, #tpu.memory_space<vmem>>, vector<16xf32>,
        tpu.vector_store %arg8[%parallel_loop3A_194, %parallel_loop3A_195, %parallel_loop3A_196], %parallel_loop3A_192 {strides = array<i32>} : memref<3x64x512xf32, #tpu.memory_space<vmem>>, vector<16xf32>,
        %parallel_loop3A_198 = arith.constant 5 : i32
        %parallel_loop3A_199 = vector.broadcast %parallel_loop3A_198 : i32 to vector<16xi32>
        %parallel_loop3A_200 = arith.addi %parallel_loop3A_152, %parallel_loop3A_199 : vector<16xi32>
        %parallel_loop3A_201 = tpu.vector_load_idx %arg6[%parallel_loop3A_200] : memref<5136xf32, #tpu.memory_space<vmem>>[vector<16xi32>], vector<16xf32>,
        %parallel_loop3A_202 = arith.constant 5 : i32
        %parallel_loop3A_203 = arith.index_cast %rem3A_102 : i32 to index
        %parallel_loop3A_204 = arith.index_cast %parallel_loop3A_202 : i32 to index
        %parallel_loop3A_205 = arith.index_cast %parallel_loop3A_145 : i32 to index
        %parallel_loop3A_206 = tpu.vector_load %arg8[%parallel_loop3A_203, %parallel_loop3A_204, %parallel_loop3A_205] {strides = array<i32>} : memref<3x64x512xf32, #tpu.memory_space<vmem>>, vector<16xf32>,
        tpu.vector_store %arg8[%parallel_loop3A_203, %parallel_loop3A_204, %parallel_loop3A_205], %parallel_loop3A_201 {strides = array<i32>} : memref<3x64x512xf32, #tpu.memory_space<vmem>>, vector<16xf32>,
        %parallel_loop3A_207 = arith.constant 6 : i32
        %parallel_loop3A_208 = vector.broadcast %parallel_loop3A_207 : i32 to vector<16xi32>
        %parallel_loop3A_209 = arith.addi %parallel_loop3A_152, %parallel_loop3A_208 : vector<16xi32>
        %parallel_loop3A_210 = tpu.vector_load_idx %arg6[%parallel_loop3A_209] : memref<5136xf32, #tpu.memory_space<vmem>>[vector<16xi32>], vector<16xf32>,
        %parallel_loop3A_211 = arith.constant 6 : i32
        %parallel_loop3A_212 = arith.index_cast %rem3A_102 : i32 to index
        %parallel_loop3A_213 = arith.index_cast %parallel_loop3A_211 : i32 to index
        %parallel_loop3A_214 = arith.index_cast %parallel_loop3A_145 : i32 to index
        %parallel_loop3A_215 = tpu.vector_load %arg8[%parallel_loop3A_212, %parallel_loop3A_213, %parallel_loop3A_214] {strides = array<i32>} : memref<3x64x512xf32, #tpu.memory_space<vmem>>, vector<16xf32>,
        tpu.vector_store %arg8[%parallel_loop3A_212, %parallel_loop3A_213, %parallel_loop3A_214], %parallel_loop3A_210 {strides = array<i32>} : memref<3x64x512xf32, #tpu.memory_space<vmem>>, vector<16xf32>,
        %parallel_loop3A_216 = arith.constant 7 : i32
        %parallel_loop3A_217 = vector.broadcast %parallel_loop3A_216 : i32 to vector<16xi32>
        %parallel_loop3A_218 = arith.addi %parallel_loop3A_152, %parallel_loop3A_217 : vector<16xi32>
        %parallel_loop3A_219 = tpu.vector_load_idx %arg6[%parallel_loop3A_218] : memref<5136xf32, #tpu.memory_space<vmem>>[vector<16xi32>], vector<16xf32>,
        %parallel_loop3A_220 = arith.constant 7 : i32
        %parallel_loop3A_221 = arith.index_cast %rem3A_102 : i32 to index
        %parallel_loop3A_222 = arith.index_cast %parallel_loop3A_220 : i32 to index
        %parallel_loop3A_223 = arith.index_cast %parallel_loop3A_145 : i32 to index
        %parallel_loop3A_224 = tpu.vector_load %arg8[%parallel_loop3A_221, %parallel_loop3A_222, %parallel_loop3A_223] {strides = array<i32>} : memref<3x64x512xf32, #tpu.memory_space<vmem>>, vector<16xf32>,
        tpu.vector_store %arg8[%parallel_loop3A_221, %parallel_loop3A_222, %parallel_loop3A_223], %parallel_loop3A_219 {strides = array<i32>} : memref<3x64x512xf32, #tpu.memory_space<vmem>>, vector<16xf32>,
        %parallel_loop3A_225 = arith.constant 8 : i32
        %parallel_loop3A_226 = vector.broadcast %parallel_loop3A_225 : i32 to vector<16xi32>
        %parallel_loop3A_227 = arith.addi %parallel_loop3A_152, %parallel_loop3A_226 : vector<16xi32>
        %parallel_loop3A_228 = tpu.vector_load_idx %arg6[%parallel_loop3A_227] : memref<5136xf32, #tpu.memory_space<vmem>>[vector<16xi32>], vector<16xf32>,
        %parallel_loop3A_229 = arith.constant 8 : i32
        %parallel_loop3A_230 = arith.index_cast %rem3A_102 : i32 to index
        %parallel_loop3A_231 = arith.index_cast %parallel_loop3A_229 : i32 to index
        %parallel_loop3A_232 = arith.index_cast %parallel_loop3A_145 : i32 to index
        %parallel_loop3A_233 = tpu.vector_load %arg8[%parallel_loop3A_230, %parallel_loop3A_231, %parallel_loop3A_232] {strides = array<i32>} : memref<3x64x512xf32, #tpu.memory_space<vmem>>, vector<16xf32>,
        tpu.vector_store %arg8[%parallel_loop3A_230, %parallel_loop3A_231, %parallel_loop3A_232], %parallel_loop3A_228 {strides = array<i32>} : memref<3x64x512xf32, #tpu.memory_space<vmem>>, vector<16xf32>,
        %parallel_loop3A_234 = arith.constant 9 : i32
        %parallel_loop3A_235 = vector.broadcast %parallel_loop3A_234 : i32 to vector<16xi32>
        %parallel_loop3A_236 = arith.addi %parallel_loop3A_152, %parallel_loop3A_235 : vector<16xi32>
        %parallel_loop3A_237 = tpu.vector_load_idx %arg6[%parallel_loop3A_236] : memref<5136xf32, #tpu.memory_space<vmem>>[vector<16xi32>], vector<16xf32>,
        %parallel_loop3A_238 = arith.constant 9 : i32
        %parallel_loop3A_239 = arith.index_cast %rem3A_102 : i32 to index
        %parallel_loop3A_240 = arith.index_cast %parallel_loop3A_238 : i32 to index
        %parallel_loop3A_241 = arith.index_cast %parallel_loop3A_145 : i32 to index
        %parallel_loop3A_242 = tpu.vector_load %arg8[%parallel_loop3A_239, %parallel_loop3A_240, %parallel_loop3A_241] {strides = array<i32>} : memref<3x64x512xf32, #tpu.memory_space<vmem>>, vector<16xf32>,
        tpu.vector_store %arg8[%parallel_loop3A_239, %parallel_loop3A_240, %parallel_loop3A_241], %parallel_loop3A_237 {strides = array<i32>} : memref<3x64x512xf32, #tpu.memory_space<vmem>>, vector<16xf32>,
        %parallel_loop3A_243 = arith.constant 10 : i32
        %parallel_loop3A_244 = vector.broadcast %parallel_loop3A_243 : i32 to vector<16xi32>
        %parallel_loop3A_245 = arith.addi %parallel_loop3A_152, %parallel_loop3A_244 : vector<16xi32>
        %parallel_loop3A_246 = tpu.vector_load_idx %arg6[%parallel_loop3A_245] : memref<5136xf32, #tpu.memory_space<vmem>>[vector<16xi32>], vector<16xf32>,
        %parallel_loop3A_247 = arith.constant 10 : i32
        %parallel_loop3A_248 = arith.index_cast %rem3A_102 : i32 to index
        %parallel_loop3A_249 = arith.index_cast %parallel_loop3A_247 : i32 to index
        %parallel_loop3A_250 = arith.index_cast %parallel_loop3A_145 : i32 to index
        %parallel_loop3A_251 = tpu.vector_load %arg8[%parallel_loop3A_248, %parallel_loop3A_249, %parallel_loop3A_250] {strides = array<i32>} : memref<3x64x512xf32, #tpu.memory_space<vmem>>, vector<16xf32>,
        tpu.vector_store %arg8[%parallel_loop3A_248, %parallel_loop3A_249, %parallel_loop3A_250], %parallel_loop3A_246 {strides = array<i32>} : memref<3x64x512xf32, #tpu.memory_space<vmem>>, vector<16xf32>,
        %parallel_loop3A_252 = arith.constant 11 : i32
        %parallel_loop3A_253 = vector.broadcast %parallel_loop3A_252 : i32 to vector<16xi32>
        %parallel_loop3A_254 = arith.addi %parallel_loop3A_152, %parallel_loop3A_253 : vector<16xi32>
        %parallel_loop3A_255 = tpu.vector_load_idx %arg6[%parallel_loop3A_254] : memref<5136xf32, #tpu.memory_space<vmem>>[vector<16xi32>], vector<16xf32>,
        %parallel_loop3A_256 = arith.constant 11 : i32
        %parallel_loop3A_257 = arith.index_cast %rem3A_102 : i32 to index
        %parallel_loop3A_258 = arith.index_cast %parallel_loop3A_256 : i32 to index
        %parallel_loop3A_259 = arith.index_cast %parallel_loop3A_145 : i32 to index
        %parallel_loop3A_260 = tpu.vector_load %arg8[%parallel_loop3A_257, %parallel_loop3A_258, %parallel_loop3A_259] {strides = array<i32>} : memref<3x64x512xf32, #tpu.memory_space<vmem>>, vector<16xf32>,
        tpu.vector_store %arg8[%parallel_loop3A_257, %parallel_loop3A_258, %parallel_loop3A_259], %parallel_loop3A_255 {strides = array<i32>} : memref<3x64x512xf32, #tpu.memory_space<vmem>>, vector<16xf32>,
        %parallel_loop3A_261 = arith.constant 12 : i32
        %parallel_loop3A_262 = vector.broadcast %parallel_loop3A_261 : i32 to vector<16xi32>
        %parallel_loop3A_263 = arith.addi %parallel_loop3A_152, %parallel_loop3A_262 : vector<16xi32>
        %parallel_loop3A_264 = tpu.vector_load_idx %arg6[%parallel_loop3A_263] : memref<5136xf32, #tpu.memory_space<vmem>>[vector<16xi32>], vector<16xf32>,
        %parallel_loop3A_265 = arith.constant 12 : i32
        %parallel_loop3A_266 = arith.index_cast %rem3A_102 : i32 to index
        %parallel_loop3A_267 = arith.index_cast %parallel_loop3A_265 : i32 to index
        %parallel_loop3A_268 = arith.index_cast %parallel_loop3A_145 : i32 to index
        %parallel_loop3A_269 = tpu.vector_load %arg8[%parallel_loop3A_266, %parallel_loop3A_267, %parallel_loop3A_268] {strides = array<i32>} : memref<3x64x512xf32, #tpu.memory_space<vmem>>, vector<16xf32>,
        tpu.vector_store %arg8[%parallel_loop3A_266, %parallel_loop3A_267, %parallel_loop3A_268], %parallel_loop3A_264 {strides = array<i32>} : memref<3x64x512xf32, #tpu.memory_space<vmem>>, vector<16xf32>,
        %parallel_loop3A_270 = arith.constant 13 : i32
        %parallel_loop3A_271 = vector.broadcast %parallel_loop3A_270 : i32 to vector<16xi32>
        %parallel_loop3A_272 = arith.addi %parallel_loop3A_152, %parallel_loop3A_271 : vector<16xi32>
        %parallel_loop3A_273 = tpu.vector_load_idx %arg6[%parallel_loop3A_272] : memref<5136xf32, #tpu.memory_space<vmem>>[vector<16xi32>], vector<16xf32>,
        %parallel_loop3A_274 = arith.constant 13 : i32
        %parallel_loop3A_275 = arith.index_cast %rem3A_102 : i32 to index
        %parallel_loop3A_276 = arith.index_cast %parallel_loop3A_274 : i32 to index
        %parallel_loop3A_277 = arith.index_cast %parallel_loop3A_145 : i32 to index
        %parallel_loop3A_278 = tpu.vector_load %arg8[%parallel_loop3A_275, %parallel_loop3A_276, %parallel_loop3A_277] {strides = array<i32>} : memref<3x64x512xf32, #tpu.memory_space<vmem>>, vector<16xf32>,
        tpu.vector_store %arg8[%parallel_loop3A_275, %parallel_loop3A_276, %parallel_loop3A_277], %parallel_loop3A_273 {strides = array<i32>} : memref<3x64x512xf32, #tpu.memory_space<vmem>>, vector<16xf32>,
        %parallel_loop3A_279 = arith.constant 14 : i32
        %parallel_loop3A_280 = vector.broadcast %parallel_loop3A_279 : i32 to vector<16xi32>
        %parallel_loop3A_281 = arith.addi %parallel_loop3A_152, %parallel_loop3A_280 : vector<16xi32>
        %parallel_loop3A_282 = tpu.vector_load_idx %arg6[%parallel_loop3A_281] : memref<5136xf32, #tpu.memory_space<vmem>>[vector<16xi32>], vector<16xf32>,
        %parallel_loop3A_283 = arith.constant 14 : i32
        %parallel_loop3A_284 = arith.index_cast %rem3A_102 : i32 to index
        %parallel_loop3A_285 = arith.index_cast %parallel_loop3A_283 : i32 to index
        %parallel_loop3A_286 = arith.index_cast %parallel_loop3A_145 : i32 to index
        %parallel_loop3A_287 = tpu.vector_load %arg8[%parallel_loop3A_284, %parallel_loop3A_285, %parallel_loop3A_286] {strides = array<i32>} : memref<3x64x512xf32, #tpu.memory_space<vmem>>, vector<16xf32>,
        tpu.vector_store %arg8[%parallel_loop3A_284, %parallel_loop3A_285, %parallel_loop3A_286], %parallel_loop3A_282 {strides = array<i32>} : memref<3x64x512xf32, #tpu.memory_space<vmem>>, vector<16xf32>,
        %parallel_loop3A_288 = arith.constant 15 : i32
        %parallel_loop3A_289 = vector.broadcast %parallel_loop3A_288 : i32 to vector<16xi32>
        %parallel_loop3A_290 = arith.addi %parallel_loop3A_152, %parallel_loop3A_289 : vector<16xi32>
        %parallel_loop3A_291 = tpu.vector_load_idx %arg6[%parallel_loop3A_290] : memref<5136xf32, #tpu.memory_space<vmem>>[vector<16xi32>], vector<16xf32>,
        %parallel_loop3A_292 = arith.constant 15 : i32
        %parallel_loop3A_293 = arith.index_cast %rem3A_102 : i32 to index
        %parallel_loop3A_294 = arith.index_cast %parallel_loop3A_292 : i32 to index
        %parallel_loop3A_295 = arith.index_cast %parallel_loop3A_145 : i32 to index
        %parallel_loop3A_296 = tpu.vector_load %arg8[%parallel_loop3A_293, %parallel_loop3A_294, %parallel_loop3A_295] {strides = array<i32>} : memref<3x64x512xf32, #tpu.memory_space<vmem>>, vector<16xf32>,
        tpu.vector_store %arg8[%parallel_loop3A_293, %parallel_loop3A_294, %parallel_loop3A_295], %parallel_loop3A_291 {strides = array<i32>} : memref<3x64x512xf32, #tpu.memory_space<vmem>>, vector<16xf32>,
        %parallel_loop3A_297 = arith.constant 16 : i32
        %parallel_loop3A_298 = vector.broadcast %parallel_loop3A_297 : i32 to vector<16xi32>
        %parallel_loop3A_299 = arith.addi %parallel_loop3A_152, %parallel_loop3A_298 : vector<16xi32>
        %parallel_loop3A_300 = tpu.vector_load_idx %arg6[%parallel_loop3A_299] : memref<5136xf32, #tpu.memory_space<vmem>>[vector<16xi32>], vector<16xf32>,
        %parallel_loop3A_301 = arith.constant 16 : i32
        %parallel_loop3A_302 = arith.index_cast %rem3A_102 : i32 to index
        %parallel_loop3A_303 = arith.index_cast %parallel_loop3A_301 : i32 to index
        %parallel_loop3A_304 = arith.index_cast %parallel_loop3A_145 : i32 to index
        %parallel_loop3A_305 = tpu.vector_load %arg8[%parallel_loop3A_302, %parallel_loop3A_303, %parallel_loop3A_304] {strides = array<i32>} : memref<3x64x512xf32, #tpu.memory_space<vmem>>, vector<16xf32>,
        tpu.vector_store %arg8[%parallel_loop3A_302, %parallel_loop3A_303, %parallel_loop3A_304], %parallel_loop3A_300 {strides = array<i32>} : memref<3x64x512xf32, #tpu.memory_space<vmem>>, vector<16xf32>,
        %parallel_loop3A_306 = arith.constant 17 : i32
        %parallel_loop3A_307 = vector.broadcast %parallel_loop3A_306 : i32 to vector<16xi32>
        %parallel_loop3A_308 = arith.addi %parallel_loop3A_152, %parallel_loop3A_307 : vector<16xi32>
        %parallel_loop3A_309 = tpu.vector_load_idx %arg6[%parallel_loop3A_308] : memref<5136xf32, #tpu.memory_space<vmem>>[vector<16xi32>], vector<16xf32>,
        %parallel_loop3A_310 = arith.constant 17 : i32
        %parallel_loop3A_311 = arith.index_cast %rem3A_102 : i32 to index
        %parallel_loop3A_312 = arith.index_cast %parallel_loop3A_310 : i32 to index
        %parallel_loop3A_313 = arith.index_cast %parallel_loop3A_145 : i32 to index
        %parallel_loop3A_314 = tpu.vector_load %arg8[%parallel_loop3A_311, %parallel_loop3A_312, %parallel_loop3A_313] {strides = array<i32>} : memref<3x64x512xf32, #tpu.memory_space<vmem>>, vector<16xf32>,
        tpu.vector_store %arg8[%parallel_loop3A_311, %parallel_loop3A_312, %parallel_loop3A_313], %parallel_loop3A_309 {strides = array<i32>} : memref<3x64x512xf32, #tpu.memory_space<vmem>>, vector<16xf32>,
        %parallel_loop3A_315 = arith.constant 18 : i32
        %parallel_loop3A_316 = vector.broadcast %parallel_loop3A_315 : i32 to vector<16xi32>
        %parallel_loop3A_317 = arith.addi %parallel_loop3A_152, %parallel_loop3A_316 : vector<16xi32>
        %parallel_loop3A_318 = tpu.vector_load_idx %arg6[%parallel_loop3A_317] : memref<5136xf32, #tpu.memory_space<vmem>>[vector<16xi32>], vector<16xf32>,
        %parallel_loop3A_319 = arith.constant 18 : i32
        %parallel_loop3A_320 = arith.index_cast %rem3A_102 : i32 to index
        %parallel_loop3A_321 = arith.index_cast %parallel_loop3A_319 : i32 to index
        %parallel_loop3A_322 = arith.index_cast %parallel_loop3A_145 : i32 to index
        %parallel_loop3A_323 = tpu.vector_load %arg8[%parallel_loop3A_320, %parallel_loop3A_321, %parallel_loop3A_322] {strides = array<i32>} : memref<3x64x512xf32, #tpu.memory_space<vmem>>, vector<16xf32>,
        tpu.vector_store %arg8[%parallel_loop3A_320, %parallel_loop3A_321, %parallel_loop3A_322], %parallel_loop3A_318 {strides = array<i32>} : memref<3x64x512xf32, #tpu.memory_space<vmem>>, vector<16xf32>,
        %parallel_loop3A_324 = arith.constant 19 : i32
        %parallel_loop3A_325 = vector.broadcast %parallel_loop3A_324 : i32 to vector<16xi32>
        %parallel_loop3A_326 = arith.addi %parallel_loop3A_152, %parallel_loop3A_325 : vector<16xi32>
        %parallel_loop3A_327 = tpu.vector_load_idx %arg6[%parallel_loop3A_326] : memref<5136xf32, #tpu.memory_space<vmem>>[vector<16xi32>], vector<16xf32>,
        %parallel_loop3A_328 = arith.constant 19 : i32
        %parallel_loop3A_329 = arith.index_cast %rem3A_102 : i32 to index
        %parallel_loop3A_330 = arith.index_cast %parallel_loop3A_328 : i32 to index
        %parallel_loop3A_331 = arith.index_cast %parallel_loop3A_145 : i32 to index
        %parallel_loop3A_332 = tpu.vector_load %arg8[%parallel_loop3A_329, %parallel_loop3A_330, %parallel_loop3A_331] {strides = array<i32>} : memref<3x64x512xf32, #tpu.memory_space<vmem>>, vector<16xf32>,
        tpu.vector_store %arg8[%parallel_loop3A_329, %parallel_loop3A_330, %parallel_loop3A_331], %parallel_loop3A_327 {strides = array<i32>} : memref<3x64x512xf32, #tpu.memory_space<vmem>>, vector<16xf32>,
        %parallel_loop3A_333 = arith.constant 20 : i32
        %parallel_loop3A_334 = vector.broadcast %parallel_loop3A_333 : i32 to vector<16xi32>
        %parallel_loop3A_335 = arith.addi %parallel_loop3A_152, %parallel_loop3A_334 : vector<16xi32>
        %parallel_loop3A_336 = tpu.vector_load_idx %arg6[%parallel_loop3A_335] : memref<5136xf32, #tpu.memory_space<vmem>>[vector<16xi32>], vector<16xf32>,
        %parallel_loop3A_337 = arith.constant 20 : i32
        %parallel_loop3A_338 = arith.index_cast %rem3A_102 : i32 to index
        %parallel_loop3A_339 = arith.index_cast %parallel_loop3A_337 : i32 to index
        %parallel_loop3A_340 = arith.index_cast %parallel_loop3A_145 : i32 to index
        %parallel_loop3A_341 = tpu.vector_load %arg8[%parallel_loop3A_338, %parallel_loop3A_339, %parallel_loop3A_340] {strides = array<i32>} : memref<3x64x512xf32, #tpu.memory_space<vmem>>, vector<16xf32>,
        tpu.vector_store %arg8[%parallel_loop3A_338, %parallel_loop3A_339, %parallel_loop3A_340], %parallel_loop3A_336 {strides = array<i32>} : memref<3x64x512xf32, #tpu.memory_space<vmem>>, vector<16xf32>,
        %parallel_loop3A_342 = arith.constant 21 : i32
        %parallel_loop3A_343 = vector.broadcast %parallel_loop3A_342 : i32 to vector<16xi32>
        %parallel_loop3A_344 = arith.addi %parallel_loop3A_152, %parallel_loop3A_343 : vector<16xi32>
        %parallel_loop3A_345 = tpu.vector_load_idx %arg6[%parallel_loop3A_344] : memref<5136xf32, #tpu.memory_space<vmem>>[vector<16xi32>], vector<16xf32>,
        %parallel_loop3A_346 = arith.constant 21 : i32
        %parallel_loop3A_347 = arith.index_cast %rem3A_102 : i32 to index
        %parallel_loop3A_348 = arith.index_cast %parallel_loop3A_346 : i32 to index
        %parallel_loop3A_349 = arith.index_cast %parallel_loop3A_145 : i32 to index
        %parallel_loop3A_350 = tpu.vector_load %arg8[%parallel_loop3A_347, %parallel_loop3A_348, %parallel_loop3A_349] {strides = array<i32>} : memref<3x64x512xf32, #tpu.memory_space<vmem>>, vector<16xf32>,
        tpu.vector_store %arg8[%parallel_loop3A_347, %parallel_loop3A_348, %parallel_loop3A_349], %parallel_loop3A_345 {strides = array<i32>} : memref<3x64x512xf32, #tpu.memory_space<vmem>>, vector<16xf32>,
        %parallel_loop3A_351 = arith.constant 22 : i32
        %parallel_loop3A_352 = vector.broadcast %parallel_loop3A_351 : i32 to vector<16xi32>
        %parallel_loop3A_353 = arith.addi %parallel_loop3A_152, %parallel_loop3A_352 : vector<16xi32>
        %parallel_loop3A_354 = tpu.vector_load_idx %arg6[%parallel_loop3A_353] : memref<5136xf32, #tpu.memory_space<vmem>>[vector<16xi32>], vector<16xf32>,
        %parallel_loop3A_355 = arith.constant 22 : i32
        %parallel_loop3A_356 = arith.index_cast %rem3A_102 : i32 to index
        %parallel_loop3A_357 = arith.index_cast %parallel_loop3A_355 : i32 to index
        %parallel_loop3A_358 = arith.index_cast %parallel_loop3A_145 : i32 to index
        %parallel_loop3A_359 = tpu.vector_load %arg8[%parallel_loop3A_356, %parallel_loop3A_357, %parallel_loop3A_358] {strides = array<i32>} : memref<3x64x512xf32, #tpu.memory_space<vmem>>, vector<16xf32>,
        tpu.vector_store %arg8[%parallel_loop3A_356, %parallel_loop3A_357, %parallel_loop3A_358], %parallel_loop3A_354 {strides = array<i32>} : memref<3x64x512xf32, #tpu.memory_space<vmem>>, vector<16xf32>,
        %parallel_loop3A_360 = arith.constant 23 : i32
        %parallel_loop3A_361 = vector.broadcast %parallel_loop3A_360 : i32 to vector<16xi32>
        %parallel_loop3A_362 = arith.addi %parallel_loop3A_152, %parallel_loop3A_361 : vector<16xi32>
        %parallel_loop3A_363 = tpu.vector_load_idx %arg6[%parallel_loop3A_362] : memref<5136xf32, #tpu.memory_space<vmem>>[vector<16xi32>], vector<16xf32>,
        %parallel_loop3A_364 = arith.constant 23 : i32
        %parallel_loop3A_365 = arith.index_cast %rem3A_102 : i32 to index
        %parallel_loop3A_366 = arith.index_cast %parallel_loop3A_364 : i32 to index
        %parallel_loop3A_367 = arith.index_cast %parallel_loop3A_145 : i32 to index
        %parallel_loop3A_368 = tpu.vector_load %arg8[%parallel_loop3A_365, %parallel_loop3A_366, %parallel_loop3A_367] {strides = array<i32>} : memref<3x64x512xf32, #tpu.memory_space<vmem>>, vector<16xf32>,
        tpu.vector_store %arg8[%parallel_loop3A_365, %parallel_loop3A_366, %parallel_loop3A_367], %parallel_loop3A_363 {strides = array<i32>} : memref<3x64x512xf32, #tpu.memory_space<vmem>>, vector<16xf32>,
        %parallel_loop3A_369 = arith.constant 24 : i32
        %parallel_loop3A_370 = vector.broadcast %parallel_loop3A_369 : i32 to vector<16xi32>
        %parallel_loop3A_371 = arith.addi %parallel_loop3A_152, %parallel_loop3A_370 : vector<16xi32>
        %parallel_loop3A_372 = tpu.vector_load_idx %arg6[%parallel_loop3A_371] : memref<5136xf32, #tpu.memory_space<vmem>>[vector<16xi32>], vector<16xf32>,
        %parallel_loop3A_373 = arith.constant 24 : i32
        %parallel_loop3A_374 = arith.index_cast %rem3A_102 : i32 to index
        %parallel_loop3A_375 = arith.index_cast %parallel_loop3A_373 : i32 to index
        %parallel_loop3A_376 = arith.index_cast %parallel_loop3A_145 : i32 to index
        %parallel_loop3A_377 = tpu.vector_load %arg8[%parallel_loop3A_374, %parallel_loop3A_375, %parallel_loop3A_376] {strides = array<i32>} : memref<3x64x512xf32, #tpu.memory_space<vmem>>, vector<16xf32>,
        tpu.vector_store %arg8[%parallel_loop3A_374, %parallel_loop3A_375, %parallel_loop3A_376], %parallel_loop3A_372 {strides = array<i32>} : memref<3x64x512xf32, #tpu.memory_space<vmem>>, vector<16xf32>,
        %parallel_loop3A_378 = arith.constant 25 : i32
        %parallel_loop3A_379 = vector.broadcast %parallel_loop3A_378 : i32 to vector<16xi32>
        %parallel_loop3A_380 = arith.addi %parallel_loop3A_152, %parallel_loop3A_379 : vector<16xi32>
        %parallel_loop3A_381 = tpu.vector_load_idx %arg6[%parallel_loop3A_380] : memref<5136xf32, #tpu.memory_space<vmem>>[vector<16xi32>], vector<16xf32>,
        %parallel_loop3A_382 = arith.constant 25 : i32
        %parallel_loop3A_383 = arith.index_cast %rem3A_102 : i32 to index
        %parallel_loop3A_384 = arith.index_cast %parallel_loop3A_382 : i32 to index
        %parallel_loop3A_385 = arith.index_cast %parallel_loop3A_145 : i32 to index
        %parallel_loop3A_386 = tpu.vector_load %arg8[%parallel_loop3A_383, %parallel_loop3A_384, %parallel_loop3A_385] {strides = array<i32>} : memref<3x64x512xf32, #tpu.memory_space<vmem>>, vector<16xf32>,
        tpu.vector_store %arg8[%parallel_loop3A_383, %parallel_loop3A_384, %parallel_loop3A_385], %parallel_loop3A_381 {strides = array<i32>} : memref<3x64x512xf32, #tpu.memory_space<vmem>>, vector<16xf32>,
        %parallel_loop3A_387 = arith.constant 26 : i32
        %parallel_loop3A_388 = vector.broadcast %parallel_loop3A_387 : i32 to vector<16xi32>
        %parallel_loop3A_389 = arith.addi %parallel_loop3A_152, %parallel_loop3A_388 : vector<16xi32>
        %parallel_loop3A_390 = tpu.vector_load_idx %arg6[%parallel_loop3A_389] : memref<5136xf32, #tpu.memory_space<vmem>>[vector<16xi32>], vector<16xf32>,
        %parallel_loop3A_391 = arith.constant 26 : i32
        %parallel_loop3A_392 = arith.index_cast %rem3A_102 : i32 to index
        %parallel_loop3A_393 = arith.index_cast %parallel_loop3A_391 : i32 to index
        %parallel_loop3A_394 = arith.index_cast %parallel_loop3A_145 : i32 to index
        %parallel_loop3A_395 = tpu.vector_load %arg8[%parallel_loop3A_392, %parallel_loop3A_393, %parallel_loop3A_394] {strides = array<i32>} : memref<3x64x512xf32, #tpu.memory_space<vmem>>, vector<16xf32>,
        tpu.vector_store %arg8[%parallel_loop3A_392, %parallel_loop3A_393, %parallel_loop3A_394], %parallel_loop3A_390 {strides = array<i32>} : memref<3x64x512xf32, #tpu.memory_space<vmem>>, vector<16xf32>,
        %parallel_loop3A_396 = arith.constant 27 : i32
        %parallel_loop3A_397 = vector.broadcast %parallel_loop3A_396 : i32 to vector<16xi32>
        %parallel_loop3A_398 = arith.addi %parallel_loop3A_152, %parallel_loop3A_397 : vector<16xi32>
        %parallel_loop3A_399 = tpu.vector_load_idx %arg6[%parallel_loop3A_398] : memref<5136xf32, #tpu.memory_space<vmem>>[vector<16xi32>], vector<16xf32>,
        %parallel_loop3A_400 = arith.constant 27 : i32
        %parallel_loop3A_401 = arith.index_cast %rem3A_102 : i32 to index
        %parallel_loop3A_402 = arith.index_cast %parallel_loop3A_400 : i32 to index
        %parallel_loop3A_403 = arith.index_cast %parallel_loop3A_145 : i32 to index
        %parallel_loop3A_404 = tpu.vector_load %arg8[%parallel_loop3A_401, %parallel_loop3A_402, %parallel_loop3A_403] {strides = array<i32>} : memref<3x64x512xf32, #tpu.memory_space<vmem>>, vector<16xf32>,
        tpu.vector_store %arg8[%parallel_loop3A_401, %parallel_loop3A_402, %parallel_loop3A_403], %parallel_loop3A_399 {strides = array<i32>} : memref<3x64x512xf32, #tpu.memory_space<vmem>>, vector<16xf32>,
        %parallel_loop3A_405 = arith.constant 28 : i32
        %parallel_loop3A_406 = vector.broadcast %parallel_loop3A_405 : i32 to vector<16xi32>
        %parallel_loop3A_407 = arith.addi %parallel_loop3A_152, %parallel_loop3A_406 : vector<16xi32>
        %parallel_loop3A_408 = tpu.vector_load_idx %arg6[%parallel_loop3A_407] : memref<5136xf32, #tpu.memory_space<vmem>>[vector<16xi32>], vector<16xf32>,
        %parallel_loop3A_409 = arith.constant 28 : i32
        %parallel_loop3A_410 = arith.index_cast %rem3A_102 : i32 to index
        %parallel_loop3A_411 = arith.index_cast %parallel_loop3A_409 : i32 to index
        %parallel_loop3A_412 = arith.index_cast %parallel_loop3A_145 : i32 to index
        %parallel_loop3A_413 = tpu.vector_load %arg8[%parallel_loop3A_410, %parallel_loop3A_411, %parallel_loop3A_412] {strides = array<i32>} : memref<3x64x512xf32, #tpu.memory_space<vmem>>, vector<16xf32>,
        tpu.vector_store %arg8[%parallel_loop3A_410, %parallel_loop3A_411, %parallel_loop3A_412], %parallel_loop3A_408 {strides = array<i32>} : memref<3x64x512xf32, #tpu.memory_space<vmem>>, vector<16xf32>,
        %parallel_loop3A_414 = arith.constant 29 : i32
        %parallel_loop3A_415 = vector.broadcast %parallel_loop3A_414 : i32 to vector<16xi32>
        %parallel_loop3A_416 = arith.addi %parallel_loop3A_152, %parallel_loop3A_415 : vector<16xi32>
        %parallel_loop3A_417 = tpu.vector_load_idx %arg6[%parallel_loop3A_416] : memref<5136xf32, #tpu.memory_space<vmem>>[vector<16xi32>], vector<16xf32>,
        %parallel_loop3A_418 = arith.constant 29 : i32
        %parallel_loop3A_419 = arith.index_cast %rem3A_102 : i32 to index
        %parallel_loop3A_420 = arith.index_cast %parallel_loop3A_418 : i32 to index
        %parallel_loop3A_421 = arith.index_cast %parallel_loop3A_145 : i32 to index
        %parallel_loop3A_422 = tpu.vector_load %arg8[%parallel_loop3A_419, %parallel_loop3A_420, %parallel_loop3A_421] {strides = array<i32>} : memref<3x64x512xf32, #tpu.memory_space<vmem>>, vector<16xf32>,
        tpu.vector_store %arg8[%parallel_loop3A_419, %parallel_loop3A_420, %parallel_loop3A_421], %parallel_loop3A_417 {strides = array<i32>} : memref<3x64x512xf32, #tpu.memory_space<vmem>>, vector<16xf32>,
        %parallel_loop3A_423 = arith.constant 30 : i32
        %parallel_loop3A_424 = vector.broadcast %parallel_loop3A_423 : i32 to vector<16xi32>
        %parallel_loop3A_425 = arith.addi %parallel_loop3A_152, %parallel_loop3A_424 : vector<16xi32>
        %parallel_loop3A_426 = tpu.vector_load_idx %arg6[%parallel_loop3A_425] : memref<5136xf32, #tpu.memory_space<vmem>>[vector<16xi32>], vector<16xf32>,
        %parallel_loop3A_427 = arith.constant 30 : i32
        %parallel_loop3A_428 = arith.index_cast %rem3A_102 : i32 to index
        %parallel_loop3A_429 = arith.index_cast %parallel_loop3A_427 : i32 to index
        %parallel_loop3A_430 = arith.index_cast %parallel_loop3A_145 : i32 to index
        %parallel_loop3A_431 = tpu.vector_load %arg8[%parallel_loop3A_428, %parallel_loop3A_429, %parallel_loop3A_430] {strides = array<i32>} : memref<3x64x512xf32, #tpu.memory_space<vmem>>, vector<16xf32>,
        tpu.vector_store %arg8[%parallel_loop3A_428, %parallel_loop3A_429, %parallel_loop3A_430], %parallel_loop3A_426 {strides = array<i32>} : memref<3x64x512xf32, #tpu.memory_space<vmem>>, vector<16xf32>,
        %parallel_loop3A_432 = arith.constant 31 : i32
        %parallel_loop3A_433 = vector.broadcast %parallel_loop3A_432 : i32 to vector<16xi32>
        %parallel_loop3A_434 = arith.addi %parallel_loop3A_152, %parallel_loop3A_433 : vector<16xi32>
        %parallel_loop3A_435 = tpu.vector_load_idx %arg6[%parallel_loop3A_434] : memref<5136xf32, #tpu.memory_space<vmem>>[vector<16xi32>], vector<16xf32>,
        %parallel_loop3A_436 = arith.constant 31 : i32
        %parallel_loop3A_437 = arith.index_cast %rem3A_102 : i32 to index
        %parallel_loop3A_438 = arith.index_cast %parallel_loop3A_436 : i32 to index
        %parallel_loop3A_439 = arith.index_cast %parallel_loop3A_145 : i32 to index
        %parallel_loop3A_440 = tpu.vector_load %arg8[%parallel_loop3A_437, %parallel_loop3A_438, %parallel_loop3A_439] {strides = array<i32>} : memref<3x64x512xf32, #tpu.memory_space<vmem>>, vector<16xf32>,
        tpu.vector_store %arg8[%parallel_loop3A_437, %parallel_loop3A_438, %parallel_loop3A_439], %parallel_loop3A_435 {strides = array<i32>} : memref<3x64x512xf32, #tpu.memory_space<vmem>>, vector<16xf32>,
        %parallel_loop3A_441 = arith.constant 32 : i32
        %parallel_loop3A_442 = vector.broadcast %parallel_loop3A_441 : i32 to vector<16xi32>
        %parallel_loop3A_443 = arith.addi %parallel_loop3A_152, %parallel_loop3A_442 : vector<16xi32>
        %parallel_loop3A_444 = tpu.vector_load_idx %arg6[%parallel_loop3A_443] : memref<5136xf32, #tpu.memory_space<vmem>>[vector<16xi32>], vector<16xf32>,
        %parallel_loop3A_445 = arith.constant 32 : i32
        %parallel_loop3A_446 = arith.index_cast %rem3A_102 : i32 to index
        %parallel_loop3A_447 = arith.index_cast %parallel_loop3A_445 : i32 to index
        %parallel_loop3A_448 = arith.index_cast %parallel_loop3A_145 : i32 to index
        %parallel_loop3A_449 = tpu.vector_load %arg8[%parallel_loop3A_446, %parallel_loop3A_447, %parallel_loop3A_448] {strides = array<i32>} : memref<3x64x512xf32, #tpu.memory_space<vmem>>, vector<16xf32>,
        tpu.vector_store %arg8[%parallel_loop3A_446, %parallel_loop3A_447, %parallel_loop3A_448], %parallel_loop3A_444 {strides = array<i32>} : memref<3x64x512xf32, #tpu.memory_space<vmem>>, vector<16xf32>,
        %parallel_loop3A_450 = arith.constant 33 : i32
        %parallel_loop3A_451 = vector.broadcast %parallel_loop3A_450 : i32 to vector<16xi32>
        %parallel_loop3A_452 = arith.addi %parallel_loop3A_152, %parallel_loop3A_451 : vector<16xi32>
        %parallel_loop3A_453 = tpu.vector_load_idx %arg6[%parallel_loop3A_452] : memref<5136xf32, #tpu.memory_space<vmem>>[vector<16xi32>], vector<16xf32>,
        %parallel_loop3A_454 = arith.constant 33 : i32
        %parallel_loop3A_455 = arith.index_cast %rem3A_102 : i32 to index
        %parallel_loop3A_456 = arith.index_cast %parallel_loop3A_454 : i32 to index
        %parallel_loop3A_457 = arith.index_cast %parallel_loop3A_145 : i32 to index
        %parallel_loop3A_458 = tpu.vector_load %arg8[%parallel_loop3A_455, %parallel_loop3A_456, %parallel_loop3A_457] {strides = array<i32>} : memref<3x64x512xf32, #tpu.memory_space<vmem>>, vector<16xf32>,
        tpu.vector_store %arg8[%parallel_loop3A_455, %parallel_loop3A_456, %parallel_loop3A_457], %parallel_loop3A_453 {strides = array<i32>} : memref<3x64x512xf32, #tpu.memory_space<vmem>>, vector<16xf32>,
        %parallel_loop3A_459 = arith.constant 34 : i32
        %parallel_loop3A_460 = vector.broadcast %parallel_loop3A_459 : i32 to vector<16xi32>
        %parallel_loop3A_461 = arith.addi %parallel_loop3A_152, %parallel_loop3A_460 : vector<16xi32>
        %parallel_loop3A_462 = tpu.vector_load_idx %arg6[%parallel_loop3A_461] : memref<5136xf32, #tpu.memory_space<vmem>>[vector<16xi32>], vector<16xf32>,
        %parallel_loop3A_463 = arith.constant 34 : i32
        %parallel_loop3A_464 = arith.index_cast %rem3A_102 : i32 to index
        %parallel_loop3A_465 = arith.index_cast %parallel_loop3A_463 : i32 to index
        %parallel_loop3A_466 = arith.index_cast %parallel_loop3A_145 : i32 to index
        %parallel_loop3A_467 = tpu.vector_load %arg8[%parallel_loop3A_464, %parallel_loop3A_465, %parallel_loop3A_466] {strides = array<i32>} : memref<3x64x512xf32, #tpu.memory_space<vmem>>, vector<16xf32>,
        tpu.vector_store %arg8[%parallel_loop3A_464, %parallel_loop3A_465, %parallel_loop3A_466], %parallel_loop3A_462 {strides = array<i32>} : memref<3x64x512xf32, #tpu.memory_space<vmem>>, vector<16xf32>,
        %parallel_loop3A_468 = arith.constant 35 : i32
        %parallel_loop3A_469 = vector.broadcast %parallel_loop3A_468 : i32 to vector<16xi32>
        %parallel_loop3A_470 = arith.addi %parallel_loop3A_152, %parallel_loop3A_469 : vector<16xi32>
        %parallel_loop3A_471 = tpu.vector_load_idx %arg6[%parallel_loop3A_470] : memref<5136xf32, #tpu.memory_space<vmem>>[vector<16xi32>], vector<16xf32>,
        %parallel_loop3A_472 = arith.constant 35 : i32
        %parallel_loop3A_473 = arith.index_cast %rem3A_102 : i32 to index
        %parallel_loop3A_474 = arith.index_cast %parallel_loop3A_472 : i32 to index
        %parallel_loop3A_475 = arith.index_cast %parallel_loop3A_145 : i32 to index
        %parallel_loop3A_476 = tpu.vector_load %arg8[%parallel_loop3A_473, %parallel_loop3A_474, %parallel_loop3A_475] {strides = array<i32>} : memref<3x64x512xf32, #tpu.memory_space<vmem>>, vector<16xf32>,
        tpu.vector_store %arg8[%parallel_loop3A_473, %parallel_loop3A_474, %parallel_loop3A_475], %parallel_loop3A_471 {strides = array<i32>} : memref<3x64x512xf32, #tpu.memory_space<vmem>>, vector<16xf32>,
        %parallel_loop3A_477 = arith.constant 36 : i32
        %parallel_loop3A_478 = vector.broadcast %parallel_loop3A_477 : i32 to vector<16xi32>
        %parallel_loop3A_479 = arith.addi %parallel_loop3A_152, %parallel_loop3A_478 : vector<16xi32>
        %parallel_loop3A_480 = tpu.vector_load_idx %arg6[%parallel_loop3A_479] : memref<5136xf32, #tpu.memory_space<vmem>>[vector<16xi32>], vector<16xf32>,
        %parallel_loop3A_481 = arith.constant 36 : i32
        %parallel_loop3A_482 = arith.index_cast %rem3A_102 : i32 to index
        %parallel_loop3A_483 = arith.index_cast %parallel_loop3A_481 : i32 to index
        %parallel_loop3A_484 = arith.index_cast %parallel_loop3A_145 : i32 to index
        %parallel_loop3A_485 = tpu.vector_load %arg8[%parallel_loop3A_482, %parallel_loop3A_483, %parallel_loop3A_484] {strides = array<i32>} : memref<3x64x512xf32, #tpu.memory_space<vmem>>, vector<16xf32>,
        tpu.vector_store %arg8[%parallel_loop3A_482, %parallel_loop3A_483, %parallel_loop3A_484], %parallel_loop3A_480 {strides = array<i32>} : memref<3x64x512xf32, #tpu.memory_space<vmem>>, vector<16xf32>,
        %parallel_loop3A_486 = arith.constant 37 : i32
        %parallel_loop3A_487 = vector.broadcast %parallel_loop3A_486 : i32 to vector<16xi32>
        %parallel_loop3A_488 = arith.addi %parallel_loop3A_152, %parallel_loop3A_487 : vector<16xi32>
        %parallel_loop3A_489 = tpu.vector_load_idx %arg6[%parallel_loop3A_488] : memref<5136xf32, #tpu.memory_space<vmem>>[vector<16xi32>], vector<16xf32>,
        %parallel_loop3A_490 = arith.constant 37 : i32
        %parallel_loop3A_491 = arith.index_cast %rem3A_102 : i32 to index
        %parallel_loop3A_492 = arith.index_cast %parallel_loop3A_490 : i32 to index
        %parallel_loop3A_493 = arith.index_cast %parallel_loop3A_145 : i32 to index
        %parallel_loop3A_494 = tpu.vector_load %arg8[%parallel_loop3A_491, %parallel_loop3A_492, %parallel_loop3A_493] {strides = array<i32>} : memref<3x64x512xf32, #tpu.memory_space<vmem>>, vector<16xf32>,
        tpu.vector_store %arg8[%parallel_loop3A_491, %parallel_loop3A_492, %parallel_loop3A_493], %parallel_loop3A_489 {strides = array<i32>} : memref<3x64x512xf32, #tpu.memory_space<vmem>>, vector<16xf32>,
        %parallel_loop3A_495 = arith.constant 38 : i32
        %parallel_loop3A_496 = vector.broadcast %parallel_loop3A_495 : i32 to vector<16xi32>
        %parallel_loop3A_497 = arith.addi %parallel_loop3A_152, %parallel_loop3A_496 : vector<16xi32>
        %parallel_loop3A_498 = tpu.vector_load_idx %arg6[%parallel_loop3A_497] : memref<5136xf32, #tpu.memory_space<vmem>>[vector<16xi32>], vector<16xf32>,
        %parallel_loop3A_499 = arith.constant 38 : i32
        %parallel_loop3A_500 = arith.index_cast %rem3A_102 : i32 to index
        %parallel_loop3A_501 = arith.index_cast %parallel_loop3A_499 : i32 to index
        %parallel_loop3A_502 = arith.index_cast %parallel_loop3A_145 : i32 to index
        %parallel_loop3A_503 = tpu.vector_load %arg8[%parallel_loop3A_500, %parallel_loop3A_501, %parallel_loop3A_502] {strides = array<i32>} : memref<3x64x512xf32, #tpu.memory_space<vmem>>, vector<16xf32>,
        tpu.vector_store %arg8[%parallel_loop3A_500, %parallel_loop3A_501, %parallel_loop3A_502], %parallel_loop3A_498 {strides = array<i32>} : memref<3x64x512xf32, #tpu.memory_space<vmem>>, vector<16xf32>,
        %parallel_loop3A_504 = arith.constant 39 : i32
        %parallel_loop3A_505 = vector.broadcast %parallel_loop3A_504 : i32 to vector<16xi32>
        %parallel_loop3A_506 = arith.addi %parallel_loop3A_152, %parallel_loop3A_505 : vector<16xi32>
        %parallel_loop3A_507 = tpu.vector_load_idx %arg6[%parallel_loop3A_506] : memref<5136xf32, #tpu.memory_space<vmem>>[vector<16xi32>], vector<16xf32>,
        %parallel_loop3A_508 = arith.constant 39 : i32
        %parallel_loop3A_509 = arith.index_cast %rem3A_102 : i32 to index
        %parallel_loop3A_510 = arith.index_cast %parallel_loop3A_508 : i32 to index
        %parallel_loop3A_511 = arith.index_cast %parallel_loop3A_145 : i32 to index
        %parallel_loop3A_512 = tpu.vector_load %arg8[%parallel_loop3A_509, %parallel_loop3A_510, %parallel_loop3A_511] {strides = array<i32>} : memref<3x64x512xf32, #tpu.memory_space<vmem>>, vector<16xf32>,
        tpu.vector_store %arg8[%parallel_loop3A_509, %parallel_loop3A_510, %parallel_loop3A_511], %parallel_loop3A_507 {strides = array<i32>} : memref<3x64x512xf32, #tpu.memory_space<vmem>>, vector<16xf32>,
        %parallel_loop3A_513 = arith.constant 40 : i32
        %parallel_loop3A_514 = vector.broadcast %parallel_loop3A_513 : i32 to vector<16xi32>
        %parallel_loop3A_515 = arith.addi %parallel_loop3A_152, %parallel_loop3A_514 : vector<16xi32>
        %parallel_loop3A_516 = tpu.vector_load_idx %arg6[%parallel_loop3A_515] : memref<5136xf32, #tpu.memory_space<vmem>>[vector<16xi32>], vector<16xf32>,
        %parallel_loop3A_517 = arith.constant 40 : i32
        %parallel_loop3A_518 = arith.index_cast %rem3A_102 : i32 to index
        %parallel_loop3A_519 = arith.index_cast %parallel_loop3A_517 : i32 to index
        %parallel_loop3A_520 = arith.index_cast %parallel_loop3A_145 : i32 to index
        %parallel_loop3A_521 = tpu.vector_load %arg8[%parallel_loop3A_518, %parallel_loop3A_519, %parallel_loop3A_520] {strides = array<i32>} : memref<3x64x512xf32, #tpu.memory_space<vmem>>, vector<16xf32>,
        tpu.vector_store %arg8[%parallel_loop3A_518, %parallel_loop3A_519, %parallel_loop3A_520], %parallel_loop3A_516 {strides = array<i32>} : memref<3x64x512xf32, #tpu.memory_space<vmem>>, vector<16xf32>,
        %parallel_loop3A_522 = arith.constant 41 : i32
        %parallel_loop3A_523 = vector.broadcast %parallel_loop3A_522 : i32 to vector<16xi32>
        %parallel_loop3A_524 = arith.addi %parallel_loop3A_152, %parallel_loop3A_523 : vector<16xi32>
        %parallel_loop3A_525 = tpu.vector_load_idx %arg6[%parallel_loop3A_524] : memref<5136xf32, #tpu.memory_space<vmem>>[vector<16xi32>], vector<16xf32>,
        %parallel_loop3A_526 = arith.constant 41 : i32
        %parallel_loop3A_527 = arith.index_cast %rem3A_102 : i32 to index
        %parallel_loop3A_528 = arith.index_cast %parallel_loop3A_526 : i32 to index
        %parallel_loop3A_529 = arith.index_cast %parallel_loop3A_145 : i32 to index
        %parallel_loop3A_530 = tpu.vector_load %arg8[%parallel_loop3A_527, %parallel_loop3A_528, %parallel_loop3A_529] {strides = array<i32>} : memref<3x64x512xf32, #tpu.memory_space<vmem>>, vector<16xf32>,
        tpu.vector_store %arg8[%parallel_loop3A_527, %parallel_loop3A_528, %parallel_loop3A_529], %parallel_loop3A_525 {strides = array<i32>} : memref<3x64x512xf32, #tpu.memory_space<vmem>>, vector<16xf32>,
        %parallel_loop3A_531 = arith.constant 42 : i32
        %parallel_loop3A_532 = vector.broadcast %parallel_loop3A_531 : i32 to vector<16xi32>
        %parallel_loop3A_533 = arith.addi %parallel_loop3A_152, %parallel_loop3A_532 : vector<16xi32>
        %parallel_loop3A_534 = tpu.vector_load_idx %arg6[%parallel_loop3A_533] : memref<5136xf32, #tpu.memory_space<vmem>>[vector<16xi32>], vector<16xf32>,
        %parallel_loop3A_535 = arith.constant 42 : i32
        %parallel_loop3A_536 = arith.index_cast %rem3A_102 : i32 to index
        %parallel_loop3A_537 = arith.index_cast %parallel_loop3A_535 : i32 to index
        %parallel_loop3A_538 = arith.index_cast %parallel_loop3A_145 : i32 to index
        %parallel_loop3A_539 = tpu.vector_load %arg8[%parallel_loop3A_536, %parallel_loop3A_537, %parallel_loop3A_538] {strides = array<i32>} : memref<3x64x512xf32, #tpu.memory_space<vmem>>, vector<16xf32>,
        tpu.vector_store %arg8[%parallel_loop3A_536, %parallel_loop3A_537, %parallel_loop3A_538], %parallel_loop3A_534 {strides = array<i32>} : memref<3x64x512xf32, #tpu.memory_space<vmem>>, vector<16xf32>,
        %parallel_loop3A_540 = arith.constant 43 : i32
        %parallel_loop3A_541 = vector.broadcast %parallel_loop3A_540 : i32 to vector<16xi32>
        %parallel_loop3A_542 = arith.addi %parallel_loop3A_152, %parallel_loop3A_541 : vector<16xi32>
        %parallel_loop3A_543 = tpu.vector_load_idx %arg6[%parallel_loop3A_542] : memref<5136xf32, #tpu.memory_space<vmem>>[vector<16xi32>], vector<16xf32>,
        %parallel_loop3A_544 = arith.constant 43 : i32
        %parallel_loop3A_545 = arith.index_cast %rem3A_102 : i32 to index
        %parallel_loop3A_546 = arith.index_cast %parallel_loop3A_544 : i32 to index
        %parallel_loop3A_547 = arith.index_cast %parallel_loop3A_145 : i32 to index
        %parallel_loop3A_548 = tpu.vector_load %arg8[%parallel_loop3A_545, %parallel_loop3A_546, %parallel_loop3A_547] {strides = array<i32>} : memref<3x64x512xf32, #tpu.memory_space<vmem>>, vector<16xf32>,
        tpu.vector_store %arg8[%parallel_loop3A_545, %parallel_loop3A_546, %parallel_loop3A_547], %parallel_loop3A_543 {strides = array<i32>} : memref<3x64x512xf32, #tpu.memory_space<vmem>>, vector<16xf32>,
        %parallel_loop3A_549 = arith.constant 44 : i32
        %parallel_loop3A_550 = vector.broadcast %parallel_loop3A_549 : i32 to vector<16xi32>
        %parallel_loop3A_551 = arith.addi %parallel_loop3A_152, %parallel_loop3A_550 : vector<16xi32>
        %parallel_loop3A_552 = tpu.vector_load_idx %arg6[%parallel_loop3A_551] : memref<5136xf32, #tpu.memory_space<vmem>>[vector<16xi32>], vector<16xf32>,
        %parallel_loop3A_553 = arith.constant 44 : i32
        %parallel_loop3A_554 = arith.index_cast %rem3A_102 : i32 to index
        %parallel_loop3A_555 = arith.index_cast %parallel_loop3A_553 : i32 to index
        %parallel_loop3A_556 = arith.index_cast %parallel_loop3A_145 : i32 to index
        %parallel_loop3A_557 = tpu.vector_load %arg8[%parallel_loop3A_554, %parallel_loop3A_555, %parallel_loop3A_556] {strides = array<i32>} : memref<3x64x512xf32, #tpu.memory_space<vmem>>, vector<16xf32>,
        tpu.vector_store %arg8[%parallel_loop3A_554, %parallel_loop3A_555, %parallel_loop3A_556], %parallel_loop3A_552 {strides = array<i32>} : memref<3x64x512xf32, #tpu.memory_space<vmem>>, vector<16xf32>,
        %parallel_loop3A_558 = arith.constant 45 : i32
        %parallel_loop3A_559 = vector.broadcast %parallel_loop3A_558 : i32 to vector<16xi32>
        %parallel_loop3A_560 = arith.addi %parallel_loop3A_152, %parallel_loop3A_559 : vector<16xi32>
        %parallel_loop3A_561 = tpu.vector_load_idx %arg6[%parallel_loop3A_560] : memref<5136xf32, #tpu.memory_space<vmem>>[vector<16xi32>], vector<16xf32>,
        %parallel_loop3A_562 = arith.constant 45 : i32
        %parallel_loop3A_563 = arith.index_cast %rem3A_102 : i32 to index
        %parallel_loop3A_564 = arith.index_cast %parallel_loop3A_562 : i32 to index
        %parallel_loop3A_565 = arith.index_cast %parallel_loop3A_145 : i32 to index
        %parallel_loop3A_566 = tpu.vector_load %arg8[%parallel_loop3A_563, %parallel_loop3A_564, %parallel_loop3A_565] {strides = array<i32>} : memref<3x64x512xf32, #tpu.memory_space<vmem>>, vector<16xf32>,
        tpu.vector_store %arg8[%parallel_loop3A_563, %parallel_loop3A_564, %parallel_loop3A_565], %parallel_loop3A_561 {strides = array<i32>} : memref<3x64x512xf32, #tpu.memory_space<vmem>>, vector<16xf32>,
        %parallel_loop3A_567 = arith.constant 46 : i32
        %parallel_loop3A_568 = vector.broadcast %parallel_loop3A_567 : i32 to vector<16xi32>
        %parallel_loop3A_569 = arith.addi %parallel_loop3A_152, %parallel_loop3A_568 : vector<16xi32>
        %parallel_loop3A_570 = tpu.vector_load_idx %arg6[%parallel_loop3A_569] : memref<5136xf32, #tpu.memory_space<vmem>>[vector<16xi32>], vector<16xf32>,
        %parallel_loop3A_571 = arith.constant 46 : i32
        %parallel_loop3A_572 = arith.index_cast %rem3A_102 : i32 to index
        %parallel_loop3A_573 = arith.index_cast %parallel_loop3A_571 : i32 to index
        %parallel_loop3A_574 = arith.index_cast %parallel_loop3A_145 : i32 to index
        %parallel_loop3A_575 = tpu.vector_load %arg8[%parallel_loop3A_572, %parallel_loop3A_573, %parallel_loop3A_574] {strides = array<i32>} : memref<3x64x512xf32, #tpu.memory_space<vmem>>, vector<16xf32>,
        tpu.vector_store %arg8[%parallel_loop3A_572, %parallel_loop3A_573, %parallel_loop3A_574], %parallel_loop3A_570 {strides = array<i32>} : memref<3x64x512xf32, #tpu.memory_space<vmem>>, vector<16xf32>,
        %parallel_loop3A_576 = arith.constant 47 : i32
        %parallel_loop3A_577 = vector.broadcast %parallel_loop3A_576 : i32 to vector<16xi32>
        %parallel_loop3A_578 = arith.addi %parallel_loop3A_152, %parallel_loop3A_577 : vector<16xi32>
        %parallel_loop3A_579 = tpu.vector_load_idx %arg6[%parallel_loop3A_578] : memref<5136xf32, #tpu.memory_space<vmem>>[vector<16xi32>], vector<16xf32>,
        %parallel_loop3A_580 = arith.constant 47 : i32
        %parallel_loop3A_581 = arith.index_cast %rem3A_102 : i32 to index
        %parallel_loop3A_582 = arith.index_cast %parallel_loop3A_580 : i32 to index
        %parallel_loop3A_583 = arith.index_cast %parallel_loop3A_145 : i32 to index
        %parallel_loop3A_584 = tpu.vector_load %arg8[%parallel_loop3A_581, %parallel_loop3A_582, %parallel_loop3A_583] {strides = array<i32>} : memref<3x64x512xf32, #tpu.memory_space<vmem>>, vector<16xf32>,
        tpu.vector_store %arg8[%parallel_loop3A_581, %parallel_loop3A_582, %parallel_loop3A_583], %parallel_loop3A_579 {strides = array<i32>} : memref<3x64x512xf32, #tpu.memory_space<vmem>>, vector<16xf32>,
        %parallel_loop3A_585 = arith.constant 48 : i32
        %parallel_loop3A_586 = vector.broadcast %parallel_loop3A_585 : i32 to vector<16xi32>
        %parallel_loop3A_587 = arith.addi %parallel_loop3A_152, %parallel_loop3A_586 : vector<16xi32>
        %parallel_loop3A_588 = tpu.vector_load_idx %arg6[%parallel_loop3A_587] : memref<5136xf32, #tpu.memory_space<vmem>>[vector<16xi32>], vector<16xf32>,
        %parallel_loop3A_589 = arith.constant 48 : i32
        %parallel_loop3A_590 = arith.index_cast %rem3A_102 : i32 to index
        %parallel_loop3A_591 = arith.index_cast %parallel_loop3A_589 : i32 to index
        %parallel_loop3A_592 = arith.index_cast %parallel_loop3A_145 : i32 to index
        %parallel_loop3A_593 = tpu.vector_load %arg8[%parallel_loop3A_590, %parallel_loop3A_591, %parallel_loop3A_592] {strides = array<i32>} : memref<3x64x512xf32, #tpu.memory_space<vmem>>, vector<16xf32>,
        tpu.vector_store %arg8[%parallel_loop3A_590, %parallel_loop3A_591, %parallel_loop3A_592], %parallel_loop3A_588 {strides = array<i32>} : memref<3x64x512xf32, #tpu.memory_space<vmem>>, vector<16xf32>,
        %parallel_loop3A_594 = arith.constant 49 : i32
        %parallel_loop3A_595 = vector.broadcast %parallel_loop3A_594 : i32 to vector<16xi32>
        %parallel_loop3A_596 = arith.addi %parallel_loop3A_152, %parallel_loop3A_595 : vector<16xi32>
        %parallel_loop3A_597 = tpu.vector_load_idx %arg6[%parallel_loop3A_596] : memref<5136xf32, #tpu.memory_space<vmem>>[vector<16xi32>], vector<16xf32>,
        %parallel_loop3A_598 = arith.constant 49 : i32
        %parallel_loop3A_599 = arith.index_cast %rem3A_102 : i32 to index
        %parallel_loop3A_600 = arith.index_cast %parallel_loop3A_598 : i32 to index
        %parallel_loop3A_601 = arith.index_cast %parallel_loop3A_145 : i32 to index
        %parallel_loop3A_602 = tpu.vector_load %arg8[%parallel_loop3A_599, %parallel_loop3A_600, %parallel_loop3A_601] {strides = array<i32>} : memref<3x64x512xf32, #tpu.memory_space<vmem>>, vector<16xf32>,
        tpu.vector_store %arg8[%parallel_loop3A_599, %parallel_loop3A_600, %parallel_loop3A_601], %parallel_loop3A_597 {strides = array<i32>} : memref<3x64x512xf32, #tpu.memory_space<vmem>>, vector<16xf32>,
        %parallel_loop3A_603 = arith.constant 50 : i32
        %parallel_loop3A_604 = vector.broadcast %parallel_loop3A_603 : i32 to vector<16xi32>
        %parallel_loop3A_605 = arith.addi %parallel_loop3A_152, %parallel_loop3A_604 : vector<16xi32>
        %parallel_loop3A_606 = tpu.vector_load_idx %arg6[%parallel_loop3A_605] : memref<5136xf32, #tpu.memory_space<vmem>>[vector<16xi32>], vector<16xf32>,
        %parallel_loop3A_607 = arith.constant 50 : i32
        %parallel_loop3A_608 = arith.index_cast %rem3A_102 : i32 to index
        %parallel_loop3A_609 = arith.index_cast %parallel_loop3A_607 : i32 to index
        %parallel_loop3A_610 = arith.index_cast %parallel_loop3A_145 : i32 to index
        %parallel_loop3A_611 = tpu.vector_load %arg8[%parallel_loop3A_608, %parallel_loop3A_609, %parallel_loop3A_610] {strides = array<i32>} : memref<3x64x512xf32, #tpu.memory_space<vmem>>, vector<16xf32>,
        tpu.vector_store %arg8[%parallel_loop3A_608, %parallel_loop3A_609, %parallel_loop3A_610], %parallel_loop3A_606 {strides = array<i32>} : memref<3x64x512xf32, #tpu.memory_space<vmem>>, vector<16xf32>,
        %parallel_loop3A_612 = arith.constant 51 : i32
        %parallel_loop3A_613 = vector.broadcast %parallel_loop3A_612 : i32 to vector<16xi32>
        %parallel_loop3A_614 = arith.addi %parallel_loop3A_152, %parallel_loop3A_613 : vector<16xi32>
        %parallel_loop3A_615 = tpu.vector_load_idx %arg6[%parallel_loop3A_614] : memref<5136xf32, #tpu.memory_space<vmem>>[vector<16xi32>], vector<16xf32>,
        %parallel_loop3A_616 = arith.constant 51 : i32
        %parallel_loop3A_617 = arith.index_cast %rem3A_102 : i32 to index
        %parallel_loop3A_618 = arith.index_cast %parallel_loop3A_616 : i32 to index
        %parallel_loop3A_619 = arith.index_cast %parallel_loop3A_145 : i32 to index
        %parallel_loop3A_620 = tpu.vector_load %arg8[%parallel_loop3A_617, %parallel_loop3A_618, %parallel_loop3A_619] {strides = array<i32>} : memref<3x64x512xf32, #tpu.memory_space<vmem>>, vector<16xf32>,
        tpu.vector_store %arg8[%parallel_loop3A_617, %parallel_loop3A_618, %parallel_loop3A_619], %parallel_loop3A_615 {strides = array<i32>} : memref<3x64x512xf32, #tpu.memory_space<vmem>>, vector<16xf32>,
        %parallel_loop3A_621 = arith.constant 52 : i32
        %parallel_loop3A_622 = vector.broadcast %parallel_loop3A_621 : i32 to vector<16xi32>
        %parallel_loop3A_623 = arith.addi %parallel_loop3A_152, %parallel_loop3A_622 : vector<16xi32>
        %parallel_loop3A_624 = tpu.vector_load_idx %arg6[%parallel_loop3A_623] : memref<5136xf32, #tpu.memory_space<vmem>>[vector<16xi32>], vector<16xf32>,
        %parallel_loop3A_625 = arith.constant 52 : i32
        %parallel_loop3A_626 = arith.index_cast %rem3A_102 : i32 to index
        %parallel_loop3A_627 = arith.index_cast %parallel_loop3A_625 : i32 to index
        %parallel_loop3A_628 = arith.index_cast %parallel_loop3A_145 : i32 to index
        %parallel_loop3A_629 = tpu.vector_load %arg8[%parallel_loop3A_626, %parallel_loop3A_627, %parallel_loop3A_628] {strides = array<i32>} : memref<3x64x512xf32, #tpu.memory_space<vmem>>, vector<16xf32>,
        tpu.vector_store %arg8[%parallel_loop3A_626, %parallel_loop3A_627, %parallel_loop3A_628], %parallel_loop3A_624 {strides = array<i32>} : memref<3x64x512xf32, #tpu.memory_space<vmem>>, vector<16xf32>,
        %parallel_loop3A_630 = arith.constant 53 : i32
        %parallel_loop3A_631 = vector.broadcast %parallel_loop3A_630 : i32 to vector<16xi32>
        %parallel_loop3A_632 = arith.addi %parallel_loop3A_152, %parallel_loop3A_631 : vector<16xi32>
        %parallel_loop3A_633 = tpu.vector_load_idx %arg6[%parallel_loop3A_632] : memref<5136xf32, #tpu.memory_space<vmem>>[vector<16xi32>], vector<16xf32>,
        %parallel_loop3A_634 = arith.constant 53 : i32
        %parallel_loop3A_635 = arith.index_cast %rem3A_102 : i32 to index
        %parallel_loop3A_636 = arith.index_cast %parallel_loop3A_634 : i32 to index
        %parallel_loop3A_637 = arith.index_cast %parallel_loop3A_145 : i32 to index
        %parallel_loop3A_638 = tpu.vector_load %arg8[%parallel_loop3A_635, %parallel_loop3A_636, %parallel_loop3A_637] {strides = array<i32>} : memref<3x64x512xf32, #tpu.memory_space<vmem>>, vector<16xf32>,
        tpu.vector_store %arg8[%parallel_loop3A_635, %parallel_loop3A_636, %parallel_loop3A_637], %parallel_loop3A_633 {strides = array<i32>} : memref<3x64x512xf32, #tpu.memory_space<vmem>>, vector<16xf32>,
        %parallel_loop3A_639 = arith.constant 54 : i32
        %parallel_loop3A_640 = vector.broadcast %parallel_loop3A_639 : i32 to vector<16xi32>
        %parallel_loop3A_641 = arith.addi %parallel_loop3A_152, %parallel_loop3A_640 : vector<16xi32>
        %parallel_loop3A_642 = tpu.vector_load_idx %arg6[%parallel_loop3A_641] : memref<5136xf32, #tpu.memory_space<vmem>>[vector<16xi32>], vector<16xf32>,
        %parallel_loop3A_643 = arith.constant 54 : i32
        %parallel_loop3A_644 = arith.index_cast %rem3A_102 : i32 to index
        %parallel_loop3A_645 = arith.index_cast %parallel_loop3A_643 : i32 to index
        %parallel_loop3A_646 = arith.index_cast %parallel_loop3A_145 : i32 to index
        %parallel_loop3A_647 = tpu.vector_load %arg8[%parallel_loop3A_644, %parallel_loop3A_645, %parallel_loop3A_646] {strides = array<i32>} : memref<3x64x512xf32, #tpu.memory_space<vmem>>, vector<16xf32>,
        tpu.vector_store %arg8[%parallel_loop3A_644, %parallel_loop3A_645, %parallel_loop3A_646], %parallel_loop3A_642 {strides = array<i32>} : memref<3x64x512xf32, #tpu.memory_space<vmem>>, vector<16xf32>,
        %parallel_loop3A_648 = arith.constant 55 : i32
        %parallel_loop3A_649 = vector.broadcast %parallel_loop3A_648 : i32 to vector<16xi32>
        %parallel_loop3A_650 = arith.addi %parallel_loop3A_152, %parallel_loop3A_649 : vector<16xi32>
        %parallel_loop3A_651 = tpu.vector_load_idx %arg6[%parallel_loop3A_650] : memref<5136xf32, #tpu.memory_space<vmem>>[vector<16xi32>], vector<16xf32>,
        %parallel_loop3A_652 = arith.constant 55 : i32
        %parallel_loop3A_653 = arith.index_cast %rem3A_102 : i32 to index
        %parallel_loop3A_654 = arith.index_cast %parallel_loop3A_652 : i32 to index
        %parallel_loop3A_655 = arith.index_cast %parallel_loop3A_145 : i32 to index
        %parallel_loop3A_656 = tpu.vector_load %arg8[%parallel_loop3A_653, %parallel_loop3A_654, %parallel_loop3A_655] {strides = array<i32>} : memref<3x64x512xf32, #tpu.memory_space<vmem>>, vector<16xf32>,
        tpu.vector_store %arg8[%parallel_loop3A_653, %parallel_loop3A_654, %parallel_loop3A_655], %parallel_loop3A_651 {strides = array<i32>} : memref<3x64x512xf32, #tpu.memory_space<vmem>>, vector<16xf32>,
        %parallel_loop3A_657 = arith.constant 56 : i32
        %parallel_loop3A_658 = vector.broadcast %parallel_loop3A_657 : i32 to vector<16xi32>
        %parallel_loop3A_659 = arith.addi %parallel_loop3A_152, %parallel_loop3A_658 : vector<16xi32>
        %parallel_loop3A_660 = tpu.vector_load_idx %arg6[%parallel_loop3A_659] : memref<5136xf32, #tpu.memory_space<vmem>>[vector<16xi32>], vector<16xf32>,
        %parallel_loop3A_661 = arith.constant 56 : i32
        %parallel_loop3A_662 = arith.index_cast %rem3A_102 : i32 to index
        %parallel_loop3A_663 = arith.index_cast %parallel_loop3A_661 : i32 to index
        %parallel_loop3A_664 = arith.index_cast %parallel_loop3A_145 : i32 to index
        %parallel_loop3A_665 = tpu.vector_load %arg8[%parallel_loop3A_662, %parallel_loop3A_663, %parallel_loop3A_664] {strides = array<i32>} : memref<3x64x512xf32, #tpu.memory_space<vmem>>, vector<16xf32>,
        tpu.vector_store %arg8[%parallel_loop3A_662, %parallel_loop3A_663, %parallel_loop3A_664], %parallel_loop3A_660 {strides = array<i32>} : memref<3x64x512xf32, #tpu.memory_space<vmem>>, vector<16xf32>,
        %parallel_loop3A_666 = arith.constant 57 : i32
        %parallel_loop3A_667 = vector.broadcast %parallel_loop3A_666 : i32 to vector<16xi32>
        %parallel_loop3A_668 = arith.addi %parallel_loop3A_152, %parallel_loop3A_667 : vector<16xi32>
        %parallel_loop3A_669 = tpu.vector_load_idx %arg6[%parallel_loop3A_668] : memref<5136xf32, #tpu.memory_space<vmem>>[vector<16xi32>], vector<16xf32>,
        %parallel_loop3A_670 = arith.constant 57 : i32
        %parallel_loop3A_671 = arith.index_cast %rem3A_102 : i32 to index
        %parallel_loop3A_672 = arith.index_cast %parallel_loop3A_670 : i32 to index
        %parallel_loop3A_673 = arith.index_cast %parallel_loop3A_145 : i32 to index
        %parallel_loop3A_674 = tpu.vector_load %arg8[%parallel_loop3A_671, %parallel_loop3A_672, %parallel_loop3A_673] {strides = array<i32>} : memref<3x64x512xf32, #tpu.memory_space<vmem>>, vector<16xf32>,
        tpu.vector_store %arg8[%parallel_loop3A_671, %parallel_loop3A_672, %parallel_loop3A_673], %parallel_loop3A_669 {strides = array<i32>} : memref<3x64x512xf32, #tpu.memory_space<vmem>>, vector<16xf32>,
        %parallel_loop3A_675 = arith.constant 58 : i32
        %parallel_loop3A_676 = vector.broadcast %parallel_loop3A_675 : i32 to vector<16xi32>
        %parallel_loop3A_677 = arith.addi %parallel_loop3A_152, %parallel_loop3A_676 : vector<16xi32>
        %parallel_loop3A_678 = tpu.vector_load_idx %arg6[%parallel_loop3A_677] : memref<5136xf32, #tpu.memory_space<vmem>>[vector<16xi32>], vector<16xf32>,
        %parallel_loop3A_679 = arith.constant 58 : i32
        %parallel_loop3A_680 = arith.index_cast %rem3A_102 : i32 to index
        %parallel_loop3A_681 = arith.index_cast %parallel_loop3A_679 : i32 to index
        %parallel_loop3A_682 = arith.index_cast %parallel_loop3A_145 : i32 to index
        %parallel_loop3A_683 = tpu.vector_load %arg8[%parallel_loop3A_680, %parallel_loop3A_681, %parallel_loop3A_682] {strides = array<i32>} : memref<3x64x512xf32, #tpu.memory_space<vmem>>, vector<16xf32>,
        tpu.vector_store %arg8[%parallel_loop3A_680, %parallel_loop3A_681, %parallel_loop3A_682], %parallel_loop3A_678 {strides = array<i32>} : memref<3x64x512xf32, #tpu.memory_space<vmem>>, vector<16xf32>,
        %parallel_loop3A_684 = arith.constant 59 : i32
        %parallel_loop3A_685 = vector.broadcast %parallel_loop3A_684 : i32 to vector<16xi32>
        %parallel_loop3A_686 = arith.addi %parallel_loop3A_152, %parallel_loop3A_685 : vector<16xi32>
        %parallel_loop3A_687 = tpu.vector_load_idx %arg6[%parallel_loop3A_686] : memref<5136xf32, #tpu.memory_space<vmem>>[vector<16xi32>], vector<16xf32>,
        %parallel_loop3A_688 = arith.constant 59 : i32
        %parallel_loop3A_689 = arith.index_cast %rem3A_102 : i32 to index
        %parallel_loop3A_690 = arith.index_cast %parallel_loop3A_688 : i32 to index
        %parallel_loop3A_691 = arith.index_cast %parallel_loop3A_145 : i32 to index
        %parallel_loop3A_692 = tpu.vector_load %arg8[%parallel_loop3A_689, %parallel_loop3A_690, %parallel_loop3A_691] {strides = array<i32>} : memref<3x64x512xf32, #tpu.memory_space<vmem>>, vector<16xf32>,
        tpu.vector_store %arg8[%parallel_loop3A_689, %parallel_loop3A_690, %parallel_loop3A_691], %parallel_loop3A_687 {strides = array<i32>} : memref<3x64x512xf32, #tpu.memory_space<vmem>>, vector<16xf32>,
        %parallel_loop3A_693 = arith.constant 60 : i32
        %parallel_loop3A_694 = vector.broadcast %parallel_loop3A_693 : i32 to vector<16xi32>
        %parallel_loop3A_695 = arith.addi %parallel_loop3A_152, %parallel_loop3A_694 : vector<16xi32>
        %parallel_loop3A_696 = tpu.vector_load_idx %arg6[%parallel_loop3A_695] : memref<5136xf32, #tpu.memory_space<vmem>>[vector<16xi32>], vector<16xf32>,
        %parallel_loop3A_697 = arith.constant 60 : i32
        %parallel_loop3A_698 = arith.index_cast %rem3A_102 : i32 to index
        %parallel_loop3A_699 = arith.index_cast %parallel_loop3A_697 : i32 to index
        %parallel_loop3A_700 = arith.index_cast %parallel_loop3A_145 : i32 to index
        %parallel_loop3A_701 = tpu.vector_load %arg8[%parallel_loop3A_698, %parallel_loop3A_699, %parallel_loop3A_700] {strides = array<i32>} : memref<3x64x512xf32, #tpu.memory_space<vmem>>, vector<16xf32>,
        tpu.vector_store %arg8[%parallel_loop3A_698, %parallel_loop3A_699, %parallel_loop3A_700], %parallel_loop3A_696 {strides = array<i32>} : memref<3x64x512xf32, #tpu.memory_space<vmem>>, vector<16xf32>,
        %parallel_loop3A_702 = arith.constant 61 : i32
        %parallel_loop3A_703 = vector.broadcast %parallel_loop3A_702 : i32 to vector<16xi32>
        %parallel_loop3A_704 = arith.addi %parallel_loop3A_152, %parallel_loop3A_703 : vector<16xi32>
        %parallel_loop3A_705 = tpu.vector_load_idx %arg6[%parallel_loop3A_704] : memref<5136xf32, #tpu.memory_space<vmem>>[vector<16xi32>], vector<16xf32>,
        %parallel_loop3A_706 = arith.constant 61 : i32
        %parallel_loop3A_707 = arith.index_cast %rem3A_102 : i32 to index
        %parallel_loop3A_708 = arith.index_cast %parallel_loop3A_706 : i32 to index
        %parallel_loop3A_709 = arith.index_cast %parallel_loop3A_145 : i32 to index
        %parallel_loop3A_710 = tpu.vector_load %arg8[%parallel_loop3A_707, %parallel_loop3A_708, %parallel_loop3A_709] {strides = array<i32>} : memref<3x64x512xf32, #tpu.memory_space<vmem>>, vector<16xf32>,
        tpu.vector_store %arg8[%parallel_loop3A_707, %parallel_loop3A_708, %parallel_loop3A_709], %parallel_loop3A_705 {strides = array<i32>} : memref<3x64x512xf32, #tpu.memory_space<vmem>>, vector<16xf32>,
        %parallel_loop3A_711 = arith.constant 62 : i32
        %parallel_loop3A_712 = vector.broadcast %parallel_loop3A_711 : i32 to vector<16xi32>
        %parallel_loop3A_713 = arith.addi %parallel_loop3A_152, %parallel_loop3A_712 : vector<16xi32>
        %parallel_loop3A_714 = tpu.vector_load_idx %arg6[%parallel_loop3A_713] : memref<5136xf32, #tpu.memory_space<vmem>>[vector<16xi32>], vector<16xf32>,
        %parallel_loop3A_715 = arith.constant 62 : i32
        %parallel_loop3A_716 = arith.index_cast %rem3A_102 : i32 to index
        %parallel_loop3A_717 = arith.index_cast %parallel_loop3A_715 : i32 to index
        %parallel_loop3A_718 = arith.index_cast %parallel_loop3A_145 : i32 to index
        %parallel_loop3A_719 = tpu.vector_load %arg8[%parallel_loop3A_716, %parallel_loop3A_717, %parallel_loop3A_718] {strides = array<i32>} : memref<3x64x512xf32, #tpu.memory_space<vmem>>, vector<16xf32>,
        tpu.vector_store %arg8[%parallel_loop3A_716, %parallel_loop3A_717, %parallel_loop3A_718], %parallel_loop3A_714 {strides = array<i32>} : memref<3x64x512xf32, #tpu.memory_space<vmem>>, vector<16xf32>,
        %parallel_loop3A_720 = arith.constant 63 : i32
        %parallel_loop3A_721 = vector.broadcast %parallel_loop3A_720 : i32 to vector<16xi32>
        %parallel_loop3A_722 = arith.addi %parallel_loop3A_152, %parallel_loop3A_721 : vector<16xi32>
        %parallel_loop3A_723 = tpu.vector_load_idx %arg6[%parallel_loop3A_722] : memref<5136xf32, #tpu.memory_space<vmem>>[vector<16xi32>], vector<16xf32>,
        %parallel_loop3A_724 = arith.constant 63 : i32
        %parallel_loop3A_725 = arith.index_cast %rem3A_102 : i32 to index
        %parallel_loop3A_726 = arith.index_cast %parallel_loop3A_724 : i32 to index
        %parallel_loop3A_727 = arith.index_cast %parallel_loop3A_145 : i32 to index
        %parallel_loop3A_728 = tpu.vector_load %arg8[%parallel_loop3A_725, %parallel_loop3A_726, %parallel_loop3A_727] {strides = array<i32>} : memref<3x64x512xf32, #tpu.memory_space<vmem>>, vector<16xf32>,
        tpu.vector_store %arg8[%parallel_loop3A_725, %parallel_loop3A_726, %parallel_loop3A_727], %parallel_loop3A_723 {strides = array<i32>} : memref<3x64x512xf32, #tpu.memory_space<vmem>>, vector<16xf32>,
      } {sc.loop_unroll_factor = 1 : i64, sc.parallel_access}
      %eq3A_127 = arith.constant 0 : i32
      %eq3A_128 = arith.cmpi eq, %rem3A_102, %eq3A_127 : i32
      %convert_element_type3A_129 = arith.extui %eq3A_128 : i1 to i32
      %cond3A_130 = arith.constant 0 : i32
      %cond3A_131 = arith.cmpi ne, %convert_element_type3A_129, %cond3A_130 : i32
      scf.if %cond3A_131 {
        %dma_start3A = arith.constant 0 : i32
        %dma_start3A_142 = arith.constant 0 : i32
        %dma_start3A_143 = arith.constant 0 : i32
        %dma_start3A_144 = tpu.memref_slice %arg8[%dma_start3A, %dma_start3A_142, %dma_start3A_143] : memref<3x64x512xf32, #tpu.memory_space<vmem>> -> memref<1x64x512xf32, #tpu.memory_space<vmem>>
        %dma_start3A_145 = arith.constant 0 : i32
        %dma_start3A_146 = tpu.memref_slice %arg4[%scan3A_97, %dma_start3A_145, %mul3A_2] : memref<200x64x16384xf32, #tpu.memory_space<hbm>> -> memref<1x64x512xf32, #tpu.memory_space<hbm>>
        %dma_start3A_147 = arith.constant 0 : i32
        %dma_start3A_148 = tpu.memref_slice %arg4[%scan3A_97, %dma_start3A_147, %mul3A_2] : memref<200x64x16384xf32, #tpu.memory_space<hbm>> -> memref<1x64x512xf32, #tpu.memory_space<hbm>>
        %dma_start3A_149 = arith.constant 0 : i32
        %dma_start3A_150 = arith.constant 0 : i32
        %dma_start3A_151 = arith.constant 0 : i32
        %dma_start3A_152 = tpu.memref_slice %arg8[%dma_start3A_149, %dma_start3A_150, %dma_start3A_151] : memref<3x64x512xf32, #tpu.memory_space<vmem>> -> memref<1x64x512xf32, #tpu.memory_space<vmem>>
        tpu.enqueue_dma source(%dma_start3A_152 : memref<1x64x512xf32, #tpu.memory_space<vmem>>) target(%dma_start3A_148 : memref<1x64x512xf32, #tpu.memory_space<hbm>>) target_semaphore(%arg9 : memref<!tpu.dma_semaphore, #tpu.memory_space<semaphore_mem>>)
      } else {
      }
      %eq3A_132 = arith.constant 1 : i32
      %eq3A_133 = arith.cmpi eq, %rem3A_102, %eq3A_132 : i32
      %convert_element_type3A_134 = arith.extui %eq3A_133 : i1 to i32
      %cond3A_135 = arith.constant 0 : i32
      %cond3A_136 = arith.cmpi ne, %convert_element_type3A_134, %cond3A_135 : i32
      scf.if %cond3A_136 {
        %dma_start3A = arith.constant 1 : i32
        %dma_start3A_142 = arith.constant 0 : i32
        %dma_start3A_143 = arith.constant 0 : i32
        %dma_start3A_144 = tpu.memref_slice %arg8[%dma_start3A, %dma_start3A_142, %dma_start3A_143] : memref<3x64x512xf32, #tpu.memory_space<vmem>> -> memref<1x64x512xf32, #tpu.memory_space<vmem>>
        %dma_start3A_145 = arith.constant 0 : i32
        %dma_start3A_146 = tpu.memref_slice %arg4[%scan3A_97, %dma_start3A_145, %mul3A_2] : memref<200x64x16384xf32, #tpu.memory_space<hbm>> -> memref<1x64x512xf32, #tpu.memory_space<hbm>>
        %dma_start3A_147 = arith.constant 0 : i32
        %dma_start3A_148 = tpu.memref_slice %arg4[%scan3A_97, %dma_start3A_147, %mul3A_2] : memref<200x64x16384xf32, #tpu.memory_space<hbm>> -> memref<1x64x512xf32, #tpu.memory_space<hbm>>
        %dma_start3A_149 = arith.constant 1 : i32
        %dma_start3A_150 = arith.constant 0 : i32
        %dma_start3A_151 = arith.constant 0 : i32
        %dma_start3A_152 = tpu.memref_slice %arg8[%dma_start3A_149, %dma_start3A_150, %dma_start3A_151] : memref<3x64x512xf32, #tpu.memory_space<vmem>> -> memref<1x64x512xf32, #tpu.memory_space<vmem>>
        tpu.enqueue_dma source(%dma_start3A_152 : memref<1x64x512xf32, #tpu.memory_space<vmem>>) target(%dma_start3A_148 : memref<1x64x512xf32, #tpu.memory_space<hbm>>) target_semaphore(%arg10 : memref<!tpu.dma_semaphore, #tpu.memory_space<semaphore_mem>>)
      } else {
      }
      %eq3A_137 = arith.constant 2 : i32
      %eq3A_138 = arith.cmpi eq, %rem3A_102, %eq3A_137 : i32
      %convert_element_type3A_139 = arith.extui %eq3A_138 : i1 to i32
      %cond3A_140 = arith.constant 0 : i32
      %cond3A_141 = arith.cmpi ne, %convert_element_type3A_139, %cond3A_140 : i32
      scf.if %cond3A_141 {
        %dma_start3A = arith.constant 2 : i32
        %dma_start3A_142 = arith.constant 0 : i32
        %dma_start3A_143 = arith.constant 0 : i32
        %dma_start3A_144 = tpu.memref_slice %arg8[%dma_start3A, %dma_start3A_142, %dma_start3A_143] : memref<3x64x512xf32, #tpu.memory_space<vmem>> -> memref<1x64x512xf32, #tpu.memory_space<vmem>>
        %dma_start3A_145 = arith.constant 0 : i32
        %dma_start3A_146 = tpu.memref_slice %arg4[%scan3A_97, %dma_start3A_145, %mul3A_2] : memref<200x64x16384xf32, #tpu.memory_space<hbm>> -> memref<1x64x512xf32, #tpu.memory_space<hbm>>
        %dma_start3A_147 = arith.constant 0 : i32
        %dma_start3A_148 = tpu.memref_slice %arg4[%scan3A_97, %dma_start3A_147, %mul3A_2] : memref<200x64x16384xf32, #tpu.memory_space<hbm>> -> memref<1x64x512xf32, #tpu.memory_space<hbm>>
        %dma_start3A_149 = arith.constant 2 : i32
        %dma_start3A_150 = arith.constant 0 : i32
        %dma_start3A_151 = arith.constant 0 : i32
        %dma_start3A_152 = tpu.memref_slice %arg8[%dma_start3A_149, %dma_start3A_150, %dma_start3A_151] : memref<3x64x512xf32, #tpu.memory_space<vmem>> -> memref<1x64x512xf32, #tpu.memory_space<vmem>>
        tpu.enqueue_dma source(%dma_start3A_152 : memref<1x64x512xf32, #tpu.memory_space<vmem>>) target(%dma_start3A_148 : memref<1x64x512xf32, #tpu.memory_space<hbm>>) target_semaphore(%arg11 : memref<!tpu.dma_semaphore, #tpu.memory_space<semaphore_mem>>)
      } else {
      }
    }
    %scan3A_55 = arith.constant 200 : i32
    %dma_wait3A = arith.constant 2 : i32
    %dma_wait3A_56 = arith.constant 0 : i32
    %dma_wait3A_57 = arith.constant 0 : i32
    %dma_wait3A_58 = tpu.memref_slice %arg8[%dma_wait3A, %dma_wait3A_56, %dma_wait3A_57] : memref<3x64x512xf32, #tpu.memory_space<vmem>> -> memref<1x64x512xf32, #tpu.memory_space<vmem>>
    %dma_wait3A_59 = arith.constant 197 : i32
    %dma_wait3A_60 = arith.constant 0 : i32
    %dma_wait3A_61 = tpu.memref_slice %arg4[%dma_wait3A_59, %dma_wait3A_60, %mul3A_2] : memref<200x64x16384xf32, #tpu.memory_space<hbm>> -> memref<1x64x512xf32, #tpu.memory_space<hbm>>
    %dma_wait3A_62 = arith.constant 197 : i32
    %dma_wait3A_63 = arith.constant 0 : i32
    %dma_wait3A_64 = tpu.memref_slice %arg4[%dma_wait3A_62, %dma_wait3A_63, %mul3A_2] : memref<200x64x16384xf32, #tpu.memory_space<hbm>> -> memref<1x64x512xf32, #tpu.memory_space<hbm>>
    %dma_wait3A_65 = arith.constant 2 : i32
    %dma_wait3A_66 = arith.constant 0 : i32
    %dma_wait3A_67 = arith.constant 0 : i32
    %dma_wait3A_68 = tpu.memref_slice %arg8[%dma_wait3A_65, %dma_wait3A_66, %dma_wait3A_67] : memref<3x64x512xf32, #tpu.memory_space<vmem>> -> memref<1x64x512xf32, #tpu.memory_space<vmem>>
    tpu.wait_dma2 semaphore(%arg11 : memref<!tpu.dma_semaphore, #tpu.memory_space<semaphore_mem>>) src(%dma_wait3A_68 : memref<1x64x512xf32, #tpu.memory_space<vmem>>) dst(%dma_wait3A_64 : memref<1x64x512xf32, #tpu.memory_space<hbm>>)
    %dma_wait3A_69 = arith.constant 0 : i32
    %dma_wait3A_70 = arith.constant 0 : i32
    %dma_wait3A_71 = arith.constant 0 : i32
    %dma_wait3A_72 = tpu.memref_slice %arg8[%dma_wait3A_69, %dma_wait3A_70, %dma_wait3A_71] : memref<3x64x512xf32, #tpu.memory_space<vmem>> -> memref<1x64x512xf32, #tpu.memory_space<vmem>>
    %dma_wait3A_73 = arith.constant 198 : i32
    %dma_wait3A_74 = arith.constant 0 : i32
    %dma_wait3A_75 = tpu.memref_slice %arg4[%dma_wait3A_73, %dma_wait3A_74, %mul3A_2] : memref<200x64x16384xf32, #tpu.memory_space<hbm>> -> memref<1x64x512xf32, #tpu.memory_space<hbm>>
    %dma_wait3A_76 = arith.constant 198 : i32
    %dma_wait3A_77 = arith.constant 0 : i32
    %dma_wait3A_78 = tpu.memref_slice %arg4[%dma_wait3A_76, %dma_wait3A_77, %mul3A_2] : memref<200x64x16384xf32, #tpu.memory_space<hbm>> -> memref<1x64x512xf32, #tpu.memory_space<hbm>>
    %dma_wait3A_79 = arith.constant 0 : i32
    %dma_wait3A_80 = arith.constant 0 : i32
    %dma_wait3A_81 = arith.constant 0 : i32
    %dma_wait3A_82 = tpu.memref_slice %arg8[%dma_wait3A_79, %dma_wait3A_80, %dma_wait3A_81] : memref<3x64x512xf32, #tpu.memory_space<vmem>> -> memref<1x64x512xf32, #tpu.memory_space<vmem>>
    tpu.wait_dma2 semaphore(%arg9 : memref<!tpu.dma_semaphore, #tpu.memory_space<semaphore_mem>>) src(%dma_wait3A_82 : memref<1x64x512xf32, #tpu.memory_space<vmem>>) dst(%dma_wait3A_78 : memref<1x64x512xf32, #tpu.memory_space<hbm>>)
    %dma_wait3A_83 = arith.constant 1 : i32
    %dma_wait3A_84 = arith.constant 0 : i32
    %dma_wait3A_85 = arith.constant 0 : i32
    %dma_wait3A_86 = tpu.memref_slice %arg8[%dma_wait3A_83, %dma_wait3A_84, %dma_wait3A_85] : memref<3x64x512xf32, #tpu.memory_space<vmem>> -> memref<1x64x512xf32, #tpu.memory_space<vmem>>
    %dma_wait3A_87 = arith.constant 199 : i32
    %dma_wait3A_88 = arith.constant 0 : i32
    %dma_wait3A_89 = tpu.memref_slice %arg4[%dma_wait3A_87, %dma_wait3A_88, %mul3A_2] : memref<200x64x16384xf32, #tpu.memory_space<hbm>> -> memref<1x64x512xf32, #tpu.memory_space<hbm>>
    %dma_wait3A_90 = arith.constant 199 : i32
    %dma_wait3A_91 = arith.constant 0 : i32
    %dma_wait3A_92 = tpu.memref_slice %arg4[%dma_wait3A_90, %dma_wait3A_91, %mul3A_2] : memref<200x64x16384xf32, #tpu.memory_space<hbm>> -> memref<1x64x512xf32, #tpu.memory_space<hbm>>
    %dma_wait3A_93 = arith.constant 1 : i32
    %dma_wait3A_94 = arith.constant 0 : i32
    %dma_wait3A_95 = arith.constant 0 : i32
    %dma_wait3A_96 = tpu.memref_slice %arg8[%dma_wait3A_93, %dma_wait3A_94, %dma_wait3A_95] : memref<3x64x512xf32, #tpu.memory_space<vmem>> -> memref<1x64x512xf32, #tpu.memory_space<vmem>>
    tpu.wait_dma2 semaphore(%arg10 : memref<!tpu.dma_semaphore, #tpu.memory_space<semaphore_mem>>) src(%dma_wait3A_96 : memref<1x64x512xf32, #tpu.memory_space<vmem>>) dst(%dma_wait3A_92 : memref<1x64x512xf32, #tpu.memory_space<hbm>>)
    return
  }
}

</mosaic_0001>

<sc_bundles>
// kernel: kernel.3.cloned.1.call-start
scs
__scs_entry_jumppad:
0x0: {  	(pc) =	sbr.rel $0x88, $3  }
0x1: {  	(tag) =	ssettag $0x0;
	lr =	simm.s32 $0x1  }
0x2: {  	[smem:$0x3F9F] =	sst lr;
	_ =	strace $0xD0000000  }
0x3: {  	_ = 	snop  }
0x4: {  	_ = 	snop  }
0x5: {  	_ = 	snop  }
0x6: {  	_ = 	snop  }
0x7: {  	_ = 	snop  }
__scs_overlays_trampoline_lowered:
0x8: {  	[smem:$0x3FAE] =	sst s0  }
0x9: {  	[smem:$0x3FAF] =	sst s1  }
0xa: {  	[smem:$0x3FB0] =	sst s2  }
0xb: {  	[smem:$0x3FB1] =	sst s3  }
0xc: {  	[smem:$0x3FB2] =	sst s4  }
0xd: {  	[smem:$0x3FB3] =	sst s5  }
0xe: {  	[smem:$0x3FB4] =	sst s6  }
0xf: {  	[smem:$0x3FB5] =	sst s7  }
0x10: {  	[smem:$0x3FB6] =	sst s8  }
0x11: {  	[smem:$0x3FB7] =	sst s9;
	s0 =	simm.s32 @!p0 $0x0  }
0x12: {  	s1 =	sld [smem:$0x3F9D];
	s0 =	simm.s32 @p0 $0x1  }
0x13: {  	[smem:$0x3FB8] =	sst s0;
	s0 =	simm.s32 @!p1 $0x0  }
0x14: {  	s2 =	sld [smem:$0x3F9C];
	s0 =	simm.s32 @p1 $0x1  }
0x15: {  	[smem:$0x3FB9] =	sst s0;
	s0 =	simm.s32 @!p2 $0x0  }
0x16: {  	s3 =	sld [smem:$0x3FDB];
	s0 =	simm.s32 @p2 $0x1  }
0x17: {  	s4 =	simm.s32 $0x1BF5;
	[smem:$0x3FBB] =	sst s0  }
0x18: {  	s0 =	sld [smem:$0x3F9E];
	_ =	swait.ge [sflag:s4], $0x0  }
0x19: {  	s7 =	sld [smem:$0x3F9F]  }
0x1a: {  	s8 =	sadd.s32 $0xFFFFE003, lr  }
0x1b: {  	s9 =	sadd.s32 $0xFFFFFEF7, lr;
	s5 =	simm.s32 $0xFFFFFFFF;
	p2 =	slt.u32 s8, $0xFFFFF086  }
0x1c: {  	p1 =	slt.u32 s9, $0xF7A;
	s5 =	simm.s32 @!p2 $0x0  }
0x1d: {  	s5 =	simm.s32 @p1 $0x1;
	p0 =	seq.s32 s7, s2  }
0x1e: {  	s7 =	smul.u32 @!p0 $0xF7A, s2;
	p2 =	seq.s32 @!p0 s5, $0x0  }
0x1f: {  	s9 =	smul.u32 $0xF7A, s1;
	s8 =	simm.s32 @!p0 $0x1BF5;
	p2 =	por !p2, p0  }
0x20: {  	[sflag:s8] =	ssyncset.s32 @!p0 $0xFFFFF086;
	s6 =	sadd.s32 @!p0 s3, s7;
	s7 =	simm.s32 @!p0 $0x108  }
0x21: {  	s3 =	sadd.s32 s3, s9;
	s6 =	sadd.s32 @!p0 $0x88, s6;
	s7 =	simm.s32 @p2 $0x1082  }
0x22: {  	[simem:s7], [sflag:s8] =	dma.local @!p0 [hbm:s6], $0xF7A  }
0x23: {  	s9 =	sor.u32 $0xD0000000, s2;
	s6 =	simm.s32 $0x108;
	_ =	swait.ge @!p0 [sflag:s8], $0x0  }
0x24: {  	s3 =	sadd.s32 $0x88, s3;
	s6 =	simm.s32 @!p1 $0x1082;
	[sflag:s4] =	ssyncset.s32 $0xFFFFF086  }
0x25: {  	[simem:s6], [sflag:s4] =	dma.local [hbm:s3], $0xF7A  }
0x26: {  	[smem:$0x3F9F] =	sst s1;
	(tag) =	ssettag s2;
	_ =	strace s9  }
0x27: {  	s1 =	sld [smem:$0x3FAF]  }
0x28: {  	s2 =	sld [smem:$0x3FB0]  }
0x29: {  	s4 =	sld [smem:$0x3FB2]  }
0x2a: {  	p0 =	seq.s32 s5, $0x0;
	s5 =	sld [smem:$0x3FB3]  }
0x2b: {  	s6 =	sld [smem:$0x3FB4]  }
0x2c: {  	s7 =	sld [smem:$0x3FB5]  }
0x2d: {  	s3 =	simm.s32 $0x108;
	s8 =	sld [smem:$0x3FB6]  }
0x2e: {  	s3 =	simm.s32 @!p0 $0x1082;
	s9 =	sld [smem:$0x3FB7]  }
0x2f: {  	lr =	sadd.s32 s0, s3;
	s0 =	sld [smem:$0x3FAE]  }
0x30: {  	s3 =	sld [smem:$0x3FB1]  }
0x31: {  	[smem:$0x3FBA] =	sst s10  }
0x32: {  	s10 =	sld [smem:$0x3FB8];
	_ =	sdelay $0x3  }
0x33: {  	p0 =	seq.s32 s10, $0x1;
	s10 =	sld [smem:$0x3FBA];
	_ =	sdelay $0x3  }
0x34: {  	[smem:$0x3FBA] =	sst s10  }
0x35: {  	s10 =	sld [smem:$0x3FB9];
	_ =	sdelay $0x3  }
0x36: {  	p1 =	seq.s32 s10, $0x1;
	s10 =	sld [smem:$0x3FBA];
	_ =	sdelay $0x3  }
0x37: {  	[smem:$0x3FBA] =	sst s10  }
0x38: {  	s10 =	sld [smem:$0x3FBB]  }
0x39: {  	_ = 	snop;
	(pc) =	sbr.ind lr, $3  }
0x3a: {  	_ = 	snop  }
0x3b: {  	_ = 	snop  }
0x3c: {  	p2 =	seq.s32 s10, $0x1;
	s10 =	sld [smem:$0x3FBA]  }
0x3d: {  	_ =	shalt  }
0x3e: {  	_ =	shalt  }
0x3f: {  	_ =	shalt  }
0x40: {  	_ =	shalt  }
0x41: {  	_ =	shalt  }
0x42: {  	_ =	shalt  }
0x43: {  	_ =	shalt  }
0x44: {  	_ =	shalt  }
0x45: {  	_ =	shalt  }
0x46: {  	_ =	shalt  }
0x47: {  	_ =	shalt  }
0x48: {  	_ =	shalt  }
0x49: {  	_ =	shalt  }
0x4a: {  	_ =	shalt  }
0x4b: {  	_ =	shalt  }
0x4c: {  	_ =	shalt  }
0x4d: {  	_ =	shalt  }
0x4e: {  	_ =	shalt  }
0x4f: {  	_ =	shalt  }
0x50: {  	_ =	shalt  }
0x51: {  	_ =	shalt  }
0x52: {  	_ =	shalt  }
0x53: {  	_ =	shalt  }
0x54: {  	_ =	shalt  }
0x55: {  	_ =	shalt  }
0x56: {  	_ =	shalt  }
0x57: {  	_ =	shalt  }
0x58: {  	_ =	shalt  }
0x59: {  	_ =	shalt  }
0x5a: {  	_ =	shalt  }
0x5b: {  	_ =	shalt  }
0x5c: {  	_ =	shalt  }
0x5d: {  	_ =	shalt  }
0x5e: {  	_ =	shalt  }
0x5f: {  	_ =	shalt  }
0x60: {  	_ =	shalt  }
0x61: {  	_ =	shalt  }
0x62: {  	_ =	shalt  }
0x63: {  	_ =	shalt  }
0x64: {  	_ =	shalt  }
0x65: {  	_ =	shalt  }
0x66: {  	_ =	shalt  }
0x67: {  	_ =	shalt  }
0x68: {  	_ =	shalt  }
0x69: {  	_ =	shalt  }
0x6a: {  	_ =	shalt  }
0x6b: {  	_ =	shalt  }
0x6c: {  	_ =	shalt  }
0x6d: {  	_ =	shalt  }
0x6e: {  	_ =	shalt  }
0x6f: {  	_ =	shalt  }
0x70: {  	_ =	shalt  }
0x71: {  	_ =	shalt  }
0x72: {  	_ =	shalt  }
0x73: {  	_ =	shalt  }
0x74: {  	_ =	shalt  }
0x75: {  	_ =	shalt  }
0x76: {  	_ =	shalt  }
0x77: {  	_ =	shalt  }
0x78: {  	_ =	shalt  }
0x79: {  	_ =	shalt  }
0x7a: {  	_ =	shalt  }
0x7b: {  	_ =	shalt  }
0x7c: {  	_ =	shalt  }
0x7d: {  	_ =	shalt  }
0x7e: {  	_ =	shalt  }
0x7f: {  	_ =	shalt  }
0x80: {  	_ =	shalt  }
0x81: {  	_ =	shalt  }
0x82: {  	_ =	shalt  }
0x83: {  	_ =	shalt  }
0x84: {  	_ =	shalt  }
0x85: {  	_ =	shalt  }
0x86: {  	_ =	shalt  }
0x87: {  	_ =	shalt  }
.Lfunc_end0:
.L_simem_size_0:
called_computation_lowered:
.L_overlay_start_0:
0x88: {  	s2 =	sld [smem:$0x3FD9]  }
0x89: {  	s3 =	sld [smem:$0x3FFE];
	_ =	sdelay $0x1  }
0x8a: {  	s1 =	srdreg.scid  }
0x8b: {  	s0 =	sand.u32 $0x1, s1  }
0x8c: {  	s17 =	sshll.u32 s0, $0xA;
	s2 =	sadd.s32 s3, s2  }
0x8d: {  	s2 =	sadd.s32 s2, s17  }
0x8e: {  	[smem:$0x3FC6] =	sst s2  }
0x8f: {  	_ = 	snop  }
0x90: {  	s2 =	sld [smem:$0x3FC9]  }
0x91: {  	s18 =	sld [smem:$0x3FD0];
	(tm) =	ssettm $0x1  }
0x92: {  	s4 =	sld [smem:$0x3FFB];
	_ =	sdelay $0x3  }
0x93: {  	_ =	strace s4  }
0x94: {  	s4 =	sld [smem:$0x3FFC];
	_ =	sdelay $0x3  }
0x95: {  	_ =	strace s4  }
0x96: {  	s4 =	sld [smem:$0x3FFD];
	_ =	sdelay $0x3  }
0x97: {  	_ =	strace s4  }
0x98: {  	_ =	strace $0x8FFFFFFF  }
0x99: {  	s19 =	sld [smem:$0x3FDB];
	_ =	sdelay $0x1  }
0x9a: {  	s5 =	simm.s32 $_scs_section_size  }
0x9b: {  	s6 =	simm.s32 $_size__tile_overlayer_lowered;
	s7 =	simm.s32 $_tile_overlayer_lowered  }
0x9c: {  	s22 =	simm.s32 $0x1BFF;
	s21 =	sshll.u32 s7, $0x1;
	s4 =	sadd.s32 s5, s19  }
0x9d: {  	s8 =	simm.s32 $0x0;
	s20 =	sshll.u32 s6, $0x1;
	s6 =	sadd.s32 s21, s4  }
0x9e: {  	[timem:s8], [sflag:s22] =	dma.local [hbm:s6], s20  }
0x9f: {  	_ =	swait.ge [sflag:s22], s20  }
0xa0: {  	s5 =	ssub.s32 $0x0, s20;
	[sflag:s22] =	ssyncset.done $0x0  }
0xa1: {  	[sflag:s22] =	ssyncadd.s32 s5;
	_ =	sdelay $0x1  }
0xa2: {  	s23 =	simm.s32 $0x1B8B  }
0xa3: {  	_ =	swait.ge [sflag:s23], $0x1  }
0xa4: {  	[sflag:s23] =	ssyncset.done $0x0  }
0xa5: {  	s25 =	simm.s32 $0x1B8E;
	s24 =	sld [smem:$0x3FFE];
	[sflag:s23] =	ssyncadd.s32 $0xFFFFFFFF  }
0xa6: {  	s26 =	simm.s32 $execute0_lowered;
	[smem:$0x3FD2] =	sst s25  }
0xa7: {  	s6 =	sshll.u32 s26, $0x1;
	_ =	strace $0x80000046;
	[dreg:$0x1] =	wrdreg $0xFFFFFFFF  }
0xa8: {  	s28 =	simm.s32 $_size_execute0_lowered;
	s4 =	sadd.s32 s4, s6;
	[dreg:$0x0] =	wrdreg $0x0  }
0xa9: {  	s6 =	sshll.u32 s28, $0x1;
	[dreg:$0x2] =	wrdreg s4  }
0xaa: {  	[dreg:$0x3] =	wrdreg s6  }
0xab: {  	[dreg:$0x4] =	wrdreg $0xC0  }
0xac: {  	_ =	task [dreg:s8], $0x5FFFF  }
0xad: {  	[dreg:$0x1] =	wrdreg $0xFFFFFFFF  }
0xae: {  	[dreg:$0x0] =	wrdreg $0x60  }
0xaf: {  	[dreg:$0x2] =	wrdreg s2  }
0xb0: {  	[dreg:$0x3] =	wrdreg s24  }
0xb1: {  	[dreg:$0x4] =	wrdreg s18  }
0xb2: {  	[dreg:$0x5] =	wrdreg $0x9  }
0xb3: {  	_ =	task.clear_ibuf [dreg:s8], $0x6FFFF;
	_ =	strace $0x90000046  }
0xb4: {  	s29 =	simm.s32 $0x9;
	_ =	strace $0x80000048  }
0xb5: {  	_ =	swait.ge [sflag:s29], $0x1  }
0xb6: {  	[sflag:s29] =	ssyncadd.s32 $0xFFFFFFFF  }
0xb7: {  	_ =	strace $0x90000048  }
0xb8: {  	_ =	sfence  }
0xb9: {  	s30 =	sld [smem:$0x0];
	_ =	sdelay $0x2  }
0xba: {  	s31 =	sshll.u32 s1, $0xD;
	s1 =	sshrl.u32 s1, $0x2  }
0xbb: {  	s3 =	sand.u32 $0x4000, s31;
	s1 =	sadd.s32 s1, s30  }
0xbc: {  	s0 =	sor.u32 s3, s0;
	s1 =	sshll.u32 s1, $0x11  }
0xbd: {  	s0 =	sor.u32 s1, s0  }
0xbe: {  	s0 =	sadd.s32 $0x8F2B, s0  }
0xbf: {  	[sflag:s0] =	ssyncadd.remote.s32 $0x1  }
0xc0: {  	_ =	sfence.sel $0xFFFF  }
0xc1: {  	[dreg:$0x0] =	wrdreg $0xFFFFFFFF;
	(pc) =	sbr.abs _section_cstart, $3  }
0xc2: {  	[dreg:$0x1] =	wrdreg $0xFFFFFFFF  }
0xc3: {  	_ =	task.clear_ibuf [dreg:s8], $0x2FFFF;
	_ =	strace $0x9FFFFFFF  }
0xc4: {  	(tm) =	ssettm $0x7FFFFFFF  }
0xc5: {  	_ =	shalt  }
tec
execute0_lowered:
.L_overlay_start_1:
0x0: {  	(tag) =	ssettag $0x1  }
0x1: {  	v19 =	vlaneseq.u32;
	s4 =	rddreg [dreg:$0x0]  }
0x2: {  	s3 =	rddreg [dreg:$0x1];
	v29 =	vmul.u32 $0x141, v19  }
0x3: {  	s5 =	rddreg [dreg:$0x2];
	s1 =	simm.s32 $0x0  }
0x4: {  	[smem:$0x7FF] =	sst s1;
	v0 =	vadd.s32 $0x1C, v29  }
0x5: {  	s0 =	rddreg [dreg:$0x3];
	_ =	strace $0x80000047;
	v50 =	vadd.s32 $0x17, v29;
	[tilespmem:$0x1FEF0] =	vst v0  }
0x6: {  	v51 =	vadd.s32 $0x18, v29;
	[tilespmem:$0x1FF30] =	vst v50  }
0x7: {  	v2 =	vadd.s32 $0x28, v29;
	[tilespmem:$0x1FF40] =	vst v51  }
0x8: {  	v3 =	vadd.s32 $0x29, v29;
	[tilespmem:$0x1FF60] =	vst v2  }
0x9: {  	v4 =	vadd.s32 $0x2A, v29;
	[tilespmem:$0x1FF70] =	vst v3  }
0xa: {  	v22 =	vadd.s32 $0x1, v29;
	v23 =	vadd.s32 $0x2, v29;
	v7 =	vadd.s32 $0x1A, v29;
	[tilespmem:$0x1FF80] =	vst v4  }
0xb: {  	v24 =	vadd.s32 $0x3, v29;
	v25 =	vadd.s32 $0x4, v29;
	v8 =	vadd.s32 $0x1B, v29;
	[tilespmem:$0x1FF90] =	vst v7  }
0xc: {  	v26 =	vadd.s32 $0x5, v29;
	v27 =	vadd.s32 $0x6, v29;
	v16 =	vadd.s32 $0x1D, v29;
	[tilespmem:$0x1FFA0] =	vst v8  }
0xd: {  	v28 =	vadd.s32 $0x7, v29;
	v20 =	vadd.s32 $0x8, v29;
	v60 =	vadd.s32 $0x19, v29;
	[tilespmem:$0x1FFB0] =	vst v16  }
0xe: {  	v21 =	vadd.s32 $0x9, v29;
	v30 =	vadd.s32 $0xA, v29;
	v9 =	vadd.s32 $0x26, v29;
	[tilespmem:$0x1FFC0] =	vst v60  }
0xf: {  	s6 =	srdreg.scid;
	s2 =	stileid.u32;
	v32 =	vadd.s32 $0xB, v29;
	v33 =	vadd.s32 $0xC, v29;
	v61 =	vadd.s32 $0x21, v29;
	[tilespmem:$0x1FFD0] =	vst v9  }
0x10: {  	p0 =	por $0x0, $0x0;
	s10 =	simm.s32 $0x3;
	s11 =	simm.s32 $0x2;
	v34 =	vadd.s32 $0xD, v29;
	v35 =	vadd.s32 $0xE, v29;
	v59 =	vadd.s32 $0x1F, v29;
	[tilespmem:$0x1FFE0] =	vst v61  }
0x11: {  	s12 =	simm.s32 $0x0;
	s6 =	sand.u32 $0x1, s6;
	s8 =	sshll.u32 s2, $0xA;
	v36 =	vadd.s32 $0xF, v29;
	v37 =	vadd.s32 $0x10, v29;
	v0 =	vadd.s32 $0x23, v29;
	[tilespmem:$0x1FFF0] =	vst v59  }
0x12: {  	s3 =	sadd.s32 $0x400, s3;
	s7 =	ssub.s32 $0x2, s6;
	s6 =	sshll.u32 s6, $0x9;
	v31 =	vadd.s32 $0x11, v29;
	v1 =	vadd.s32 $0x12, v29;
	[tilespmem:$0x1FF00] =	vst v0;
	v0 =	vadd.s32 $0x24, v29  }
0x13: {  	v38 =	vadd.s32 $0x13, v29;
	v39 =	vadd.s32 $0x14, v29;
	s9 =	sshrl.u32 s7, $0x1;
	s6 =	sor.u32 s6, s8;
	s8 =	simm.s32 $0x180;
	[tilespmem:$0x1FF10] =	vst v0;
	v0 =	vadd.s32 $0x25, v29  }
0x14: {  	v42 =	vadd.s32 $0x15, v29;
	v43 =	vadd.s32 $0x16, v29;
	s7 =	ssub.s32 s7, s9;
	s4 =	sadd.s32 s4, s6;
	s5 =	sadd.s32 s5, s6;
	[tilespmem:$0x1FF20] =	vst v0;
	v0 =	vadd.s32 $0x27, v29  }
0x15: {  	v11 =	vadd.s32 $0x1E, v29;
	v18 =	vadd.s32 $0x20, v29;
	v54 =	vadd.s32 $0x22, v29;
	s9 =	simm.s32 $0x1;
	s6 =	smax.u32 s7, $0x1;
	s7 =	simm.s32 $0x4;
	[tilespmem:$0x1FF50] =	vst v0  }
.LBB2_1:
0x16: {  	[tilespmem:s1], [sflag:$0x4] =	stream.linear.gather [hbm4b:s3+s1], $0x180, $0x38;
	[tilespmem:$0x1A600] =	vst v63  }
0x17: {  	_ =	swait.ge [sflag:s7], $0x180  }
0x18: {  	[sflag:s7] =	ssyncset.done $0x0  }
0x19: {  	[sflag:s7] =	ssyncadd.s32 $0xFFFFFE80  }
0x1a: {  	v0 =	vld [tilespmem:$0x0]  }
0x1b: {  	v2 =	vld [tilespmem:$0x10]  }
0x1c: {  	v3 =	vld [tilespmem:$0x20]  }
0x1d: {  	v4 =	vld [tilespmem:$0x30]  }
0x1e: {  	v5 =	vld [tilespmem:$0x40]  }
0x1f: {  	v6 =	vld [tilespmem:$0x50]  }
0x20: {  	v41 =	vmov v7;
	v7 =	vld [tilespmem:$0x60]  }
0x21: {  	v56 =	vmov v8;
	v8 =	vld [tilespmem:$0x70]  }
0x22: {  	v40 =	vmov v9;
	v9 =	vld [tilespmem:$0x80]  }
0x23: {  	v44 =	vld [tilespmem:$0x90]  }
0x24: {  	v45 =	vld [tilespmem:$0xA0]  }
0x25: {  	v46 =	vld [tilespmem:$0xB0]  }
0x26: {  	v47 =	vld [tilespmem:$0xC0]  }
0x27: {  	s13 =	simm.s32 $0x0;
	v49 =	vld [tilespmem:$0xD0]  }
0x28: {  	s14 =	simm.s32 $0x10;
	v10 =	vadd.s32 s13, v19;
	v48 =	vld [tilespmem:$0xE0]  }
0x29: {  	v58 =	vmov v11;
	s15 =	simm.s32 $0x20;
	v11 =	vadd.s32 s14, v19;
	v50 =	vld [tilespmem:$0xF0]  }
0x2a: {  	s16 =	simm.s32 $0x30;
	v12 =	vadd.s32 s15, v19;
	v51 =	vld [tilespmem:$0x100]  }
0x2b: {  	s17 =	simm.s32 $0x40;
	v13 =	vadd.s32 s16, v19;
	v52 =	vld [tilespmem:$0x110]  }
0x2c: {  	s18 =	simm.s32 $0x50;
	v14 =	vadd.s32 s17, v19;
	v53 =	vld [tilespmem:$0x120]  }
0x2d: {  	v62 =	vmov v54;
	s19 =	simm.s32 $0x60;
	v54 =	vld [tilespmem:$0x130];
	[tilespmem:v10+s8+$0x0] =	vst.idx.msk $0xffff, v0;
	v10 =	vadd.s32 s18, v19  }
0x2e: {  	s20 =	simm.s32 $0x70;
	[tilespmem:v11+s8+$0x0] =	vst.idx.msk $0xffff, v2;
	v11 =	vadd.s32 s19, v19  }
0x2f: {  	s21 =	simm.s32 $0x80;
	[tilespmem:v12+s8+$0x0] =	vst.idx.msk $0xffff, v3;
	v12 =	vadd.s32 s20, v19  }
0x30: {  	s22 =	simm.s32 $0x90;
	[tilespmem:v13+s8+$0x0] =	vst.idx.msk $0xffff, v4;
	v13 =	vadd.s32 s21, v19  }
0x31: {  	s23 =	simm.s32 $0xA0;
	[tilespmem:v14+s8+$0x0] =	vst.idx.msk $0xffff, v5;
	v14 =	vadd.s32 s22, v19  }
0x32: {  	s24 =	simm.s32 $0xB0;
	[tilespmem:v10+s8+$0x0] =	vst.idx.msk $0xffff, v6;
	v10 =	vadd.s32 s23, v19  }
0x33: {  	[tilespmem:v11+s8+$0x0] =	vst.idx.msk $0xffff, v7;
	v11 =	vadd.s32 s24, v19  }
0x34: {  	s25 =	simm.s32 $0xC0;
	[tilespmem:v12+s8+$0x0] =	vst.idx.msk $0xffff, v8  }
0x35: {  	s26 =	simm.s32 $0xD0;
	v12 =	vadd.s32 s25, v19;
	[tilespmem:v13+s8+$0x0] =	vst.idx.msk $0xffff, v9  }
0x36: {  	v15 =	vadd.s32 s26, v19;
	[tilespmem:v14+s8+$0x0] =	vst.idx.msk $0xffff, v44  }
0x37: {  	s14 =	simm.s32 $0xE0;
	[tilespmem:v10+s8+$0x0] =	vst.idx.msk $0xffff, v45  }
0x38: {  	s15 =	simm.s32 $0xF0;
	[tilespmem:v11+s8+$0x0] =	vst.idx.msk $0xffff, v46;
	v11 =	vadd.s32 s14, v19  }
0x39: {  	s29 =	simm.s32 $0x100;
	v10 =	vadd.s32 s15, v19  }
0x3a: {  	s28 =	simm.s32 $0x130;
	s30 =	simm.s32 $0x110;
	s31 =	simm.s32 $0x120;
	[tilespmem:v12+s8+$0x0] =	vst.idx.msk $0xffff, v47;
	v12 =	vadd.s32 s29, v19  }
0x3b: {  	v63 =	vmovc v18;
	v57 =	vmovc v16;
	v55 =	vadd.s32 s28, v19;
	s13 =	simm.s32 $0x271;
	v13 =	vadd.s32 s30, v19;
	v14 =	vadd.s32 s31, v19;
	[tilespmem:v15+s8+$0x0] =	vst.idx.msk $0xffff, v49  }
.LBB2_2:
0x3c: {  	s15 =	sadd.s32 $0xFFFFFED0, s13  }
0x3d: {  	v15 =	vadd.s32 s13, v19;
	p1 =	sne.s32 s13, $0x13FF;
	[tilespmem:v11+s8+$0x0] =	vst.idx.msk $0xffff, v48;
	s14 =	smov.u32 s13;
	s13 =	sadd.s32 $0x141, s13  }
0x3e: {  	v11 =	vadd.s32 s15, v19;
	s15 =	sadd.s32 $0xFFFFFEE0, s14;
	[tilespmem:v10+s8+$0x0] =	vst.idx.msk $0xffff, v50  }
0x3f: {  	v10 =	vadd.s32 s15, v19;
	s15 =	sadd.s32 $0xFFFFFEF0, s14;
	[tilespmem:v12+s8+$0x0] =	vst.idx.msk $0xffff, v51  }
0x40: {  	v12 =	vadd.s32 s15, v19;
	s15 =	sadd.s32 $0xFFFFFF00, s14;
	[tilespmem:v13+s8+$0x0] =	vst.idx.msk $0xffff, v52  }
0x41: {  	v13 =	vadd.s32 s15, v19;
	s15 =	sadd.s32 $0xFFFFFF10, s14;
	[tilespmem:v14+s8+$0x0] =	vst.idx.msk $0xffff, v53  }
0x42: {  	v14 =	vadd.s32 s15, v19;
	s15 =	sadd.s32 $0xFFFFFF20, s14;
	[tilespmem:v55+s8+$0x0] =	vst.idx.msk $0xffff, v54;
	v55 =	vmov v15  }
0x43: {  	[tilespmem:v11+s8+$0x0] =	vst.idx.msk $0xffff, v0;
	v11 =	vadd.s32 s15, v19;
	s15 =	sadd.s32 $0xFFFFFF30, s14  }
0x44: {  	[tilespmem:v10+s8+$0x0] =	vst.idx.msk $0xffff, v2;
	v10 =	vadd.s32 s15, v19;
	s15 =	sadd.s32 $0xFFFFFF40, s14  }
0x45: {  	[tilespmem:v12+s8+$0x0] =	vst.idx.msk $0xffff, v3;
	v12 =	vadd.s32 s15, v19;
	s15 =	sadd.s32 $0xFFFFFF50, s14  }
0x46: {  	[tilespmem:v13+s8+$0x0] =	vst.idx.msk $0xffff, v4;
	v13 =	vadd.s32 s15, v19;
	s15 =	sadd.s32 $0xFFFFFF60, s14  }
0x47: {  	[tilespmem:v14+s8+$0x0] =	vst.idx.msk $0xffff, v5;
	v14 =	vadd.s32 s15, v19;
	s15 =	sadd.s32 $0xFFFFFF70, s14  }
0x48: {  	[tilespmem:v11+s8+$0x0] =	vst.idx.msk $0xffff, v6;
	v15 =	vadd.s32 s15, v19;
	s15 =	sadd.s32 $0xFFFFFF80, s14  }
0x49: {  	[tilespmem:v10+s8+$0x0] =	vst.idx.msk $0xffff, v7;
	v16 =	vadd.s32 s15, v19;
	s15 =	sadd.s32 $0xFFFFFF90, s14  }
0x4a: {  	[tilespmem:v12+s8+$0x0] =	vst.idx.msk $0xffff, v8;
	v17 =	vadd.s32 s15, v19;
	s15 =	sadd.s32 $0xFFFFFFA0, s14  }
0x4b: {  	[tilespmem:v13+s8+$0x0] =	vst.idx.msk $0xffff, v9;
	v18 =	vadd.s32 s15, v19;
	s15 =	sadd.s32 $0xFFFFFFB0, s14  }
.Ltmp0:
0x4c: {  	[tilespmem:v14+s8+$0x0] =	vst.idx.msk $0xffff, v44;
	v11 =	vadd.s32 s15, v19;
	s15 =	sadd.s32 $0xFFFFFFC0, s14;
	(pc) =	sbr.rel @p1 .LBB2_2-.Ltmp0, $4  }
0x4d: {  	[tilespmem:v15+s8+$0x0] =	vst.idx.msk $0xffff, v45;
	v10 =	vadd.s32 s15, v19;
	s15 =	sadd.s32 $0xFFFFFFD0, s14  }
0x4e: {  	[tilespmem:v16+s8+$0x0] =	vst.idx.msk $0xffff, v46;
	v12 =	vadd.s32 s15, v19;
	s15 =	sadd.s32 $0xFFFFFFE0, s14  }
0x4f: {  	s14 =	sadd.s32 $0xFFFFFFF0, s14;
	[tilespmem:v17+s8+$0x0] =	vst.idx.msk $0xffff, v47;
	v13 =	vadd.s32 s15, v19  }
0x50: {  	v14 =	vadd.s32 s14, v19;
	[tilespmem:v18+s8+$0x0] =	vst.idx.msk $0xffff, v49  }
0x51: {  	_ =	sdelay $0x3  }
0x52: {  	[tilespmem:v11+s8+$0x0] =	vst.idx.msk $0xffff, v48  }
0x53: {  	[tilespmem:v10+s8+$0x0] =	vst.idx.msk $0xffff, v50  }
0x54: {  	[tilespmem:v12+s8+$0x0] =	vst.idx.msk $0xffff, v51  }
0x55: {  	[tilespmem:v13+s8+$0x0] =	vst.idx.msk $0xffff, v52  }
0x56: {  	v8 =	vmov v56;
	v16 =	vmov v57;
	v50 =	vld [tilespmem:$0x1FF30];
	[tilespmem:v14+s8+$0x0] =	vst.idx.msk $0xffff, v53  }
0x57: {  	s13 =	simm.s32 $0x0;
	v11 =	vmovc v58;
	v18 =	vmovc v63;
	v9 =	vmov v40;
	v7 =	vmov v41;
	v51 =	vld [tilespmem:$0x1FF40];
	[tilespmem:v55+s8+$0x0] =	vst.idx.msk $0xffff, v54;
	v54 =	vmov v62  }
.LBB2_4:
0x58: {  	s15 =	smul.u32 $0xAB, s13  }
0x59: {  	s14 =	sand.u32 $0x7, s13  }
0x5a: {  	p1 =	sne.s32 s14, $0x0;
	s15 =	sshrl.u32 s15, $0x9  }
0x5b: {  	s14 =	sshll.u32 @!p1 s13, $0xB;
	s16 =	simm.s32 @!p1 $0x0;
	s15 =	sand.u32 $0x7F, s15  }
0x5c: {  	s17 =	simm.s32 @!p1 $0x1600;
	s14 =	sadd.s32 @!p1 s14, s4;
	s15 =	smul.u32 $0x3, s15  }
0x5d: {  	[tilespmem:s17], [sflag:$0x4] =	stream.linear.gather @!p1 [hbm4b:s14+s16], $0x1000, $0x38;
	[tilespmem:$0x1A600] =	vst v63  }
0x5e: {  	p2 =	slt.u32 s13, $0x3;
	s14 =	ssub.s32 s13, s15  }
0x5f: {  	s15 =	sand.u32 @!p2 $0xFF, s14  }
0x60: {  	p3 =	seq.s32 @!p2 s15, $0x0  }
0x61: {  	p4 =	por p2, !p3  }
0x62: {  	p2 =	slt.u32 @p4 s13, $0x3  }
0x63: {  	p3 =	por p2, !p4  }
0x64: {  	s15 =	sand.u32 @!p3 $0xFF, s14  }
0x65: {  	p3 =	seq.s32 @!p3 s15, $0x1  }
0x66: {  	p2 =	por @p4 p2, !p3  }
0x67: {  	p3 =	por !p4, !p2  }
0x68: {  	p5 =	slt.u32 @!p3 s13, $0x3  }
0x69: {  	p2 =	por p5, p3  }
0x6a: {  	s15 =	sand.u32 @!p2 $0xFF, s14  }
0x6b: {  	p2 =	sne.s32 @!p2 s15, $0x2  }
0x6c: {  	p2 =	por @!p3 p5, p2  }
0x6d: {  	p2 =	por p3, !p2  }
.Ltmp1:
0x6e: {  	_ = 	snop;
	(pc) =	sbr.rel @!p2 .LBB2_5-.Ltmp1, $4  }
0x6f: {  	s16 =	simm.s32 @!p1 $0x4  }
0x70: {  	_ =	swait.ge @!p1 [sflag:s16], $0x1000  }
0x71: {  	[sflag:s16] =	ssyncset.done @!p1 $0x0  }
0x72: {  	[sflag:s16] =	ssyncadd.s32 @!p1 $0xFFFFF000  }
0x73: {  	s15 =	simm.s32 $0x1  }
0x74: {  	s15 =	simm.s32 @p4 $0x2  }
0x75: {  	s15 =	simm.s32 @!p3 $0x3  }
.Ltmp2:
0x76: {  	_ =	swait.ge [sflag:s15], $0x8000;
	(pc) =	sbr.rel .LBB2_7-.Ltmp2, $4  }
0x77: {  	p1 =	por @p4 $0x0, $0x0;
	v58 =	vld [tilespmem:$0x1FEF0]  }
0x78: {  	p2 =	por @p4 $0x1, $0x1;
	p5 =	por @!p3 $0x1, $0x1;
	p1 =	por @!p4 p0, p0;
	v55 =	vld [tilespmem:$0x1FF00]  }
0x79: {  	p2 =	por @!p4 p0, p0;
	p4 =	por @!p3 $0x0, $0x0;
	[sflag:s15] =	ssyncset.done $0x0;
	v15 =	vld [tilespmem:$0x1FF10]  }
0x7a: {  	p1 =	por @!p3 p5, p5;
	p2 =	por @!p3 p4, p4;
	v14 =	vld [tilespmem:$0x1FF20];
	[sflag:s15] =	ssyncadd.s32 $0xFFFF8000  }
.LBB2_5:
0x7b: {  	v58 =	vld [tilespmem:$0x1FEF0]  }
0x7c: {  	s15 =	sand.u32 @p4 $0xFF, s14;
	s16 =	sand.u32 @!p3 $0xFF, s14;
	v55 =	vld [tilespmem:$0x1FF00]  }
0x7d: {  	v15 =	vld [tilespmem:$0x1FF10];
	p2 =	seq.s32 @p4 s15, $0x1;
	p1 =	seq.s32 @!p3 s16, $0x2;
	p3 =	por !p5, p3  }
0x7e: {  	v14 =	vld [tilespmem:$0x1FF20];
	p1 =	por @!p3 p1, p1;
	p2 =	por @!p3 p2, p2  }
.LBB2_7:
0x7f: {  	s15 =	sshll.u32 s13, $0x7  }
0x80: {  	s16 =	simm.s32 $0x0;
	s15 =	sand.u32 $0x380, s15  }
0x81: {  	s29 =	sand.u32 $0xC00, s16;
	s22 =	sadd.s32 $0x1600, s15  }
0x82: {  	s16 =	sand.u32 $0x70, s16;
	s17 =	sadd.s32 s29, s22  }
0x83: {  	s17 =	sadd.s32 s16, s17  }
0x84: {  	v0 =	vld [tilespmem:s17+$0x0];
	_ =	sdelay $0x4  }
0x85: {  	v17 =	vshll.u32 v0, $0x6  }
0x86: {  	v0 =	vadd.s32 v29, v17;
	_ =	sdelay $0x4  }
0x87: {  	s14 =	sand.u32 $0xFF, s14;
	v0 =	vld.idx.msk [tilespmem:v0+s8+$0x0], $0xffff  }
0x88: {  	s31 =	sshll.u32 s14, $0xF;
	v3 =	vadd.s32 v22, v17  }
0x89: {  	s21 =	sor.u32 $0x2600, s31  }
0x8a: {  	s15 =	sadd.s32 s29, s21  }
0x8b: {  	s23 =	sadd.s32 s16, s15  }
0x8c: {  	[tilespmem:s23+$0x0] =	vst v0  }
0x8d: {  	v0 =	vld.idx.msk [tilespmem:v3+s8+$0x0], $0xffff  }
0x8e: {  	v3 =	vadd.s32 v23, v17;
	_ =	sdelay $0x3  }
0x8f: {  	[tilespmem:s23+$0x80] =	vst v0  }
0x90: {  	v0 =	vld.idx.msk [tilespmem:v3+s8+$0x0], $0xffff  }
0x91: {  	v3 =	vadd.s32 v24, v17;
	_ =	sdelay $0x3  }
0x92: {  	[tilespmem:s23+$0x100] =	vst v0  }
0x93: {  	v0 =	vld.idx.msk [tilespmem:v3+s8+$0x0], $0xffff  }
0x94: {  	v3 =	vadd.s32 v25, v17;
	_ =	sdelay $0x3  }
0x95: {  	[tilespmem:s23+$0x180] =	vst v0  }
0x96: {  	v0 =	vld.idx.msk [tilespmem:v3+s8+$0x0], $0xffff  }
0x97: {  	v3 =	vadd.s32 v26, v17;
	_ =	sdelay $0x3  }
0x98: {  	[tilespmem:s23+$0x200] =	vst v0  }
0x99: {  	v0 =	vld.idx.msk [tilespmem:v3+s8+$0x0], $0xffff  }
0x9a: {  	v3 =	vadd.s32 v27, v17;
	_ =	sdelay $0x3  }
0x9b: {  	[tilespmem:s23+$0x280] =	vst v0  }
0x9c: {  	v0 =	vld.idx.msk [tilespmem:v3+s8+$0x0], $0xffff  }
0x9d: {  	v3 =	vadd.s32 v28, v17;
	_ =	sdelay $0x3  }
0x9e: {  	s30 =	simm.s32 $0x80;
	[tilespmem:s23+$0x300] =	vst v0  }
0x9f: {  	s18 =	simm.s32 $0x10;
	s17 =	sand.u32 $0xC00, s30;
	v0 =	vld.idx.msk [tilespmem:v3+s8+$0x0], $0xffff  }
0xa0: {  	s18 =	sand.u32 $0x70, s18;
	s19 =	sadd.s32 s17, s22;
	v3 =	vadd.s32 v20, v17  }
0xa1: {  	s19 =	sadd.s32 s18, s19  }
0xa2: {  	v2 =	vld [tilespmem:s19+$0x0];
	_ =	sdelay $0x1  }
0xa3: {  	[tilespmem:s23+$0x380] =	vst v0  }
0xa4: {  	v0 =	vld.idx.msk [tilespmem:v3+s8+$0x0], $0xffff  }
0xa5: {  	v3 =	vadd.s32 v21, v17  }
0xa6: {  	v46 =	vshll.u32 v2, $0x6  }
0xa7: {  	v2 =	vadd.s32 v29, v46;
	_ =	sdelay $0x1  }
0xa8: {  	[tilespmem:s23+$0x1000] =	vst v0  }
0xa9: {  	v0 =	vld.idx.msk [tilespmem:v3+s8+$0x0], $0xffff  }
0xaa: {  	v3 =	vadd.s32 v30, v17  }
0xab: {  	v2 =	vld.idx.msk [tilespmem:v2+s8+$0x0], $0xffff  }
0xac: {  	v4 =	vadd.s32 v22, v46;
	_ =	sdelay $0x1  }
0xad: {  	s20 =	sadd.s32 s17, s21;
	[tilespmem:s23+$0x1080] =	vst v0  }
0xae: {  	s17 =	sadd.s32 s18, s20;
	v0 =	vld.idx.msk [tilespmem:v3+s8+$0x0], $0xffff  }
0xaf: {  	[tilespmem:s17+$0x0] =	vst v2;
	v2 =	vadd.s32 v32, v17  }
0xb0: {  	v3 =	vld.idx.msk [tilespmem:v4+s8+$0x0], $0xffff  }
0xb1: {  	v4 =	vadd.s32 v23, v46;
	_ =	sdelay $0x1  }
0xb2: {  	[tilespmem:s23+$0x1100] =	vst v0  }
0xb3: {  	v0 =	vld.idx.msk [tilespmem:v2+s8+$0x0], $0xffff  }
0xb4: {  	[tilespmem:s17+$0x80] =	vst v3;
	v2 =	vadd.s32 v33, v17  }
0xb5: {  	v3 =	vld.idx.msk [tilespmem:v4+s8+$0x0], $0xffff  }
0xb6: {  	v4 =	vadd.s32 v24, v46;
	_ =	sdelay $0x1  }
0xb7: {  	[tilespmem:s23+$0x1180] =	vst v0  }
0xb8: {  	v0 =	vld.idx.msk [tilespmem:v2+s8+$0x0], $0xffff  }
0xb9: {  	[tilespmem:s17+$0x100] =	vst v3;
	v2 =	vadd.s32 v34, v17  }
0xba: {  	v3 =	vld.idx.msk [tilespmem:v4+s8+$0x0], $0xffff  }
0xbb: {  	v4 =	vadd.s32 v25, v46;
	_ =	sdelay $0x1  }
0xbc: {  	[tilespmem:s23+$0x1200] =	vst v0  }
0xbd: {  	v0 =	vld.idx.msk [tilespmem:v2+s8+$0x0], $0xffff  }
0xbe: {  	[tilespmem:s17+$0x180] =	vst v3;
	v2 =	vadd.s32 v35, v17  }
0xbf: {  	v3 =	vld.idx.msk [tilespmem:v4+s8+$0x0], $0xffff  }
0xc0: {  	v4 =	vadd.s32 v26, v46;
	_ =	sdelay $0x1  }
0xc1: {  	[tilespmem:s23+$0x1280] =	vst v0  }
0xc2: {  	v0 =	vld.idx.msk [tilespmem:v2+s8+$0x0], $0xffff  }
0xc3: {  	[tilespmem:s17+$0x200] =	vst v3;
	v2 =	vadd.s32 v36, v17  }
0xc4: {  	v3 =	vld.idx.msk [tilespmem:v4+s8+$0x0], $0xffff  }
0xc5: {  	v4 =	vadd.s32 v27, v46;
	_ =	sdelay $0x1  }
0xc6: {  	[tilespmem:s23+$0x1300] =	vst v0  }
0xc7: {  	v0 =	vld.idx.msk [tilespmem:v2+s8+$0x0], $0xffff  }
0xc8: {  	[tilespmem:s17+$0x280] =	vst v3;
	v2 =	vadd.s32 v37, v17  }
0xc9: {  	v3 =	vld.idx.msk [tilespmem:v4+s8+$0x0], $0xffff  }
0xca: {  	v4 =	vadd.s32 v28, v46;
	_ =	sdelay $0x1  }
0xcb: {  	[tilespmem:s23+$0x1380] =	vst v0  }
0xcc: {  	v0 =	vld.idx.msk [tilespmem:v2+s8+$0x0], $0xffff  }
0xcd: {  	s24 =	simm.s32 $0x100;
	[tilespmem:s17+$0x300] =	vst v3;
	v2 =	vadd.s32 v31, v17  }
0xce: {  	s25 =	simm.s32 $0x20;
	s15 =	sand.u32 $0xC00, s24;
	v3 =	vld.idx.msk [tilespmem:v4+s8+$0x0], $0xffff  }
0xcf: {  	s16 =	sand.u32 $0x70, s25;
	s26 =	sadd.s32 s15, s22;
	v4 =	vadd.s32 v20, v46  }
0xd0: {  	s18 =	sadd.s32 s16, s26  }
0xd1: {  	v5 =	vld [tilespmem:s18+$0x0];
	[tilespmem:s23+$0x2000] =	vst v0  }
0xd2: {  	v0 =	vld.idx.msk [tilespmem:v2+s8+$0x0], $0xffff  }
0xd3: {  	[tilespmem:s17+$0x380] =	vst v3;
	v2 =	vadd.s32 v1, v17  }
0xd4: {  	v3 =	vld.idx.msk [tilespmem:v4+s8+$0x0], $0xffff  }
0xd5: {  	v4 =	vadd.s32 v21, v46  }
0xd6: {  	v44 =	vshll.u32 v5, $0x6  }
0xd7: {  	v5 =	vadd.s32 v29, v44;
	[tilespmem:s23+$0x2080] =	vst v0  }
0xd8: {  	v0 =	vld.idx.msk [tilespmem:v2+s8+$0x0], $0xffff  }
0xd9: {  	[tilespmem:s17+$0x1000] =	vst v3;
	v2 =	vadd.s32 v38, v17  }
0xda: {  	v3 =	vld.idx.msk [tilespmem:v4+s8+$0x0], $0xffff  }
0xdb: {  	v4 =	vadd.s32 v30, v46  }
0xdc: {  	v5 =	vld.idx.msk [tilespmem:v5+s8+$0x0], $0xffff  }
0xdd: {  	v6 =	vadd.s32 v22, v44;
	[tilespmem:s23+$0x2100] =	vst v0  }
0xde: {  	v0 =	vld.idx.msk [tilespmem:v2+s8+$0x0], $0xffff  }
0xdf: {  	s15 =	sadd.s32 s15, s21;
	[tilespmem:s17+$0x1080] =	vst v3;
	v2 =	vadd.s32 v39, v17  }
0xe0: {  	s15 =	sadd.s32 s16, s15;
	v3 =	vld.idx.msk [tilespmem:v4+s8+$0x0], $0xffff  }
0xe1: {  	[tilespmem:s15+$0x0] =	vst v5;
	v4 =	vadd.s32 v32, v46  }
0xe2: {  	v5 =	vld.idx.msk [tilespmem:v6+s8+$0x0], $0xffff  }
0xe3: {  	v6 =	vadd.s32 v23, v44;
	[tilespmem:s23+$0x2180] =	vst v0  }
0xe4: {  	v0 =	vld.idx.msk [tilespmem:v2+s8+$0x0], $0xffff  }
0xe5: {  	[tilespmem:s17+$0x1100] =	vst v3;
	v2 =	vadd.s32 v42, v17  }
0xe6: {  	v3 =	vld.idx.msk [tilespmem:v4+s8+$0x0], $0xffff  }
0xe7: {  	[tilespmem:s15+$0x80] =	vst v5;
	v4 =	vadd.s32 v33, v46  }
0xe8: {  	v5 =	vld.idx.msk [tilespmem:v6+s8+$0x0], $0xffff  }
0xe9: {  	v6 =	vadd.s32 v24, v44;
	[tilespmem:s23+$0x2200] =	vst v0  }
0xea: {  	v0 =	vld.idx.msk [tilespmem:v2+s8+$0x0], $0xffff  }
0xeb: {  	[tilespmem:s17+$0x1180] =	vst v3;
	v2 =	vadd.s32 v43, v17  }
0xec: {  	v3 =	vld.idx.msk [tilespmem:v4+s8+$0x0], $0xffff  }
0xed: {  	[tilespmem:s15+$0x100] =	vst v5;
	v4 =	vadd.s32 v34, v46  }
0xee: {  	v5 =	vld.idx.msk [tilespmem:v6+s8+$0x0], $0xffff  }
0xef: {  	v6 =	vadd.s32 v25, v44;
	[tilespmem:s23+$0x2280] =	vst v0  }
0xf0: {  	v0 =	vld.idx.msk [tilespmem:v2+s8+$0x0], $0xffff  }
0xf1: {  	[tilespmem:s17+$0x1200] =	vst v3;
	v2 =	vadd.s32 v50, v17  }
0xf2: {  	v3 =	vld.idx.msk [tilespmem:v4+s8+$0x0], $0xffff  }
0xf3: {  	[tilespmem:s15+$0x180] =	vst v5;
	v4 =	vadd.s32 v35, v46  }
0xf4: {  	v5 =	vld.idx.msk [tilespmem:v6+s8+$0x0], $0xffff  }
0xf5: {  	v6 =	vadd.s32 v26, v44;
	[tilespmem:s23+$0x2300] =	vst v0  }
0xf6: {  	v0 =	vld.idx.msk [tilespmem:v2+s8+$0x0], $0xffff  }
0xf7: {  	[tilespmem:s17+$0x1280] =	vst v3;
	v2 =	vadd.s32 v51, v17  }
0xf8: {  	v3 =	vld.idx.msk [tilespmem:v4+s8+$0x0], $0xffff  }
0xf9: {  	[tilespmem:s15+$0x200] =	vst v5;
	v4 =	vadd.s32 v36, v46  }
0xfa: {  	v5 =	vld.idx.msk [tilespmem:v6+s8+$0x0], $0xffff  }
0xfb: {  	v6 =	vadd.s32 v27, v44;
	[tilespmem:s23+$0x2380] =	vst v0  }
0xfc: {  	v0 =	vld.idx.msk [tilespmem:v2+s8+$0x0], $0xffff  }
0xfd: {  	[tilespmem:s17+$0x1300] =	vst v3;
	v2 =	vadd.s32 v60, v17  }
0xfe: {  	v3 =	vld.idx.msk [tilespmem:v4+s8+$0x0], $0xffff  }
0xff: {  	[tilespmem:s15+$0x280] =	vst v5;
	v4 =	vadd.s32 v37, v46  }
0x100: {  	v5 =	vld.idx.msk [tilespmem:v6+s8+$0x0], $0xffff  }
0x101: {  	v6 =	vadd.s32 v28, v44;
	[tilespmem:s23+$0x3000] =	vst v0  }
0x102: {  	v0 =	vld.idx.msk [tilespmem:v2+s8+$0x0], $0xffff  }
0x103: {  	s29 =	simm.s32 $0x180;
	[tilespmem:s17+$0x1380] =	vst v3;
	v2 =	vadd.s32 v7, v17  }
0x104: {  	s30 =	simm.s32 $0x30;
	s16 =	sand.u32 $0xC00, s29;
	v3 =	vld.idx.msk [tilespmem:v4+s8+$0x0], $0xffff  }
0x105: {  	s31 =	sadd.s32 s16, s22;
	s18 =	sand.u32 $0x70, s30;
	[tilespmem:s15+$0x300] =	vst v5;
	v4 =	vadd.s32 v31, v46  }
0x106: {  	s19 =	sadd.s32 s18, s31;
	v5 =	vld.idx.msk [tilespmem:v6+s8+$0x0], $0xffff  }
0x107: {  	v10 =	vmov v7;
	v6 =	vld [tilespmem:s19+$0x0];
	v7 =	vadd.s32 v20, v44;
	[tilespmem:s23+$0x3080] =	vst v0  }
0x108: {  	v0 =	vld.idx.msk [tilespmem:v2+s8+$0x0], $0xffff  }
0x109: {  	[tilespmem:s17+$0x2000] =	vst v3;
	v2 =	vadd.s32 v8, v17  }
0x10a: {  	v3 =	vld.idx.msk [tilespmem:v4+s8+$0x0], $0xffff  }
0x10b: {  	[tilespmem:s15+$0x380] =	vst v5;
	v4 =	vadd.s32 v1, v46  }
0x10c: {  	v5 =	vld.idx.msk [tilespmem:v7+s8+$0x0], $0xffff  }
0x10d: {  	v45 =	vshll.u32 v6, $0x6;
	v7 =	vadd.s32 v21, v44;
	[tilespmem:s23+$0x3100] =	vst v0  }
0x10e: {  	v0 =	vld.idx.msk [tilespmem:v2+s8+$0x0], $0xffff;
	v2 =	vadd.s32 v29, v45  }
0x10f: {  	[tilespmem:s17+$0x2080] =	vst v3;
	v3 =	vadd.s32 v58, v17  }
0x110: {  	v4 =	vld.idx.msk [tilespmem:v4+s8+$0x0], $0xffff  }
0x111: {  	[tilespmem:s15+$0x1000] =	vst v5;
	v5 =	vadd.s32 v38, v46  }
0x112: {  	v6 =	vld.idx.msk [tilespmem:v7+s8+$0x0], $0xffff  }
0x113: {  	v7 =	vadd.s32 v30, v44;
	v2 =	vld.idx.msk [tilespmem:v2+s8+$0x0], $0xffff;
	[tilespmem:s23+$0x3180] =	vst v0  }
0x114: {  	v0 =	vld.idx.msk [tilespmem:v3+s8+$0x0], $0xffff;
	v3 =	vadd.s32 v22, v45  }
0x115: {  	[tilespmem:s17+$0x2100] =	vst v4;
	v4 =	vadd.s32 v16, v17  }
0x116: {  	s16 =	sadd.s32 s16, s21;
	v5 =	vld.idx.msk [tilespmem:v5+s8+$0x0], $0xffff  }
0x117: {  	s16 =	sadd.s32 s18, s16;
	[tilespmem:s15+$0x1080] =	vst v6;
	v6 =	vadd.s32 v39, v46  }
0x118: {  	v7 =	vld.idx.msk [tilespmem:v7+s8+$0x0], $0xffff;
	[tilespmem:s16+$0x0] =	vst v2  }
0x119: {  	v2 =	vld.idx.msk [tilespmem:v3+s8+$0x0], $0xffff;
	v3 =	vadd.s32 v32, v44;
	[tilespmem:s23+$0x3200] =	vst v0  }
0x11a: {  	v0 =	vld.idx.msk [tilespmem:v4+s8+$0x0], $0xffff;
	v4 =	vadd.s32 v23, v45  }
0x11b: {  	[tilespmem:s17+$0x2180] =	vst v5;
	v5 =	vadd.s32 v11, v17  }
0x11c: {  	v6 =	vld.idx.msk [tilespmem:v6+s8+$0x0], $0xffff  }
0x11d: {  	[tilespmem:s15+$0x1100] =	vst v7;
	v7 =	vadd.s32 v42, v46  }
0x11e: {  	v3 =	vld.idx.msk [tilespmem:v3+s8+$0x0], $0xffff;
	[tilespmem:s16+$0x80] =	vst v2  }
0x11f: {  	v2 =	vld.idx.msk [tilespmem:v4+s8+$0x0], $0xffff;
	v4 =	vadd.s32 v33, v44;
	[tilespmem:s23+$0x3280] =	vst v0  }
0x120: {  	v0 =	vld.idx.msk [tilespmem:v5+s8+$0x0], $0xffff;
	v5 =	vadd.s32 v24, v45  }
0x121: {  	[tilespmem:s17+$0x2200] =	vst v6;
	v6 =	vadd.s32 v59, v17  }
0x122: {  	v7 =	vld.idx.msk [tilespmem:v7+s8+$0x0], $0xffff  }
0x123: {  	[tilespmem:s15+$0x1180] =	vst v3;
	v3 =	vadd.s32 v43, v46  }
0x124: {  	v4 =	vld.idx.msk [tilespmem:v4+s8+$0x0], $0xffff;
	[tilespmem:s16+$0x100] =	vst v2  }
0x125: {  	v2 =	vld.idx.msk [tilespmem:v5+s8+$0x0], $0xffff;
	v5 =	vadd.s32 v34, v44;
	[tilespmem:s23+$0x3300] =	vst v0  }
0x126: {  	v0 =	vld.idx.msk [tilespmem:v6+s8+$0x0], $0xffff;
	v6 =	vadd.s32 v25, v45  }
0x127: {  	[tilespmem:s17+$0x2280] =	vst v7;
	v7 =	vadd.s32 v18, v17  }
0x128: {  	v3 =	vld.idx.msk [tilespmem:v3+s8+$0x0], $0xffff  }
0x129: {  	[tilespmem:s15+$0x1200] =	vst v4;
	v4 =	vadd.s32 v50, v46  }
0x12a: {  	v5 =	vld.idx.msk [tilespmem:v5+s8+$0x0], $0xffff;
	[tilespmem:s16+$0x180] =	vst v2  }
0x12b: {  	v2 =	vld.idx.msk [tilespmem:v6+s8+$0x0], $0xffff;
	v6 =	vadd.s32 v35, v44;
	[tilespmem:s23+$0x3380] =	vst v0  }
0x12c: {  	v0 =	vld.idx.msk [tilespmem:v7+s8+$0x0], $0xffff;
	v7 =	vadd.s32 v26, v45  }
0x12d: {  	[tilespmem:s17+$0x2300] =	vst v3;
	v3 =	vadd.s32 v61, v17  }
0x12e: {  	v4 =	vld.idx.msk [tilespmem:v4+s8+$0x0], $0xffff  }
0x12f: {  	[tilespmem:s15+$0x1280] =	vst v5;
	v5 =	vadd.s32 v51, v46  }
0x130: {  	v6 =	vld.idx.msk [tilespmem:v6+s8+$0x0], $0xffff;
	[tilespmem:s16+$0x200] =	vst v2  }
0x131: {  	v2 =	vld.idx.msk [tilespmem:v7+s8+$0x0], $0xffff;
	v7 =	vadd.s32 v36, v44;
	[tilespmem:s23+$0x4000] =	vst v0  }
0x132: {  	v0 =	vld.idx.msk [tilespmem:v3+s8+$0x0], $0xffff;
	v3 =	vadd.s32 v27, v45  }
0x133: {  	[tilespmem:s17+$0x2380] =	vst v4;
	v4 =	vadd.s32 v54, v17  }
0x134: {  	v5 =	vld.idx.msk [tilespmem:v5+s8+$0x0], $0xffff  }
0x135: {  	[tilespmem:s15+$0x1300] =	vst v6;
	v6 =	vadd.s32 v60, v46  }
0x136: {  	v7 =	vld.idx.msk [tilespmem:v7+s8+$0x0], $0xffff;
	[tilespmem:s16+$0x280] =	vst v2  }
0x137: {  	v2 =	vld.idx.msk [tilespmem:v3+s8+$0x0], $0xffff;
	v3 =	vadd.s32 v37, v44;
	[tilespmem:s23+$0x4080] =	vst v0  }
0x138: {  	v0 =	vld.idx.msk [tilespmem:v4+s8+$0x0], $0xffff;
	v4 =	vadd.s32 v28, v45  }
0x139: {  	[tilespmem:s17+$0x3000] =	vst v5;
	v5 =	vadd.s32 v55, v17  }
0x13a: {  	v6 =	vld.idx.msk [tilespmem:v6+s8+$0x0], $0xffff  }
0x13b: {  	s19 =	simm.s32 $0x200;
	[tilespmem:s15+$0x1380] =	vst v7;
	v7 =	vadd.s32 v10, v46  }
0x13c: {  	s20 =	simm.s32 $0x40;
	s18 =	sand.u32 $0xC00, s19;
	v3 =	vld.idx.msk [tilespmem:v3+s8+$0x0], $0xffff;
	[tilespmem:s16+$0x300] =	vst v2  }
0x13d: {  	s19 =	sand.u32 $0x70, s20;
	s20 =	sadd.s32 s18, s22;
	v2 =	vld.idx.msk [tilespmem:v4+s8+$0x0], $0xffff;
	v4 =	vadd.s32 v31, v44;
	[tilespmem:s23+$0x4100] =	vst v0  }
0x13e: {  	s20 =	sadd.s32 s19, s20;
	v0 =	vld.idx.msk [tilespmem:v5+s8+$0x0], $0xffff;
	v5 =	vadd.s32 v20, v45  }
0x13f: {  	v62 =	vmov v11;
	v11 =	vmov v8;
	v8 =	vld [tilespmem:s20+$0x0];
	[tilespmem:s17+$0x3080] =	vst v6;
	v6 =	vadd.s32 v15, v17  }
0x140: {  	v7 =	vld.idx.msk [tilespmem:v7+s8+$0x0], $0xffff  }
0x141: {  	[tilespmem:s15+$0x2000] =	vst v3;
	v3 =	vadd.s32 v11, v46  }
0x142: {  	v4 =	vld.idx.msk [tilespmem:v4+s8+$0x0], $0xffff;
	[tilespmem:s16+$0x380] =	vst v2  }
0x143: {  	v2 =	vld.idx.msk [tilespmem:v5+s8+$0x0], $0xffff;
	v5 =	vadd.s32 v1, v44;
	[tilespmem:s23+$0x4180] =	vst v0  }
0x144: {  	v0 =	vld.idx.msk [tilespmem:v6+s8+$0x0], $0xffff;
	v6 =	vadd.s32 v21, v45  }
0x145: {  	v47 =	vshll.u32 v8, $0x6;
	[tilespmem:s17+$0x3100] =	vst v7;
	v7 =	vadd.s32 v14, v17  }
0x146: {  	v8 =	vadd.s32 v29, v47;
	v3 =	vld.idx.msk [tilespmem:v3+s8+$0x0], $0xffff  }
0x147: {  	[tilespmem:s15+$0x2080] =	vst v4;
	v4 =	vadd.s32 v58, v46  }
0x148: {  	v5 =	vld.idx.msk [tilespmem:v5+s8+$0x0], $0xffff;
	[tilespmem:s16+$0x1000] =	vst v2  }
0x149: {  	v2 =	vld.idx.msk [tilespmem:v6+s8+$0x0], $0xffff;
	v6 =	vadd.s32 v38, v44;
	[tilespmem:s23+$0x4200] =	vst v0  }
0x14a: {  	v0 =	vld.idx.msk [tilespmem:v7+s8+$0x0], $0xffff;
	v7 =	vadd.s32 v30, v45  }
0x14b: {  	v8 =	vld.idx.msk [tilespmem:v8+s8+$0x0], $0xffff;
	[tilespmem:s17+$0x3180] =	vst v3;
	v3 =	vadd.s32 v9, v17  }
0x14c: {  	v12 =	vmov v9;
	v9 =	vadd.s32 v22, v47;
	v4 =	vld.idx.msk [tilespmem:v4+s8+$0x0], $0xffff  }
0x14d: {  	[tilespmem:s15+$0x2100] =	vst v5  }
0x14e: {  	s18 =	sadd.s32 s18, s21;
	v5 =	vadd.s32 v16, v46;
	v6 =	vld.idx.msk [tilespmem:v6+s8+$0x0], $0xffff;
	[tilespmem:s16+$0x1080] =	vst v2  }
0x14f: {  	s18 =	sadd.s32 s19, s18;
	v2 =	vld.idx.msk [tilespmem:v7+s8+$0x0], $0xffff;
	[tilespmem:s23+$0x4280] =	vst v0  }
0x150: {  	[tilespmem:s18+$0x0] =	vst v8;
	v0 =	vld.idx.msk [tilespmem:v3+s8+$0x0], $0xffff  }
0x151: {  	v8 =	vld.idx.msk [tilespmem:v9+s8+$0x0], $0xffff;
	[tilespmem:s17+$0x3200] =	vst v4  }
0x152: {  	v41 =	vmov v15;
	v15 =	vmov v61;
	v7 =	vadd.s32 v39, v44;
	v61 =	vld [tilespmem:$0x1FF50]  }
0x153: {  	v3 =	vadd.s32 v32, v45;
	v5 =	vld.idx.msk [tilespmem:v5+s8+$0x0], $0xffff  }
0x154: {  	[tilespmem:s15+$0x2180] =	vst v6  }
0x155: {  	v9 =	vadd.s32 v23, v47;
	[tilespmem:s16+$0x1100] =	vst v2  }
0x156: {  	v6 =	vadd.s32 v62, v46;
	[tilespmem:s23+$0x4300] =	vst v0  }
0x157: {  	v7 =	vld.idx.msk [tilespmem:v7+s8+$0x0], $0xffff;
	[tilespmem:s18+$0x80] =	vst v8  }
0x158: {  	v2 =	vld.idx.msk [tilespmem:v3+s8+$0x0], $0xffff;
	v4 =	vadd.s32 v61, v17;
	[tilespmem:s17+$0x3280] =	vst v5  }
0x159: {  	v53 =	vld [tilespmem:$0x1FF60]  }
0x15a: {  	v3 =	vadd.s32 v42, v44;
	v8 =	vld.idx.msk [tilespmem:v9+s8+$0x0], $0xffff  }
0x15b: {  	v9 =	vadd.s32 v24, v47;
	v6 =	vld.idx.msk [tilespmem:v6+s8+$0x0], $0xffff  }
0x15c: {  	[tilespmem:s15+$0x2200] =	vst v7;
	v7 =	vadd.s32 v59, v46  }
0x15d: {  	v0 =	vld.idx.msk [tilespmem:v4+s8+$0x0], $0xffff;
	v4 =	vadd.s32 v33, v45  }
0x15e: {  	v5 =	vadd.s32 v53, v17  }
0x15f: {  	v3 =	vld.idx.msk [tilespmem:v3+s8+$0x0], $0xffff;
	[tilespmem:s18+$0x100] =	vst v8  }
0x160: {  	v8 =	vld.idx.msk [tilespmem:v9+s8+$0x0], $0xffff;
	[tilespmem:s17+$0x3300] =	vst v6  }
0x161: {  	[tilespmem:s16+$0x1180] =	vst v2;
	v7 =	vld.idx.msk [tilespmem:v7+s8+$0x0], $0xffff  }
0x162: {  	v2 =	vld.idx.msk [tilespmem:v4+s8+$0x0], $0xffff;
	[tilespmem:s23+$0x4380] =	vst v0  }
0x163: {  	v0 =	vld.idx.msk [tilespmem:v5+s8+$0x0], $0xffff  }
0x164: {  	v9 =	vadd.s32 v25, v47;
	v57 =	vld [tilespmem:$0x1FF70]  }
0x165: {  	[tilespmem:s15+$0x2280] =	vst v3  }
0x166: {  	v4 =	vadd.s32 v43, v44;
	[tilespmem:s18+$0x180] =	vst v8  }
0x167: {  	v5 =	vadd.s32 v34, v45;
	[tilespmem:s17+$0x3380] =	vst v7  }
0x168: {  	v3 =	vadd.s32 v18, v46;
	[tilespmem:s16+$0x1200] =	vst v2  }
0x169: {  	v8 =	vld.idx.msk [tilespmem:v9+s8+$0x0], $0xffff;
	v6 =	vadd.s32 v57, v17;
	[tilespmem:s23+$0x5000] =	vst v0  }
0x16a: {  	v63 =	vmov v18;
	v18 =	vld [tilespmem:$0x1FF80]  }
0x16b: {  	v4 =	vld.idx.msk [tilespmem:v4+s8+$0x0], $0xffff  }
0x16c: {  	v2 =	vld.idx.msk [tilespmem:v5+s8+$0x0], $0xffff;
	v5 =	vadd.s32 v50, v44  }
0x16d: {  	v9 =	vadd.s32 v26, v47;
	v3 =	vld.idx.msk [tilespmem:v3+s8+$0x0], $0xffff  }
0x16e: {  	v0 =	vld.idx.msk [tilespmem:v6+s8+$0x0], $0xffff;
	v6 =	vadd.s32 v35, v45  }
0x16f: {  	[tilespmem:s18+$0x200] =	vst v8;
	v7 =	vadd.s32 v18, v17  }
0x170: {  	[tilespmem:s15+$0x2300] =	vst v4;
	v4 =	vadd.s32 v15, v46  }
0x171: {  	v5 =	vld.idx.msk [tilespmem:v5+s8+$0x0], $0xffff;
	[tilespmem:s16+$0x1280] =	vst v2  }
0x172: {  	v8 =	vld.idx.msk [tilespmem:v9+s8+$0x0], $0xffff;
	[tilespmem:s17+$0x4000] =	vst v3  }
0x173: {  	v40 =	vadd.s32 $0x2B, v29;
	v9 =	vadd.s32 v27, v47;
	v2 =	vld.idx.msk [tilespmem:v6+s8+$0x0], $0xffff;
	[tilespmem:s23+$0x5080] =	vst v0  }
0x174: {  	v6 =	vadd.s32 v51, v44;
	v0 =	vld.idx.msk [tilespmem:v7+s8+$0x0], $0xffff;
	[tilespmem:$0x1FE70] =	vst v40  }
0x175: {  	v7 =	vadd.s32 v36, v45;
	v4 =	vld.idx.msk [tilespmem:v4+s8+$0x0], $0xffff  }
0x176: {  	v3 =	vadd.s32 v40, v17;
	[tilespmem:s15+$0x2380] =	vst v5  }
0x177: {  	v5 =	vadd.s32 v54, v46;
	[tilespmem:s18+$0x280] =	vst v8  }
0x178: {  	v8 =	vld.idx.msk [tilespmem:v9+s8+$0x0], $0xffff;
	[tilespmem:s16+$0x1300] =	vst v2  }
0x179: {  	v9 =	vadd.s32 v28, v47;
	v6 =	vld.idx.msk [tilespmem:v6+s8+$0x0], $0xffff;
	[tilespmem:s23+$0x5100] =	vst v0  }
0x17a: {  	v52 =	vadd.s32 $0x2C, v29;
	v2 =	vld.idx.msk [tilespmem:v7+s8+$0x0], $0xffff;
	v7 =	vadd.s32 v60, v44;
	[tilespmem:s17+$0x4080] =	vst v4  }
0x17b: {  	v0 =	vld.idx.msk [tilespmem:v3+s8+$0x0], $0xffff;
	v3 =	vadd.s32 v37, v45;
	[tilespmem:$0x1FEA0] =	vst v52  }
0x17c: {  	v5 =	vld.idx.msk [tilespmem:v5+s8+$0x0], $0xffff  }
0x17d: {  	v4 =	vadd.s32 v52, v17;
	[tilespmem:s18+$0x300] =	vst v8  }
0x17e: {  	[tilespmem:s15+$0x3000] =	vst v6;
	v6 =	vadd.s32 v55, v46;
	v8 =	vld.idx.msk [tilespmem:v9+s8+$0x0], $0xffff  }
0x17f: {  	v7 =	vld.idx.msk [tilespmem:v7+s8+$0x0], $0xffff;
	[tilespmem:s16+$0x1380] =	vst v2  }
0x180: {  	s24 =	simm.s32 $0x280;
	v2 =	vld.idx.msk [tilespmem:v3+s8+$0x0], $0xffff;
	v3 =	vadd.s32 v10, v44;
	[tilespmem:s23+$0x5180] =	vst v0  }
0x181: {  	v56 =	vmovc v55;
	s25 =	simm.s32 $0x50;
	s19 =	sand.u32 $0xC00, s24;
	v55 =	vmov v10;
	v9 =	vadd.s32 v20, v47;
	v10 =	vadd.s32 $0x2D, v29;
	[tilespmem:s17+$0x4100] =	vst v5  }
0x182: {  	s24 =	sand.u32 $0x70, s25;
	s26 =	sadd.s32 s19, s22;
	v0 =	vld.idx.msk [tilespmem:v4+s8+$0x0], $0xffff;
	v4 =	vadd.s32 v31, v45;
	[tilespmem:$0x1FED0] =	vst v10  }
0x183: {  	s20 =	sadd.s32 s24, s26;
	v6 =	vld.idx.msk [tilespmem:v6+s8+$0x0], $0xffff  }
0x184: {  	v15 =	vmov v59;
	v59 =	vmov v10;
	v5 =	vadd.s32 v10, v17;
	v10 =	vld [tilespmem:s20+$0x0];
	[tilespmem:s15+$0x3080] =	vst v7  }
0x185: {  	[tilespmem:s18+$0x380] =	vst v8;
	v3 =	vld.idx.msk [tilespmem:v3+s8+$0x0], $0xffff  }
0x186: {  	v7 =	vadd.s32 v41, v46;
	[tilespmem:s16+$0x2000] =	vst v2;
	v9 =	vld.idx.msk [tilespmem:v9+s8+$0x0], $0xffff  }
0x187: {  	v2 =	vld.idx.msk [tilespmem:v4+s8+$0x0], $0xffff;
	v4 =	vadd.s32 v11, v44  }
0x188: {  	v49 =	vmov v11;
	v11 =	vadd.s32 v21, v47  }
0x189: {  	v8 =	vadd.s32 v1, v45;
	[tilespmem:s23+$0x5200] =	vst v0  }
0x18a: {  	v13 =	vadd.s32 $0x2E, v29;
	v5 =	vld.idx.msk [tilespmem:v5+s8+$0x0], $0xffff;
	[tilespmem:s17+$0x4180] =	vst v6  }
0x18b: {  	v6 =	vadd.s32 v13, v17;
	v48 =	vshll.u32 v10, $0x6;
	v7 =	vld.idx.msk [tilespmem:v7+s8+$0x0], $0xffff;
	[tilespmem:s15+$0x3100] =	vst v3  }
0x18c: {  	v10 =	vadd.s32 v29, v48;
	[tilespmem:s18+$0x1000] =	vst v9;
	v4 =	vld.idx.msk [tilespmem:v4+s8+$0x0], $0xffff  }
0x18d: {  	v3 =	vadd.s32 v14, v46;
	[tilespmem:s16+$0x2080] =	vst v2;
	v9 =	vld.idx.msk [tilespmem:v11+s8+$0x0], $0xffff  }
0x18e: {  	v2 =	vld.idx.msk [tilespmem:v8+s8+$0x0], $0xffff;
	v8 =	vadd.s32 v58, v44  }
0x18f: {  	v11 =	vadd.s32 v30, v47;
	[tilespmem:s23+$0x5280] =	vst v5  }
0x190: {  	v41 =	vadd.s32 $0x2F, v29;
	v5 =	vld.idx.msk [tilespmem:v6+s8+$0x0], $0xffff;
	v6 =	vadd.s32 v38, v45  }
0x191: {  	[tilespmem:s17+$0x4200] =	vst v7;
	v7 =	vadd.s32 v41, v17;
	v10 =	vld.idx.msk [tilespmem:v10+s8+$0x0], $0xffff  }
0x192: {  	v3 =	vld.idx.msk [tilespmem:v3+s8+$0x0], $0xffff;
	[tilespmem:s15+$0x3180] =	vst v4  }
0x193: {  	v4 =	vadd.s32 v12, v46;
	v12 =	vadd.s32 v22, v48;
	[tilespmem:s18+$0x1080] =	vst v9;
	v8 =	vld.idx.msk [tilespmem:v8+s8+$0x0], $0xffff  }
0x194: {  	[tilespmem:s16+$0x2100] =	vst v2;
	v9 =	vld.idx.msk [tilespmem:v11+s8+$0x0], $0xffff  }
0x195: {  	s19 =	sadd.s32 s19, s21;
	v2 =	vld.idx.msk [tilespmem:v6+s8+$0x0], $0xffff;
	v6 =	vadd.s32 v16, v44;
	[tilespmem:s23+$0x5300] =	vst v5  }
0x196: {  	s19 =	sadd.s32 s24, s19;
	v5 =	vld.idx.msk [tilespmem:v7+s8+$0x0], $0xffff;
	v7 =	vadd.s32 v39, v45  }
0x197: {  	v19 =	vadd.s32 $0x30, v29;
	[tilespmem:s19+$0x0] =	vst v10;
	v10 =	vadd.s32 v32, v47  }
0x198: {  	[tilespmem:s17+$0x4280] =	vst v3;
	v3 =	vadd.s32 v19, v17;
	v11 =	vld.idx.msk [tilespmem:v12+s8+$0x0], $0xffff  }
0x199: {  	v12 =	vadd.s32 v23, v48;
	v4 =	vld.idx.msk [tilespmem:v4+s8+$0x0], $0xffff;
	[tilespmem:s15+$0x3200] =	vst v8  }
0x19a: {  	v8 =	vadd.s32 v61, v46;
	v6 =	vld.idx.msk [tilespmem:v6+s8+$0x0], $0xffff;
	[tilespmem:s16+$0x2180] =	vst v2  }
0x19b: {  	[tilespmem:s18+$0x1100] =	vst v9;
	v2 =	vld.idx.msk [tilespmem:v7+s8+$0x0], $0xffff;
	v7 =	vadd.s32 v62, v44  }
0x19c: {  	[tilespmem:s23+$0x5380] =	vst v5;
	v5 =	vadd.s32 v42, v45;
	v9 =	vld.idx.msk [tilespmem:v10+s8+$0x0], $0xffff  }
0x19d: {  	v16 =	vmov v62;
	v62 =	vadd.s32 $0x31, v29;
	v10 =	vadd.s32 v33, v47;
	v3 =	vld.idx.msk [tilespmem:v3+s8+$0x0], $0xffff;
	[tilespmem:s19+$0x80] =	vst v11  }
0x19e: {  	[tilespmem:s17+$0x4300] =	vst v4;
	v4 =	vadd.s32 v62, v17;
	v11 =	vld.idx.msk [tilespmem:v12+s8+$0x0], $0xffff  }
0x19f: {  	v8 =	vld.idx.msk [tilespmem:v8+s8+$0x0], $0xffff;
	[tilespmem:s15+$0x3280] =	vst v6  }
0x1a0: {  	v12 =	vadd.s32 v24, v48;
	v7 =	vld.idx.msk [tilespmem:v7+s8+$0x0], $0xffff;
	[tilespmem:s16+$0x2200] =	vst v2  }
0x1a1: {  	v6 =	vadd.s32 v53, v46;
	[tilespmem:s18+$0x1180] =	vst v9;
	v2 =	vld.idx.msk [tilespmem:v5+s8+$0x0], $0xffff  }
0x1a2: {  	v5 =	vadd.s32 v15, v44;
	[tilespmem:s23+$0x6000] =	vst v3;
	v9 =	vld.idx.msk [tilespmem:v10+s8+$0x0], $0xffff  }
0x1a3: {  	v3 =	vld.idx.msk [tilespmem:v4+s8+$0x0], $0xffff;
	v4 =	vadd.s32 v43, v45  }
0x1a4: {  	v53 =	vadd.s32 $0x32, v29;
	[tilespmem:s19+$0x100] =	vst v11  }
0x1a5: {  	s29 =	simm.s32 $0x300;
	[tilespmem:s17+$0x4380] =	vst v8;
	v8 =	vadd.s32 v53, v17;
	v11 =	vld.idx.msk [tilespmem:v12+s8+$0x0], $0xffff  }
0x1a6: {  	s25 =	simm.s32 $0x60;
	s20 =	sand.u32 $0xC00, s29;
	v10 =	vadd.s32 v34, v47;
	v6 =	vld.idx.msk [tilespmem:v6+s8+$0x0], $0xffff;
	[tilespmem:s15+$0x3300] =	vst v7  }
0x1a7: {  	s28 =	sand.u32 $0x70, s25;
	s30 =	sadd.s32 s20, s22;
	v12 =	vadd.s32 v25, v48;
	v5 =	vld.idx.msk [tilespmem:v5+s8+$0x0], $0xffff;
	[tilespmem:s16+$0x2280] =	vst v2  }
0x1a8: {  	s25 =	sadd.s32 s28, s30;
	v7 =	vadd.s32 v57, v46;
	[tilespmem:s18+$0x1200] =	vst v9;
	v2 =	vld.idx.msk [tilespmem:v4+s8+$0x0], $0xffff  }
0x1a9: {  	v0 =	vld [tilespmem:s25+$0x0];
	[tilespmem:s23+$0x6080] =	vst v3  }
0x1aa: {  	v4 =	vadd.s32 v63, v44;
	v3 =	vld.idx.msk [tilespmem:v8+s8+$0x0], $0xffff;
	[tilespmem:s19+$0x180] =	vst v11  }
0x1ab: {  	v61 =	vmovc v54;
	v54 =	vmov v63;
	v63 =	vadd.s32 $0x33, v29;
	v9 =	vld.idx.msk [tilespmem:v10+s8+$0x0], $0xffff;
	v8 =	vadd.s32 v50, v45;
	[tilespmem:s17+$0x5000] =	vst v6  }
0x1ac: {  	v6 =	vadd.s32 v63, v17;
	v11 =	vld.idx.msk [tilespmem:v12+s8+$0x0], $0xffff;
	[tilespmem:s15+$0x3380] =	vst v5  }
0x1ad: {  	v10 =	vadd.s32 v35, v47;
	v7 =	vld.idx.msk [tilespmem:v7+s8+$0x0], $0xffff;
	[tilespmem:s16+$0x2300] =	vst v2  }
0x1ae: {  	v57 =	vld [tilespmem:$0x1FFE0]  }
0x1af: {  	v5 =	vadd.s32 v18, v46;
	v4 =	vld.idx.msk [tilespmem:v4+s8+$0x0], $0xffff;
	[tilespmem:s23+$0x6100] =	vst v3  }
0x1b0: {  	v15 =	vmov v14;
	v14 =	vadd.s32 $0x34, v29;
	v12 =	vadd.s32 v26, v48;
	v2 =	vld.idx.msk [tilespmem:v8+s8+$0x0], $0xffff;
	[tilespmem:s18+$0x1280] =	vst v9  }
0x1b1: {  	v3 =	vld.idx.msk [tilespmem:v6+s8+$0x0], $0xffff;
	v6 =	vadd.s32 v51, v45;
	[tilespmem:$0x1FE60] =	vst v14  }
0x1b2: {  	v9 =	vld.idx.msk [tilespmem:v10+s8+$0x0], $0xffff;
	[tilespmem:s17+$0x5080] =	vst v7;
	v7 =	vadd.s32 v14, v17  }
0x1b3: {  	[tilespmem:s19+$0x200] =	vst v11;
	v8 =	vadd.s32 v57, v44  }
0x1b4: {  	v10 =	vadd.s32 v36, v47;
	v5 =	vld.idx.msk [tilespmem:v5+s8+$0x0], $0xffff;
	[tilespmem:s15+$0x4000] =	vst v4  }
0x1b5: {  	v11 =	vld.idx.msk [tilespmem:v12+s8+$0x0], $0xffff;
	[tilespmem:s16+$0x2380] =	vst v2  }
0x1b6: {  	v4 =	vadd.s32 v40, v46;
	v2 =	vld.idx.msk [tilespmem:v6+s8+$0x0], $0xffff;
	[tilespmem:s23+$0x6180] =	vst v3  }
0x1b7: {  	v14 =	vadd.s32 $0x35, v29;
	v12 =	vadd.s32 v27, v48;
	[tilespmem:s18+$0x1300] =	vst v9;
	v3 =	vld.idx.msk [tilespmem:v7+s8+$0x0], $0xffff  }
0x1b8: {  	v7 =	vadd.s32 v60, v45;
	v8 =	vld.idx.msk [tilespmem:v8+s8+$0x0], $0xffff;
	[tilespmem:$0x1FE90] =	vst v14  }
0x1b9: {  	v6 =	vadd.s32 v61, v44;
	v9 =	vld.idx.msk [tilespmem:v10+s8+$0x0], $0xffff;
	[tilespmem:s17+$0x5100] =	vst v5  }
0x1ba: {  	v5 =	vadd.s32 v14, v17;
	[tilespmem:s19+$0x280] =	vst v11  }
0x1bb: {  	[tilespmem:s16+$0x3000] =	vst v2;
	v4 =	vld.idx.msk [tilespmem:v4+s8+$0x0], $0xffff  }
0x1bc: {  	v11 =	vld.idx.msk [tilespmem:v12+s8+$0x0], $0xffff;
	[tilespmem:s23+$0x6200] =	vst v3  }
0x1bd: {  	v2 =	vld.idx.msk [tilespmem:v7+s8+$0x0], $0xffff;
	[tilespmem:s15+$0x4080] =	vst v8  }
0x1be: {  	v10 =	vadd.s32 v37, v47;
	v14 =	vadd.s32 $0x36, v29;
	v6 =	vld.idx.msk [tilespmem:v6+s8+$0x0], $0xffff;
	[tilespmem:s18+$0x1380] =	vst v9  }
0x1bf: {  	v3 =	vld.idx.msk [tilespmem:v5+s8+$0x0], $0xffff;
	[tilespmem:$0x1FEC0] =	vst v14  }
0x1c0: {  	v12 =	vadd.s32 v28, v48;
	[tilespmem:s17+$0x5180] =	vst v4  }
0x1c1: {  	v8 =	vadd.s32 v52, v46;
	[tilespmem:s19+$0x300] =	vst v11  }
0x1c2: {  	v5 =	vadd.s32 v55, v45;
	[tilespmem:s16+$0x3080] =	vst v2  }
0x1c3: {  	v7 =	vadd.s32 v56, v44;
	v9 =	vld.idx.msk [tilespmem:v10+s8+$0x0], $0xffff;
	[tilespmem:s15+$0x4100] =	vst v6  }
0x1c4: {  	v4 =	vadd.s32 v14, v17;
	v14 =	vld [tilespmem:$0x1FF10]  }
0x1c5: {  	v10 =	vadd.s32 v31, v47;
	v11 =	vld.idx.msk [tilespmem:v12+s8+$0x0], $0xffff  }
0x1c6: {  	v12 =	vadd.s32 v20, v48;
	v8 =	vld.idx.msk [tilespmem:v8+s8+$0x0], $0xffff  }
0x1c7: {  	v6 =	vadd.s32 v59, v46;
	v2 =	vld.idx.msk [tilespmem:v5+s8+$0x0], $0xffff  }
0x1c8: {  	v7 =	vld.idx.msk [tilespmem:v7+s8+$0x0], $0xffff;
	[tilespmem:s23+$0x6280] =	vst v3  }
0x1c9: {  	s26 =	simm.s32 $0x380;
	[tilespmem:s18+$0x2000] =	vst v9;
	v52 =	vld.idx.msk [tilespmem:v4+s8+$0x0], $0xffff;
	v5 =	vadd.s32 v14, v44  }
0x1ca: {  	s31 =	simm.s32 $0x70;
	s24 =	sand.u32 $0xC00, s26;
	v9 =	vadd.s32 v49, v45;
	v4 =	vld.idx.msk [tilespmem:v10+s8+$0x0], $0xffff;
	[tilespmem:s19+$0x380] =	vst v11  }
0x1cb: {  	s29 =	sadd.s32 s24, s22;
	s25 =	sand.u32 $0x70, s31;
	[tilespmem:s17+$0x5200] =	vst v8;
	v8 =	vadd.s32 $0x37, v29;
	v11 =	vld.idx.msk [tilespmem:v12+s8+$0x0], $0xffff;
	v12 =	vadd.s32 v1, v47  }
0x1cc: {  	s29 =	sadd.s32 s25, s29;
	v6 =	vld.idx.msk [tilespmem:v6+s8+$0x0], $0xffff;
	v10 =	vadd.s32 v8, v17  }
0x1cd: {  	v56 =	vmov v8;
	v8 =	vld [tilespmem:s29+$0x0];
	[tilespmem:s15+$0x4180] =	vst v7;
	v7 =	vadd.s32 v13, v46  }
0x1ce: {  	v59 =	vmov v13;
	[tilespmem:s16+$0x3100] =	vst v2;
	v13 =	vadd.s32 v21, v48;
	v5 =	vld.idx.msk [tilespmem:v5+s8+$0x0], $0xffff  }
0x1cf: {  	v49 =	vshll.u32 v0, $0x6;
	v2 =	vadd.s32 v15, v44;
	v0 =	vld.idx.msk [tilespmem:v9+s8+$0x0], $0xffff;
	[tilespmem:s18+$0x2080] =	vst v4  }
0x1d0: {  	[tilespmem:s23+$0x6300] =	vst v52;
	v9 =	vld.idx.msk [tilespmem:v12+s8+$0x0], $0xffff  }
0x1d1: {  	v4 =	vld.idx.msk [tilespmem:v10+s8+$0x0], $0xffff;
	[tilespmem:s17+$0x5280] =	vst v6  }
0x1d2: {  	v40 =	vadd.s32 v29, v49;
	[tilespmem:s19+$0x1000] =	vst v11;
	v60 =	vld.idx.msk [tilespmem:v7+s8+$0x0], $0xffff  }
0x1d3: {  	v11 =	vld.idx.msk [tilespmem:v13+s8+$0x0], $0xffff;
	[tilespmem:s15+$0x4200] =	vst v5  }
0x1d4: {  	v12 =	vadd.s32 $0x38, v29;
	v10 =	vadd.s32 v58, v45;
	[tilespmem:s16+$0x3180] =	vst v0;
	v18 =	vld.idx.msk [tilespmem:v2+s8+$0x0], $0xffff  }
0x1d5: {  	v55 =	vadd.s32 v12, v17;
	v7 =	vmovc v41;
	v5 =	vadd.s32 v41, v46;
	v41 =	vmov v57;
	v57 =	vld [tilespmem:$0x1FFD0]  }
0x1d6: {  	v6 =	vmov v12;
	v12 =	vadd.s32 v38, v47;
	v15 =	vld [tilespmem:$0x1FFB0]  }
0x1d7: {  	v2 =	vld.idx.msk [tilespmem:v40+s8+$0x0], $0xffff  }
0x1d8: {  	v40 =	vld [tilespmem:$0x1FFF0];
	[tilespmem:s23+$0x6380] =	vst v4  }
0x1d9: {  	v13 =	vadd.s32 v30, v48;
	v10 =	vld.idx.msk [tilespmem:v10+s8+$0x0], $0xffff;
	[tilespmem:s18+$0x2100] =	vst v9  }
0x1da: {  	v3 =	vmov v14;
	[tilespmem:s17+$0x5300] =	vst v60;
	v0 =	vld.idx.msk [tilespmem:v55+s8+$0x0], $0xffff;
	v14 =	vadd.s32 v57, v44  }
0x1db: {  	v52 =	vmovc v54;
	[tilespmem:s19+$0x1080] =	vst v11;
	v9 =	vld.idx.msk [tilespmem:v12+s8+$0x0], $0xffff;
	v54 =	vmov v15;
	v12 =	vadd.s32 v15, v45;
	v15 =	vadd.s32 $0x39, v29  }
0x1dc: {  	s20 =	sadd.s32 s20, s21;
	v5 =	vld.idx.msk [tilespmem:v5+s8+$0x0], $0xffff;
	[tilespmem:$0x1FDD0] =	vst v15  }
0x1dd: {  	s20 =	sadd.s32 s28, s20;
	[tilespmem:s15+$0x4280] =	vst v18  }
0x1de: {  	v11 =	vld.idx.msk [tilespmem:v13+s8+$0x0], $0xffff;
	[tilespmem:s20+$0x0] =	vst v2  }
0x1df: {  	v4 =	vadd.s32 v22, v49;
	v18 =	vld.idx.msk [tilespmem:v14+s8+$0x0], $0xffff;
	[tilespmem:$0x1FDE0] =	vst v19  }
0x1e0: {  	[tilespmem:s16+$0x3200] =	vst v10  }
0x1e1: {  	v60 =	vadd.s32 v15, v17;
	v2 =	vld [tilespmem:$0x1FF50]  }
0x1e2: {  	v13 =	vadd.s32 v39, v47  }
0x1e3: {  	v14 =	vadd.s32 v19, v46  }
0x1e4: {  	v4 =	vld.idx.msk [tilespmem:v4+s8+$0x0], $0xffff;
	[tilespmem:s23+$0x7000] =	vst v0  }
0x1e5: {  	v15 =	vadd.s32 v32, v48;
	v10 =	vld.idx.msk [tilespmem:v12+s8+$0x0], $0xffff;
	[tilespmem:s18+$0x2180] =	vst v9  }
0x1e6: {  	[tilespmem:s17+$0x5380] =	vst v5;
	v19 =	vld.idx.msk [tilespmem:v60+s8+$0x0], $0xffff;
	v12 =	vadd.s32 v2, v44  }
0x1e7: {  	v0 =	vmov v16;
	[tilespmem:s19+$0x1100] =	vst v11;
	v9 =	vld.idx.msk [tilespmem:v13+s8+$0x0], $0xffff;
	v13 =	vadd.s32 v16, v45;
	v16 =	vadd.s32 $0x3A, v29  }
0x1e8: {  	v5 =	vld.idx.msk [tilespmem:v14+s8+$0x0], $0xffff;
	[tilespmem:$0x1FDF0] =	vst v16  }
0x1e9: {  	[tilespmem:s15+$0x4300] =	vst v18  }
0x1ea: {  	v14 =	vld.idx.msk [tilespmem:v15+s8+$0x0], $0xffff;
	[tilespmem:s20+$0x80] =	vst v4  }
0x1eb: {  	v4 =	vld.idx.msk [tilespmem:v12+s8+$0x0], $0xffff;
	[tilespmem:$0x1FE00] =	vst v62  }
0x1ec: {  	[tilespmem:s16+$0x3280] =	vst v10  }
0x1ed: {  	v2 =	vadd.s32 v23, v49;
	v10 =	vld.idx.msk [tilespmem:v13+s8+$0x0], $0xffff  }
0x1ee: {  	v11 =	vadd.s32 v16, v17;
	v13 =	vld [tilespmem:$0x1FF60]  }
0x1ef: {  	v15 =	vadd.s32 v42, v47  }
0x1f0: {  	v12 =	vadd.s32 v62, v46  }
0x1f1: {  	[tilespmem:s23+$0x7080] =	vst v19  }
0x1f2: {  	v16 =	vadd.s32 v33, v48;
	v2 =	vld.idx.msk [tilespmem:v2+s8+$0x0], $0xffff;
	[tilespmem:s18+$0x2200] =	vst v9  }
0x1f3: {  	[tilespmem:s17+$0x6000] =	vst v5;
	v9 =	vld.idx.msk [tilespmem:v11+s8+$0x0], $0xffff;
	v13 =	vadd.s32 v13, v44  }
0x1f4: {  	v18 =	vadd.s32 $0x3B, v29;
	[tilespmem:s19+$0x1180] =	vst v14;
	v11 =	vld.idx.msk [tilespmem:v15+s8+$0x0], $0xffff  }
0x1f5: {  	v5 =	vld.idx.msk [tilespmem:v12+s8+$0x0], $0xffff;
	[tilespmem:$0x1FE10] =	vst v18  }
0x1f6: {  	[tilespmem:s15+$0x4380] =	vst v4  }
0x1f7: {  	v14 =	vld.idx.msk [tilespmem:v16+s8+$0x0], $0xffff;
	[tilespmem:s20+$0x100] =	vst v2  }
0x1f8: {  	v19 =	vadd.s32 v24, v49;
	v55 =	vld.idx.msk [tilespmem:v13+s8+$0x0], $0xffff;
	[tilespmem:$0x1FE20] =	vst v53  }
0x1f9: {  	v15 =	vadd.s32 v40, v45;
	[tilespmem:s16+$0x3300] =	vst v10  }
0x1fa: {  	v12 =	vadd.s32 v18, v17;
	v2 =	vld [tilespmem:$0x1FF70]  }
0x1fb: {  	v16 =	vadd.s32 v43, v47  }
0x1fc: {  	v13 =	vadd.s32 v53, v46  }
0x1fd: {  	v4 =	vld.idx.msk [tilespmem:v19+s8+$0x0], $0xffff;
	[tilespmem:s23+$0x7100] =	vst v9  }
0x1fe: {  	v19 =	vadd.s32 v34, v48;
	v10 =	vld.idx.msk [tilespmem:v15+s8+$0x0], $0xffff;
	[tilespmem:s18+$0x2280] =	vst v11  }
0x1ff: {  	[tilespmem:s17+$0x6080] =	vst v5;
	v11 =	vld.idx.msk [tilespmem:v12+s8+$0x0], $0xffff;
	v15 =	vadd.s32 v2, v44  }
0x200: {  	v18 =	vadd.s32 $0x3C, v29;
	[tilespmem:s19+$0x1200] =	vst v14;
	v12 =	vld.idx.msk [tilespmem:v16+s8+$0x0], $0xffff  }
0x201: {  	v5 =	vld.idx.msk [tilespmem:v13+s8+$0x0], $0xffff;
	[tilespmem:$0x1FE30] =	vst v18  }
0x202: {  	[tilespmem:s15+$0x5000] =	vst v55  }
0x203: {  	v14 =	vld.idx.msk [tilespmem:v19+s8+$0x0], $0xffff;
	[tilespmem:s20+$0x180] =	vst v4  }
0x204: {  	v19 =	vld.idx.msk [tilespmem:v15+s8+$0x0], $0xffff;
	[tilespmem:$0x1FE40] =	vst v63  }
0x205: {  	v9 =	vadd.s32 v25, v49;
	[tilespmem:s16+$0x3380] =	vst v10  }
0x206: {  	v16 =	vadd.s32 v52, v45;
	v4 =	vld [tilespmem:$0x1FF80]  }
0x207: {  	v13 =	vadd.s32 v18, v17  }
0x208: {  	v18 =	vadd.s32 v50, v47  }
0x209: {  	v60 =	vadd.s32 v63, v46  }
0x20a: {  	v9 =	vld.idx.msk [tilespmem:v9+s8+$0x0], $0xffff;
	[tilespmem:s23+$0x7180] =	vst v11  }
0x20b: {  	v10 =	vld.idx.msk [tilespmem:v16+s8+$0x0], $0xffff;
	[tilespmem:s18+$0x2300] =	vst v12;
	v16 =	vadd.s32 v4, v44  }
0x20c: {  	[tilespmem:s17+$0x6100] =	vst v5;
	v12 =	vld.idx.msk [tilespmem:v13+s8+$0x0], $0xffff  }
0x20d: {  	[tilespmem:s19+$0x1280] =	vst v14;
	v13 =	vld.idx.msk [tilespmem:v18+s8+$0x0], $0xffff;
	v4 =	vadd.s32 $0x3D, v29  }
0x20e: {  	v15 =	vadd.s32 v35, v48;
	v5 =	vld.idx.msk [tilespmem:v60+s8+$0x0], $0xffff;
	[tilespmem:$0x1FE50] =	vst v4  }
0x20f: {  	v14 =	vadd.s32 v4, v17;
	v4 =	vld [tilespmem:$0x1FFA0];
	[tilespmem:s15+$0x5080] =	vst v19  }
0x210: {  	[tilespmem:s20+$0x200] =	vst v9;
	v9 =	vld.idx.msk [tilespmem:v16+s8+$0x0], $0xffff  }
0x211: {  	v16 =	vld [tilespmem:$0x1FE60]  }
0x212: {  	v11 =	vadd.s32 v26, v49  }
0x213: {  	v63 =	vadd.s32 v41, v45;
	v15 =	vld.idx.msk [tilespmem:v15+s8+$0x0], $0xffff  }
0x214: {  	v2 =	vmov v52;
	v52 =	vmov v57;
	v57 =	vld [tilespmem:$0x1FF20];
	[tilespmem:s16+$0x4000] =	vst v10  }
0x215: {  	v18 =	vadd.s32 v51, v47;
	v10 =	vld [tilespmem:$0x1FE70]  }
0x216: {  	v16 =	vadd.s32 v16, v46  }
0x217: {  	v11 =	vld.idx.msk [tilespmem:v11+s8+$0x0], $0xffff;
	[tilespmem:s23+$0x7200] =	vst v12  }
0x218: {  	v53 =	vmov v41;
	v41 =	vld.idx.msk [tilespmem:v63+s8+$0x0], $0xffff;
	[tilespmem:s18+$0x2380] =	vst v13  }
0x219: {  	[tilespmem:s17+$0x6180] =	vst v5;
	v13 =	vld.idx.msk [tilespmem:v14+s8+$0x0], $0xffff  }
0x21a: {  	v14 =	vadd.s32 $0x3E, v29;
	[tilespmem:s19+$0x1300] =	vst v15;
	v55 =	vadd.s32 v10, v44;
	v10 =	vld.idx.msk [tilespmem:v18+s8+$0x0], $0xffff  }
0x21b: {  	v5 =	vld.idx.msk [tilespmem:v16+s8+$0x0], $0xffff;
	[tilespmem:$0x1FE80] =	vst v14  }
0x21c: {  	v60 =	vld [tilespmem:$0x1FFC0];
	[tilespmem:s15+$0x5100] =	vst v9  }
0x21d: {  	v19 =	vadd.s32 v36, v48;
	[tilespmem:s20+$0x280] =	vst v11  }
0x21e: {  	v9 =	vld [tilespmem:$0x1FE90];
	_ =	sdelay $0x2  }
0x21f: {  	v12 =	vadd.s32 v27, v49  }
0x220: {  	v18 =	vadd.s32 v61, v45;
	v16 =	vld.idx.msk [tilespmem:v19+s8+$0x0], $0xffff;
	[tilespmem:s16+$0x4080] =	vst v41  }
0x221: {  	v15 =	vadd.s32 v14, v17;
	v11 =	vadd.s32 v9, v46;
	v9 =	vld [tilespmem:$0x1FEA0];
	[tilespmem:s23+$0x7280] =	vst v13  }
0x222: {  	v63 =	vmov v61;
	v19 =	vadd.s32 v60, v47;
	v61 =	vld.idx.msk [tilespmem:v55+s8+$0x0], $0xffff;
	[tilespmem:s18+$0x3000] =	vst v10  }
0x223: {  	v10 =	vld [tilespmem:$0x1FF00]  }
0x224: {  	v12 =	vld.idx.msk [tilespmem:v12+s8+$0x0], $0xffff  }
0x225: {  	v18 =	vld.idx.msk [tilespmem:v18+s8+$0x0], $0xffff  }
0x226: {  	v15 =	vld.idx.msk [tilespmem:v15+s8+$0x0], $0xffff;
	[tilespmem:s17+$0x6200] =	vst v5  }
0x227: {  	v41 =	vld.idx.msk [tilespmem:v19+s8+$0x0], $0xffff;
	v5 =	vadd.s32 $0x3F, v29;
	[tilespmem:s19+$0x1380] =	vst v16;
	v9 =	vadd.s32 v9, v44  }
0x228: {  	v55 =	vmov v10;
	v14 =	vadd.s32 v10, v45;
	v10 =	vld.idx.msk [tilespmem:v11+s8+$0x0], $0xffff;
	[tilespmem:$0x1FEB0] =	vst v5;
	v5 =	vadd.s32 v5, v17  }
0x229: {  	[tilespmem:$0x1FEE0] =	vst v5  }
0x22a: {  	[tilespmem:s15+$0x5180] =	vst v61  }
0x22b: {  	[tilespmem:s20+$0x300] =	vst v12  }
0x22c: {  	v61 =	vld [tilespmem:$0x1FF90]  }
0x22d: {  	[tilespmem:s16+$0x4100] =	vst v18;
	v12 =	vld.idx.msk [tilespmem:v9+s8+$0x0], $0xffff  }
0x22e: {  	v5 =	vld [tilespmem:$0x1FEC0]  }
0x22f: {  	[tilespmem:s23+$0x7300] =	vst v15;
	v9 =	vld.idx.msk [tilespmem:v14+s8+$0x0], $0xffff  }
0x230: {  	v14 =	vld [tilespmem:$0x1FED0];
	_ =	sdelay $0x3  }
0x231: {  	v62 =	vmov v40;
	[tilespmem:s18+$0x3080] =	vst v41  }
0x232: {  	v40 =	vadd.s32 v37, v48;
	v19 =	vadd.s32 v5, v46;
	v5 =	vmovc v14;
	v16 =	vadd.s32 v14, v44;
	v14 =	vld [tilespmem:$0x1FEE0];
	_ =	sdelay $0x1  }
0x233: {  	v13 =	vadd.s32 v28, v49;
	_ =	sdelay $0x1  }
0x234: {  	v17 =	vadd.s32 v61, v47  }
0x235: {  	v11 =	vld.idx.msk [tilespmem:v40+s8+$0x0], $0xffff;
	_ =	sdelay $0x1  }
0x236: {  	v13 =	vld.idx.msk [tilespmem:v13+s8+$0x0], $0xffff;
	v18 =	vadd.s32 v31, v48  }
0x237: {  	s28 =	simm.s32 $0x80;
	v15 =	vadd.s32 v20, v49;
	v14 =	vld.idx.msk [tilespmem:v14+s8+$0x0], $0xffff  }
.LBB2_8:
0x238: {  	v17 =	vld.idx.msk [tilespmem:v17+s8+$0x0], $0xffff;
	[tilespmem:s17+$0x6280] =	vst v10  }
0x239: {  	[tilespmem:s19+$0x2000] =	vst v11  }
0x23a: {  	v40 =	vmov v31;
	v31 =	vmov v20;
	v20 =	vadd.s32 v3, v45;
	v10 =	vld.idx.msk [tilespmem:v19+s8+$0x0], $0xffff  }
0x23b: {  	v11 =	vld.idx.msk [tilespmem:v18+s8+$0x0], $0xffff;
	[tilespmem:s15+$0x5200] =	vst v12  }
0x23c: {  	s26 =	sadd.s32 $0x80, s26;
	v18 =	vadd.s32 v4, v47;
	[tilespmem:s20+$0x380] =	vst v13  }
0x23d: {  	s30 =	sand.u32 $0xC00, s26;
	v12 =	vld.idx.msk [tilespmem:v16+s8+$0x0], $0xffff  }
0x23e: {  	s29 =	sand.u32 $0x70, s28;
	v13 =	vadd.s32 v56, v46;
	s31 =	sadd.s32 s30, s22;
	v15 =	vld.idx.msk [tilespmem:v15+s8+$0x0], $0xffff;
	[tilespmem:s16+$0x4180] =	vst v9  }
0x23f: {  	v16 =	vadd.s32 v1, v48;
	s31 =	sadd.s32 s29, s31;
	v19 =	vld.idx.msk [tilespmem:v20+s8+$0x0], $0xffff;
	[tilespmem:s23+$0x7380] =	vst v14  }
0x240: {  	s23 =	smov.u32 s17;
	s17 =	smov.u32 s15;
	v14 =	vld [tilespmem:s31+$0x0];
	[tilespmem:s18+$0x3100] =	vst v17  }
0x241: {  	v20 =	vadd.s32 v59, v44;
	s15 =	smov.u32 s16;
	s16 =	smov.u32 s18;
	s18 =	smov.u32 s19;
	v17 =	vld.idx.msk [tilespmem:v18+s8+$0x0], $0xffff;
	[tilespmem:s23+$0x6300] =	vst v10  }
0x242: {  	v41 =	vmov v1;
	v1 =	vmov v21;
	v21 =	vadd.s32 v21, v49;
	[tilespmem:s18+$0x2080] =	vst v11  }
0x243: {  	v9 =	vshll.u32 v8, $0x6;
	v18 =	vadd.s32 v57, v45;
	v11 =	vld.idx.msk [tilespmem:v13+s8+$0x0], $0xffff  }
0x244: {  	s19 =	smov.u32 s20;
	v10 =	vadd.s32 v29, v9;
	v13 =	vld.idx.msk [tilespmem:v16+s8+$0x0], $0xffff;
	[tilespmem:s17+$0x5280] =	vst v12  }
0x245: {  	v16 =	vadd.s32 v58, v47;
	[tilespmem:s19+$0x1000] =	vst v15  }
0x246: {  	v12 =	vld.idx.msk [tilespmem:v20+s8+$0x0], $0xffff  }
0x247: {  	v15 =	vadd.s32 v6, v46;
	v20 =	vld.idx.msk [tilespmem:v21+s8+$0x0], $0xffff;
	[tilespmem:s15+$0x4200] =	vst v19  }
0x248: {  	v21 =	vadd.s32 v38, v48;
	v8 =	vmov v14;
	v14 =	vld.idx.msk [tilespmem:v18+s8+$0x0], $0xffff  }
0x249: {  	v10 =	vld.idx.msk [tilespmem:v10+s8+$0x0], $0xffff;
	[tilespmem:s16+$0x3180] =	vst v17  }
0x24a: {  	v18 =	vadd.s32 v7, v44;
	v16 =	vld.idx.msk [tilespmem:v16+s8+$0x0], $0xffff;
	[tilespmem:s23+$0x6380] =	vst v11  }
0x24b: {  	[tilespmem:s18+$0x2100] =	vst v13  }
0x24c: {  	v13 =	vld.idx.msk [tilespmem:v15+s8+$0x0], $0xffff  }
0x24d: {  	v19 =	vadd.s32 v30, v49;
	v15 =	vld.idx.msk [tilespmem:v21+s8+$0x0], $0xffff;
	[tilespmem:s17+$0x5300] =	vst v12  }
0x24e: {  	[tilespmem:s19+$0x1080] =	vst v20  }
0x24f: {  	v12 =	vld.idx.msk [tilespmem:v18+s8+$0x0], $0xffff  }
0x250: {  	v18 =	vld [tilespmem:$0x1FDD0]  }
0x251: {  	v17 =	vadd.s32 v52, v45  }
0x252: {  	v11 =	vadd.s32 v22, v9;
	v19 =	vld.idx.msk [tilespmem:v19+s8+$0x0], $0xffff  }
0x253: {  	s31 =	sadd.s32 s24, s21;
	v21 =	vadd.s32 v54, v47;
	[tilespmem:s15+$0x4280] =	vst v14;
	v14 =	vld [tilespmem:$0x1FDE0]  }
0x254: {  	s20 =	sadd.s32 s25, s31  }
0x255: {  	[tilespmem:s20+$0x0] =	vst v10;
	v18 =	vadd.s32 v18, v46  }
0x256: {  	v20 =	vadd.s32 v39, v48;
	v10 =	vld.idx.msk [tilespmem:v17+s8+$0x0], $0xffff  }
0x257: {  	v11 =	vld.idx.msk [tilespmem:v11+s8+$0x0], $0xffff;
	[tilespmem:s16+$0x3200] =	vst v16  }
0x258: {  	v16 =	vld.idx.msk [tilespmem:v21+s8+$0x0], $0xffff;
	[tilespmem:s23+$0x7000] =	vst v13;
	v14 =	vadd.s32 v14, v44  }
0x259: {  	v21 =	vld [tilespmem:$0x1FF50];
	[tilespmem:s18+$0x2180] =	vst v15  }
0x25a: {  	v17 =	vadd.s32 v32, v49;
	v15 =	vld.idx.msk [tilespmem:v18+s8+$0x0], $0xffff  }
0x25b: {  	v18 =	vld.idx.msk [tilespmem:v20+s8+$0x0], $0xffff;
	[tilespmem:s17+$0x5380] =	vst v12  }
0x25c: {  	[tilespmem:s19+$0x1100] =	vst v19  }
0x25d: {  	v12 =	vld.idx.msk [tilespmem:v14+s8+$0x0], $0xffff  }
0x25e: {  	v13 =	vadd.s32 v23, v9;
	v14 =	vld [tilespmem:$0x1FDF0]  }
0x25f: {  	v21 =	vadd.s32 v21, v45;
	v17 =	vld.idx.msk [tilespmem:v17+s8+$0x0], $0xffff  }
0x260: {  	v20 =	vadd.s32 v0, v47;
	[tilespmem:s20+$0x80] =	vst v11;
	v11 =	vld [tilespmem:$0x1FE00];
	_ =	sdelay $0x1  }
0x261: {  	v19 =	vadd.s32 v42, v48;
	[tilespmem:s15+$0x4300] =	vst v10  }
0x262: {  	v13 =	vld.idx.msk [tilespmem:v13+s8+$0x0], $0xffff;
	v14 =	vadd.s32 v14, v46  }
0x263: {  	v10 =	vld.idx.msk [tilespmem:v21+s8+$0x0], $0xffff;
	[tilespmem:s16+$0x3280] =	vst v16  }
0x264: {  	v16 =	vld.idx.msk [tilespmem:v20+s8+$0x0], $0xffff;
	[tilespmem:s23+$0x7080] =	vst v15;
	v11 =	vadd.s32 v11, v44  }
0x265: {  	v21 =	vadd.s32 v33, v49;
	v20 =	vld [tilespmem:$0x1FF60];
	[tilespmem:s18+$0x2200] =	vst v18  }
0x266: {  	v18 =	vld.idx.msk [tilespmem:v19+s8+$0x0], $0xffff  }
0x267: {  	v14 =	vld.idx.msk [tilespmem:v14+s8+$0x0], $0xffff;
	[tilespmem:s17+$0x6000] =	vst v12  }
0x268: {  	[tilespmem:s19+$0x1180] =	vst v17;
	v12 =	vld [tilespmem:$0x1FE10]  }
0x269: {  	v15 =	vadd.s32 v24, v9;
	v11 =	vld.idx.msk [tilespmem:v11+s8+$0x0], $0xffff  }
0x26a: {  	v20 =	vadd.s32 v20, v45;
	v17 =	vld.idx.msk [tilespmem:v21+s8+$0x0], $0xffff  }
0x26b: {  	v19 =	vadd.s32 v62, v47;
	[tilespmem:s20+$0x100] =	vst v13;
	v13 =	vld [tilespmem:$0x1FE20];
	_ =	sdelay $0x1  }
0x26c: {  	v21 =	vadd.s32 v43, v48;
	[tilespmem:s15+$0x4380] =	vst v10  }
0x26d: {  	v15 =	vld.idx.msk [tilespmem:v15+s8+$0x0], $0xffff;
	v12 =	vadd.s32 v12, v46  }
0x26e: {  	v10 =	vld.idx.msk [tilespmem:v20+s8+$0x0], $0xffff;
	[tilespmem:s16+$0x3300] =	vst v16  }
0x26f: {  	v16 =	vld.idx.msk [tilespmem:v19+s8+$0x0], $0xffff;
	[tilespmem:s23+$0x7100] =	vst v14;
	v13 =	vadd.s32 v13, v44  }
0x270: {  	v19 =	vld [tilespmem:$0x1FF70];
	[tilespmem:s18+$0x2280] =	vst v18  }
0x271: {  	v20 =	vadd.s32 v34, v49;
	v18 =	vld.idx.msk [tilespmem:v21+s8+$0x0], $0xffff  }
0x272: {  	v12 =	vld.idx.msk [tilespmem:v12+s8+$0x0], $0xffff;
	[tilespmem:s17+$0x6080] =	vst v11  }
0x273: {  	[tilespmem:s19+$0x1200] =	vst v17  }
0x274: {  	v11 =	vld.idx.msk [tilespmem:v13+s8+$0x0], $0xffff  }
0x275: {  	v14 =	vadd.s32 v25, v9;
	v13 =	vld [tilespmem:$0x1FE30]  }
0x276: {  	v19 =	vadd.s32 v19, v45;
	v17 =	vld.idx.msk [tilespmem:v20+s8+$0x0], $0xffff  }
0x277: {  	v21 =	vadd.s32 v2, v47;
	[tilespmem:s20+$0x180] =	vst v15;
	v15 =	vld [tilespmem:$0x1FE40];
	_ =	sdelay $0x1  }
0x278: {  	v20 =	vadd.s32 v50, v48;
	[tilespmem:s15+$0x5000] =	vst v10  }
0x279: {  	v14 =	vld.idx.msk [tilespmem:v14+s8+$0x0], $0xffff;
	v13 =	vadd.s32 v13, v46  }
0x27a: {  	v10 =	vld.idx.msk [tilespmem:v19+s8+$0x0], $0xffff;
	[tilespmem:s16+$0x3380] =	vst v16  }
0x27b: {  	v15 =	vadd.s32 v15, v44;
	v16 =	vld.idx.msk [tilespmem:v21+s8+$0x0], $0xffff;
	[tilespmem:s23+$0x7180] =	vst v12  }
0x27c: {  	v21 =	vld [tilespmem:$0x1FF80];
	[tilespmem:s18+$0x2300] =	vst v18  }
0x27d: {  	v19 =	vadd.s32 v35, v49;
	v18 =	vld.idx.msk [tilespmem:v20+s8+$0x0], $0xffff  }
0x27e: {  	v13 =	vld.idx.msk [tilespmem:v13+s8+$0x0], $0xffff;
	[tilespmem:s17+$0x6100] =	vst v11  }
0x27f: {  	[tilespmem:s19+$0x1280] =	vst v17  }
0x280: {  	v11 =	vld.idx.msk [tilespmem:v15+s8+$0x0], $0xffff  }
0x281: {  	v12 =	vadd.s32 v26, v9;
	v15 =	vld [tilespmem:$0x1FE50]  }
0x282: {  	v21 =	vadd.s32 v21, v45;
	v17 =	vld.idx.msk [tilespmem:v19+s8+$0x0], $0xffff  }
0x283: {  	v20 =	vadd.s32 v53, v47;
	[tilespmem:s20+$0x200] =	vst v14;
	v14 =	vld [tilespmem:$0x1FE60];
	_ =	sdelay $0x1  }
0x284: {  	v19 =	vadd.s32 v51, v48;
	[tilespmem:s15+$0x5080] =	vst v10  }
0x285: {  	v12 =	vld.idx.msk [tilespmem:v12+s8+$0x0], $0xffff;
	v15 =	vadd.s32 v15, v46  }
0x286: {  	v10 =	vld.idx.msk [tilespmem:v21+s8+$0x0], $0xffff;
	[tilespmem:s16+$0x4000] =	vst v16  }
0x287: {  	v14 =	vadd.s32 v14, v44;
	v16 =	vld.idx.msk [tilespmem:v20+s8+$0x0], $0xffff;
	[tilespmem:s23+$0x7200] =	vst v13  }
0x288: {  	v20 =	vld [tilespmem:$0x1FE70];
	[tilespmem:s18+$0x2380] =	vst v18  }
0x289: {  	v18 =	vld.idx.msk [tilespmem:v19+s8+$0x0], $0xffff  }
0x28a: {  	v15 =	vld.idx.msk [tilespmem:v15+s8+$0x0], $0xffff;
	[tilespmem:s17+$0x6180] =	vst v11  }
0x28b: {  	v21 =	vadd.s32 v36, v49;
	[tilespmem:s19+$0x1300] =	vst v17  }
0x28c: {  	v11 =	vld.idx.msk [tilespmem:v14+s8+$0x0], $0xffff  }
0x28d: {  	v13 =	vadd.s32 v27, v9;
	v14 =	vld [tilespmem:$0x1FE80]  }
0x28e: {  	v20 =	vadd.s32 v20, v45  }
0x28f: {  	v19 =	vadd.s32 v63, v47  }
0x290: {  	v17 =	vld.idx.msk [tilespmem:v21+s8+$0x0], $0xffff;
	[tilespmem:s15+$0x5100] =	vst v10  }
0x291: {  	v21 =	vadd.s32 v60, v48;
	[tilespmem:s20+$0x280] =	vst v12;
	v10 =	vld [tilespmem:$0x1FE90]  }
0x292: {  	v13 =	vld.idx.msk [tilespmem:v13+s8+$0x0], $0xffff;
	v14 =	vadd.s32 v14, v46  }
0x293: {  	v12 =	vld.idx.msk [tilespmem:v20+s8+$0x0], $0xffff;
	[tilespmem:s16+$0x4080] =	vst v16  }
0x294: {  	v16 =	vld.idx.msk [tilespmem:v19+s8+$0x0], $0xffff;
	[tilespmem:s23+$0x7280] =	vst v15  }
0x295: {  	v19 =	vld [tilespmem:$0x1FEA0];
	[tilespmem:s18+$0x3000] =	vst v18  }
0x296: {  	v21 =	vld.idx.msk [tilespmem:v21+s8+$0x0], $0xffff  }
0x297: {  	v10 =	vadd.s32 v10, v44;
	v14 =	vld.idx.msk [tilespmem:v14+s8+$0x0], $0xffff  }
0x298: {  	v20 =	vadd.s32 v37, v49;
	[tilespmem:s17+$0x6200] =	vst v11;
	v11 =	vld [tilespmem:$0x1FEB0];
	_ =	sdelay $0x2  }
0x299: {  	v50 =	vmov v34;
	[tilespmem:s19+$0x1380] =	vst v17  }
0x29a: {  	v34 =	vmovc v32;
	v32 =	vmovc v29;
	v29 =	vmov v27;
	v51 =	vmov v43;
	v43 =	vmov v39;
	v10 =	vld.idx.msk [tilespmem:v10+s8+$0x0], $0xffff  }
0x29b: {  	v27 =	vmovc v25;
	v25 =	vmov v23;
	v19 =	vadd.s32 v19, v45;
	v23 =	vadd.s32 v11, v46;
	v11 =	vld.idx.msk [tilespmem:v20+s8+$0x0], $0xffff  }
0x29c: {  	v39 =	vmovc v37;
	v37 =	vmovc v35;
	v35 =	vmov v33;
	v33 =	vmov v30;
	v15 =	vadd.s32 v28, v9;
	[tilespmem:s20+$0x300] =	vst v13;
	v13 =	vld [tilespmem:$0x1FEC0]  }
0x29d: {  	v30 =	vmovc v28;
	v28 =	vmovc v26;
	v26 =	vmov v24;
	v24 =	vmov v22;
	v22 =	vadd.s32 v55, v47  }
0x29e: {  	v17 =	vadd.s32 v61, v48  }
0x29f: {  	v46 =	vmovc v44;
	v44 =	vmovc v45;
	v45 =	vmov v47;
	[tilespmem:s15+$0x5180] =	vst v12;
	v47 =	vmov v48;
	v48 =	vmov v49  }
0x2a0: {  	p3 =	sne.s32 s28, $0x1F0;
	v20 =	vmov v31;
	v12 =	vld.idx.msk [tilespmem:v19+s8+$0x0], $0xffff;
	v18 =	vadd.s32 v40, v48  }
.Ltmp3:
0x2a1: {  	v49 =	vmov v9;
	v19 =	vadd.s32 v13, v46;
	v13 =	vld.idx.msk [tilespmem:v15+s8+$0x0], $0xffff;
	[tilespmem:s16+$0x4100] =	vst v16;
	v16 =	vadd.s32 v5, v44;
	(pc) =	sbr.rel @p3 .LBB2_8-.Ltmp3, $4  }
0x2a2: {  	v9 =	vld.idx.msk [tilespmem:v22+s8+$0x0], $0xffff;
	v22 =	vmovc v24;
	v24 =	vmovc v26;
	v26 =	vmov v28;
	v28 =	vmov v30;
	v30 =	vmov v33;
	[tilespmem:s23+$0x7300] =	vst v14  }
0x2a3: {  	v33 =	vmovc v35;
	v35 =	vmovc v37;
	v37 =	vmov v39;
	v39 =	vmov v43;
	v43 =	vmov v51;
	v51 =	vld [tilespmem:$0x1FF40];
	[tilespmem:s18+$0x3080] =	vst v21  }
0x2a4: {  	v31 =	vmovc v40;
	v15 =	vadd.s32 v20, v49;
	v21 =	vmovc v1;
	v1 =	vmov v41;
	v14 =	vld.idx.msk [tilespmem:v23+s8+$0x0], $0xffff;
	v23 =	vmov v25  }
0x2a5: {  	s28 =	sadd.s32 $0x10, s28;
	s24 =	smov.u32 s30;
	s25 =	smov.u32 s29;
	v25 =	vmovc v27;
	v27 =	vmovc v29;
	v29 =	vmov v32;
	v32 =	vmov v34;
	v34 =	vmov v50;
	v50 =	vld [tilespmem:$0x1FF30]  }
0x2a6: {  	_ =	sdelay $0x1  }
0x2a7: {  	[tilespmem:s17+$0x6280] =	vst v10  }
0x2a8: {  	[tilespmem:s19+$0x2000] =	vst v11  }
0x2a9: {  	v10 =	vld.idx.msk [tilespmem:v17+s8+$0x0], $0xffff;
	[tilespmem:s15+$0x5200] =	vst v12  }
0x2aa: {  	[tilespmem:s20+$0x380] =	vst v13;
	v11 =	vld.idx.msk [tilespmem:v19+s8+$0x0], $0xffff;
	v19 =	vadd.s32 v4, v47  }
0x2ab: {  	v17 =	vadd.s32 v3, v45;
	v40 =	vld.idx.msk [tilespmem:v18+s8+$0x0], $0xffff;
	[tilespmem:$0x1FDB0] =	vst v56  }
0x2ac: {  	v41 =	vadd.s32 v56, v46;
	v16 =	vld.idx.msk [tilespmem:v16+s8+$0x0], $0xffff;
	[tilespmem:s16+$0x4180] =	vst v9  }
0x2ad: {  	v18 =	vadd.s32 v1, v48;
	v9 =	vld.idx.msk [tilespmem:v15+s8+$0x0], $0xffff;
	[tilespmem:s23+$0x7380] =	vst v14  }
0x2ae: {  	v56 =	vshll.u32 v8, $0x6;
	v15 =	vadd.s32 v59, v44;
	[tilespmem:s18+$0x3100] =	vst v10  }
0x2af: {  	v10 =	vld.idx.msk [tilespmem:v19+s8+$0x0], $0xffff;
	[tilespmem:s17+$0x6300] =	vst v11;
	v11 =	vadd.s32 v29, v56  }
0x2b0: {  	v14 =	vld.idx.msk [tilespmem:v17+s8+$0x0], $0xffff;
	[tilespmem:s19+$0x2080] =	vst v40  }
0x2b1: {  	v40 =	vld.idx.msk [tilespmem:v41+s8+$0x0], $0xffff;
	[tilespmem:s15+$0x5280] =	vst v16  }
0x2b2: {  	v41 =	vld.idx.msk [tilespmem:v18+s8+$0x0], $0xffff;
	[tilespmem:s20+$0x1000] =	vst v9  }
0x2b3: {  	v15 =	vld.idx.msk [tilespmem:v15+s8+$0x0], $0xffff;
	[tilespmem:$0x1FDC0] =	vst v6  }
0x2b4: {  	[tilespmem:s18+$0x3180] =	vst v10;
	v10 =	vld.idx.msk [tilespmem:v11+s8+$0x0], $0xffff  }
0x2b5: {  	v11 =	vadd.s32 v22, v56;
	_ =	sdelay $0x1  }
0x2b6: {  	s21 =	sadd.s32 s24, s21  }
0x2b7: {  	s21 =	sadd.s32 s25, s21  }
0x2b8: {  	[tilespmem:s21+$0x0] =	vst v10  }
0x2b9: {  	v10 =	vld.idx.msk [tilespmem:v11+s8+$0x0], $0xffff  }
0x2ba: {  	v11 =	vadd.s32 v23, v56;
	_ =	sdelay $0x3  }
0x2bb: {  	[tilespmem:s21+$0x80] =	vst v10  }
0x2bc: {  	v10 =	vld.idx.msk [tilespmem:v11+s8+$0x0], $0xffff  }
0x2bd: {  	v11 =	vadd.s32 v24, v56;
	_ =	sdelay $0x3  }
0x2be: {  	[tilespmem:s21+$0x100] =	vst v10  }
0x2bf: {  	v10 =	vld.idx.msk [tilespmem:v11+s8+$0x0], $0xffff  }
0x2c0: {  	v11 =	vadd.s32 v25, v56;
	_ =	sdelay $0x3  }
0x2c1: {  	[tilespmem:s21+$0x180] =	vst v10  }
0x2c2: {  	v10 =	vld.idx.msk [tilespmem:v11+s8+$0x0], $0xffff  }
0x2c3: {  	v11 =	vadd.s32 v26, v56;
	_ =	sdelay $0x3  }
0x2c4: {  	[tilespmem:s21+$0x200] =	vst v10  }
0x2c5: {  	v10 =	vld.idx.msk [tilespmem:v11+s8+$0x0], $0xffff  }
0x2c6: {  	v11 =	vadd.s32 v27, v56;
	_ =	sdelay $0x3  }
0x2c7: {  	[tilespmem:s21+$0x280] =	vst v10  }
0x2c8: {  	v10 =	vld.idx.msk [tilespmem:v11+s8+$0x0], $0xffff  }
0x2c9: {  	v11 =	vadd.s32 v28, v56;
	_ =	sdelay $0x3  }
0x2ca: {  	[tilespmem:s21+$0x300] =	vst v10  }
0x2cb: {  	v10 =	vld.idx.msk [tilespmem:v11+s8+$0x0], $0xffff  }
0x2cc: {  	v11 =	vadd.s32 v20, v56;
	_ =	sdelay $0x3  }
0x2cd: {  	[tilespmem:s21+$0x380] =	vst v10  }
0x2ce: {  	v17 =	vadd.s32 v21, v49;
	v10 =	vld.idx.msk [tilespmem:v11+s8+$0x0], $0xffff  }
0x2cf: {  	v11 =	vadd.s32 v21, v56;
	_ =	sdelay $0x3  }
0x2d0: {  	v8 =	vadd.s32 v57, v45;
	v17 =	vld.idx.msk [tilespmem:v17+s8+$0x0], $0xffff;
	[tilespmem:s21+$0x1000] =	vst v10  }
0x2d1: {  	v10 =	vadd.s32 v30, v49;
	v11 =	vld.idx.msk [tilespmem:v11+s8+$0x0], $0xffff  }
0x2d2: {  	[tilespmem:s17+$0x6380] =	vst v40;
	v40 =	vadd.s32 v30, v56  }
0x2d3: {  	v18 =	vadd.s32 v58, v47  }
0x2d4: {  	v16 =	vadd.s32 v6, v46;
	[tilespmem:s16+$0x4200] =	vst v14  }
0x2d5: {  	v19 =	vadd.s32 v38, v48;
	v8 =	vld.idx.msk [tilespmem:v8+s8+$0x0], $0xffff;
	[tilespmem:s20+$0x1080] =	vst v17  }
0x2d6: {  	v14 =	vadd.s32 v7, v44;
	v10 =	vld.idx.msk [tilespmem:v10+s8+$0x0], $0xffff;
	[tilespmem:s21+$0x1080] =	vst v11  }
0x2d7: {  	v11 =	vadd.s32 v32, v49;
	v13 =	vld.idx.msk [tilespmem:v40+s8+$0x0], $0xffff  }
0x2d8: {  	v9 =	vld.idx.msk [tilespmem:v18+s8+$0x0], $0xffff;
	v40 =	vadd.s32 v32, v56  }
0x2d9: {  	[tilespmem:s19+$0x2100] =	vst v41;
	v41 =	vld.idx.msk [tilespmem:v16+s8+$0x0], $0xffff  }
0x2da: {  	[tilespmem:s15+$0x5300] =	vst v15;
	v12 =	vld.idx.msk [tilespmem:v19+s8+$0x0], $0xffff  }
0x2db: {  	v6 =	vld.idx.msk [tilespmem:v14+s8+$0x0], $0xffff;
	[tilespmem:s20+$0x1100] =	vst v10  }
0x2dc: {  	v10 =	vld.idx.msk [tilespmem:v11+s8+$0x0], $0xffff;
	[tilespmem:s21+$0x1100] =	vst v13  }
0x2dd: {  	v11 =	vadd.s32 v33, v49;
	v13 =	vld.idx.msk [tilespmem:v40+s8+$0x0], $0xffff  }
0x2de: {  	v40 =	vadd.s32 v33, v56;
	_ =	sdelay $0x2  }
0x2df: {  	[tilespmem:s20+$0x1180] =	vst v10  }
0x2e0: {  	v10 =	vld.idx.msk [tilespmem:v11+s8+$0x0], $0xffff;
	[tilespmem:s21+$0x1180] =	vst v13  }
0x2e1: {  	v11 =	vadd.s32 v34, v49;
	v13 =	vld.idx.msk [tilespmem:v40+s8+$0x0], $0xffff  }
0x2e2: {  	v40 =	vadd.s32 v34, v56;
	_ =	sdelay $0x2  }
0x2e3: {  	[tilespmem:s20+$0x1200] =	vst v10  }
0x2e4: {  	v10 =	vld.idx.msk [tilespmem:v11+s8+$0x0], $0xffff;
	[tilespmem:s21+$0x1200] =	vst v13  }
0x2e5: {  	v11 =	vadd.s32 v35, v49;
	v13 =	vld.idx.msk [tilespmem:v40+s8+$0x0], $0xffff  }
0x2e6: {  	v40 =	vadd.s32 v35, v56;
	_ =	sdelay $0x2  }
0x2e7: {  	[tilespmem:s20+$0x1280] =	vst v10  }
0x2e8: {  	v10 =	vld.idx.msk [tilespmem:v11+s8+$0x0], $0xffff;
	[tilespmem:s21+$0x1280] =	vst v13  }
0x2e9: {  	v11 =	vadd.s32 v36, v49;
	v13 =	vld.idx.msk [tilespmem:v40+s8+$0x0], $0xffff  }
0x2ea: {  	v40 =	vadd.s32 v36, v56;
	_ =	sdelay $0x2  }
0x2eb: {  	[tilespmem:s20+$0x1300] =	vst v10  }
0x2ec: {  	v10 =	vld.idx.msk [tilespmem:v11+s8+$0x0], $0xffff;
	[tilespmem:s21+$0x1300] =	vst v13  }
0x2ed: {  	v11 =	vadd.s32 v37, v49;
	v13 =	vld.idx.msk [tilespmem:v40+s8+$0x0], $0xffff  }
0x2ee: {  	v40 =	vadd.s32 v37, v56;
	_ =	sdelay $0x2  }
0x2ef: {  	[tilespmem:s20+$0x1380] =	vst v10  }
0x2f0: {  	v10 =	vld.idx.msk [tilespmem:v11+s8+$0x0], $0xffff;
	[tilespmem:s21+$0x1380] =	vst v13  }
0x2f1: {  	v11 =	vadd.s32 v31, v49;
	v13 =	vld.idx.msk [tilespmem:v40+s8+$0x0], $0xffff  }
0x2f2: {  	v40 =	vadd.s32 v31, v56;
	_ =	sdelay $0x2  }
0x2f3: {  	[tilespmem:s20+$0x2000] =	vst v10  }
0x2f4: {  	v10 =	vld.idx.msk [tilespmem:v11+s8+$0x0], $0xffff;
	[tilespmem:s21+$0x2000] =	vst v13  }
0x2f5: {  	v11 =	vadd.s32 v1, v49;
	v13 =	vld.idx.msk [tilespmem:v40+s8+$0x0], $0xffff  }
0x2f6: {  	v40 =	vadd.s32 v1, v56;
	_ =	sdelay $0x2  }
0x2f7: {  	[tilespmem:s20+$0x2080] =	vst v10  }
0x2f8: {  	v10 =	vld.idx.msk [tilespmem:v11+s8+$0x0], $0xffff;
	[tilespmem:s21+$0x2080] =	vst v13  }
0x2f9: {  	v11 =	vadd.s32 v38, v49;
	v13 =	vld.idx.msk [tilespmem:v40+s8+$0x0], $0xffff  }
0x2fa: {  	v14 =	vadd.s32 v38, v56;
	_ =	sdelay $0x2  }
0x2fb: {  	[tilespmem:s20+$0x2100] =	vst v10;
	v10 =	vadd.s32 v39, v48  }
0x2fc: {  	v11 =	vld.idx.msk [tilespmem:v11+s8+$0x0], $0xffff;
	[tilespmem:s21+$0x2100] =	vst v13  }
0x2fd: {  	v40 =	vadd.s32 v39, v49;
	v14 =	vld.idx.msk [tilespmem:v14+s8+$0x0], $0xffff  }
0x2fe: {  	v15 =	vadd.s32 v39, v56  }
0x2ff: {  	[tilespmem:s19+$0x2180] =	vst v12  }
0x300: {  	v10 =	vld.idx.msk [tilespmem:v10+s8+$0x0], $0xffff  }
0x301: {  	[tilespmem:s20+$0x2180] =	vst v11;
	v11 =	vadd.s32 v42, v48  }
0x302: {  	v12 =	vld.idx.msk [tilespmem:v40+s8+$0x0], $0xffff;
	[tilespmem:s21+$0x2180] =	vst v14  }
0x303: {  	v40 =	vadd.s32 v42, v49;
	v14 =	vld.idx.msk [tilespmem:v15+s8+$0x0], $0xffff  }
0x304: {  	v15 =	vadd.s32 v42, v56  }
0x305: {  	[tilespmem:s19+$0x2200] =	vst v10  }
0x306: {  	v10 =	vld.idx.msk [tilespmem:v11+s8+$0x0], $0xffff  }
0x307: {  	v11 =	vadd.s32 v43, v48;
	[tilespmem:s20+$0x2200] =	vst v12  }
0x308: {  	v12 =	vld.idx.msk [tilespmem:v40+s8+$0x0], $0xffff;
	[tilespmem:s21+$0x2200] =	vst v14  }
0x309: {  	v40 =	vadd.s32 v43, v49;
	v14 =	vld.idx.msk [tilespmem:v15+s8+$0x0], $0xffff  }
0x30a: {  	v15 =	vadd.s32 v43, v56  }
0x30b: {  	[tilespmem:s19+$0x2280] =	vst v10  }
0x30c: {  	v10 =	vld.idx.msk [tilespmem:v11+s8+$0x0], $0xffff  }
0x30d: {  	v11 =	vadd.s32 v50, v48;
	[tilespmem:s20+$0x2280] =	vst v12  }
0x30e: {  	v12 =	vld.idx.msk [tilespmem:v40+s8+$0x0], $0xffff;
	[tilespmem:s21+$0x2280] =	vst v14  }
0x30f: {  	v40 =	vadd.s32 v50, v49;
	v14 =	vld.idx.msk [tilespmem:v15+s8+$0x0], $0xffff  }
0x310: {  	v15 =	vadd.s32 v50, v56  }
0x311: {  	[tilespmem:s19+$0x2300] =	vst v10  }
0x312: {  	v10 =	vld.idx.msk [tilespmem:v11+s8+$0x0], $0xffff  }
0x313: {  	v11 =	vadd.s32 v51, v48;
	[tilespmem:s20+$0x2300] =	vst v12  }
0x314: {  	v12 =	vld.idx.msk [tilespmem:v40+s8+$0x0], $0xffff;
	[tilespmem:s21+$0x2300] =	vst v14  }
0x315: {  	v40 =	vadd.s32 v51, v49;
	v14 =	vld.idx.msk [tilespmem:v15+s8+$0x0], $0xffff  }
0x316: {  	v15 =	vadd.s32 v51, v56  }
0x317: {  	[tilespmem:s19+$0x2380] =	vst v10  }
0x318: {  	v10 =	vld.idx.msk [tilespmem:v11+s8+$0x0], $0xffff  }
0x319: {  	v11 =	vadd.s32 v60, v48;
	[tilespmem:s20+$0x2380] =	vst v12  }
0x31a: {  	v12 =	vld.idx.msk [tilespmem:v40+s8+$0x0], $0xffff;
	[tilespmem:s21+$0x2380] =	vst v14  }
0x31b: {  	v40 =	vadd.s32 v60, v49;
	v14 =	vld.idx.msk [tilespmem:v15+s8+$0x0], $0xffff  }
0x31c: {  	v15 =	vadd.s32 v60, v56  }
0x31d: {  	[tilespmem:s19+$0x3000] =	vst v10  }
0x31e: {  	v10 =	vld.idx.msk [tilespmem:v11+s8+$0x0], $0xffff  }
0x31f: {  	v11 =	vadd.s32 v61, v48;
	[tilespmem:s20+$0x3000] =	vst v12  }
0x320: {  	v12 =	vld.idx.msk [tilespmem:v40+s8+$0x0], $0xffff;
	[tilespmem:s21+$0x3000] =	vst v14  }
0x321: {  	v40 =	vadd.s32 v61, v49;
	v14 =	vld.idx.msk [tilespmem:v15+s8+$0x0], $0xffff  }
0x322: {  	v15 =	vadd.s32 v61, v56  }
0x323: {  	[tilespmem:s19+$0x3080] =	vst v10  }
0x324: {  	v10 =	vld.idx.msk [tilespmem:v11+s8+$0x0], $0xffff  }
0x325: {  	v11 =	vadd.s32 v4, v48;
	[tilespmem:s20+$0x3080] =	vst v12  }
0x326: {  	v12 =	vld.idx.msk [tilespmem:v40+s8+$0x0], $0xffff;
	[tilespmem:s21+$0x3080] =	vst v14  }
0x327: {  	v61 =	vadd.s32 v4, v49;
	v14 =	vld.idx.msk [tilespmem:v15+s8+$0x0], $0xffff  }
0x328: {  	v15 =	vadd.s32 v4, v56  }
0x329: {  	[tilespmem:s19+$0x3100] =	vst v10  }
0x32a: {  	v10 =	vld.idx.msk [tilespmem:v11+s8+$0x0], $0xffff  }
0x32b: {  	[tilespmem:s20+$0x3100] =	vst v12  }
0x32c: {  	v11 =	vadd.s32 v58, v48;
	v12 =	vld.idx.msk [tilespmem:v61+s8+$0x0], $0xffff;
	[tilespmem:s21+$0x3100] =	vst v14  }
0x32d: {  	v40 =	vadd.s32 v58, v49;
	v14 =	vld.idx.msk [tilespmem:v15+s8+$0x0], $0xffff  }
0x32e: {  	v15 =	vadd.s32 v58, v56  }
0x32f: {  	[tilespmem:s19+$0x3180] =	vst v10;
	v10 =	vadd.s32 v54, v47;
	_ =	sdelay $0x1  }
0x330: {  	v11 =	vld.idx.msk [tilespmem:v11+s8+$0x0], $0xffff;
	[tilespmem:s20+$0x3180] =	vst v12  }
0x331: {  	v58 =	vadd.s32 v54, v48;
	v13 =	vld.idx.msk [tilespmem:v40+s8+$0x0], $0xffff;
	[tilespmem:s21+$0x3180] =	vst v14  }
0x332: {  	[tilespmem:s18+$0x3200] =	vst v9;
	v40 =	vadd.s32 v54, v49;
	v15 =	vld.idx.msk [tilespmem:v15+s8+$0x0], $0xffff  }
0x333: {  	v16 =	vadd.s32 v54, v56;
	v9 =	vld.idx.msk [tilespmem:v10+s8+$0x0], $0xffff  }
0x334: {  	v10 =	vadd.s32 v0, v47  }
0x335: {  	[tilespmem:s19+$0x3200] =	vst v11  }
0x336: {  	v11 =	vld.idx.msk [tilespmem:v58+s8+$0x0], $0xffff;
	[tilespmem:s20+$0x3200] =	vst v13  }
0x337: {  	v58 =	vadd.s32 v0, v48;
	v13 =	vld.idx.msk [tilespmem:v40+s8+$0x0], $0xffff;
	[tilespmem:s21+$0x3200] =	vst v15  }
0x338: {  	v40 =	vadd.s32 v0, v49;
	[tilespmem:s18+$0x3280] =	vst v9;
	v15 =	vld.idx.msk [tilespmem:v16+s8+$0x0], $0xffff  }
0x339: {  	v16 =	vadd.s32 v0, v56;
	v9 =	vld.idx.msk [tilespmem:v10+s8+$0x0], $0xffff  }
0x33a: {  	v10 =	vadd.s32 v62, v47  }
0x33b: {  	[tilespmem:s19+$0x3280] =	vst v11  }
0x33c: {  	v11 =	vld.idx.msk [tilespmem:v58+s8+$0x0], $0xffff;
	[tilespmem:s20+$0x3280] =	vst v13  }
0x33d: {  	v54 =	vadd.s32 v62, v48;
	v13 =	vld.idx.msk [tilespmem:v40+s8+$0x0], $0xffff;
	[tilespmem:s21+$0x3280] =	vst v15  }
0x33e: {  	v58 =	vadd.s32 v62, v49;
	[tilespmem:s18+$0x3300] =	vst v9;
	v15 =	vld.idx.msk [tilespmem:v16+s8+$0x0], $0xffff  }
0x33f: {  	v16 =	vadd.s32 v62, v56;
	v9 =	vld.idx.msk [tilespmem:v10+s8+$0x0], $0xffff  }
0x340: {  	v10 =	vadd.s32 v2, v47  }
0x341: {  	[tilespmem:s19+$0x3300] =	vst v11  }
0x342: {  	v11 =	vld.idx.msk [tilespmem:v54+s8+$0x0], $0xffff;
	[tilespmem:s20+$0x3300] =	vst v13  }
0x343: {  	v40 =	vadd.s32 v2, v48;
	v13 =	vld.idx.msk [tilespmem:v58+s8+$0x0], $0xffff;
	[tilespmem:s21+$0x3300] =	vst v15  }
0x344: {  	v54 =	vadd.s32 v2, v49;
	[tilespmem:s18+$0x3380] =	vst v9;
	v15 =	vld.idx.msk [tilespmem:v16+s8+$0x0], $0xffff  }
0x345: {  	v16 =	vadd.s32 v2, v56;
	v9 =	vld.idx.msk [tilespmem:v10+s8+$0x0], $0xffff  }
0x346: {  	v10 =	vadd.s32 v53, v47  }
0x347: {  	[tilespmem:s19+$0x3380] =	vst v11  }
0x348: {  	v11 =	vld.idx.msk [tilespmem:v40+s8+$0x0], $0xffff;
	[tilespmem:s20+$0x3380] =	vst v13  }
0x349: {  	v12 =	vadd.s32 v53, v48;
	v13 =	vld.idx.msk [tilespmem:v54+s8+$0x0], $0xffff;
	[tilespmem:s21+$0x3380] =	vst v15  }
0x34a: {  	v40 =	vadd.s32 v53, v49;
	[tilespmem:s18+$0x4000] =	vst v9;
	v15 =	vld.idx.msk [tilespmem:v16+s8+$0x0], $0xffff  }
0x34b: {  	v16 =	vadd.s32 v53, v56;
	v9 =	vld.idx.msk [tilespmem:v10+s8+$0x0], $0xffff  }
0x34c: {  	v10 =	vadd.s32 v63, v47  }
0x34d: {  	[tilespmem:s19+$0x4000] =	vst v11  }
0x34e: {  	v11 =	vld.idx.msk [tilespmem:v12+s8+$0x0], $0xffff;
	[tilespmem:s20+$0x4000] =	vst v13  }
0x34f: {  	v58 =	vmov v53;
	v53 =	vadd.s32 v63, v48;
	v13 =	vld.idx.msk [tilespmem:v40+s8+$0x0], $0xffff;
	[tilespmem:s21+$0x4000] =	vst v15  }
0x350: {  	v40 =	vadd.s32 v63, v49;
	[tilespmem:s18+$0x4080] =	vst v9;
	v15 =	vld.idx.msk [tilespmem:v16+s8+$0x0], $0xffff  }
0x351: {  	v16 =	vadd.s32 v63, v56;
	v9 =	vld.idx.msk [tilespmem:v10+s8+$0x0], $0xffff  }
0x352: {  	v10 =	vadd.s32 v55, v47  }
0x353: {  	[tilespmem:s19+$0x4080] =	vst v11  }
0x354: {  	v11 =	vld.idx.msk [tilespmem:v53+s8+$0x0], $0xffff;
	[tilespmem:s20+$0x4080] =	vst v13  }
0x355: {  	v53 =	vadd.s32 v55, v48;
	v13 =	vld.idx.msk [tilespmem:v40+s8+$0x0], $0xffff;
	[tilespmem:s21+$0x4080] =	vst v15  }
0x356: {  	v54 =	vmov v63;
	v63 =	vadd.s32 v55, v49;
	[tilespmem:s18+$0x4100] =	vst v9;
	v15 =	vld.idx.msk [tilespmem:v16+s8+$0x0], $0xffff  }
0x357: {  	v16 =	vadd.s32 v55, v56;
	v9 =	vld.idx.msk [tilespmem:v10+s8+$0x0], $0xffff  }
0x358: {  	v10 =	vadd.s32 v3, v47  }
0x359: {  	[tilespmem:s19+$0x4100] =	vst v11  }
0x35a: {  	v11 =	vld.idx.msk [tilespmem:v53+s8+$0x0], $0xffff;
	[tilespmem:s20+$0x4100] =	vst v13  }
0x35b: {  	v40 =	vadd.s32 v3, v48;
	v13 =	vld.idx.msk [tilespmem:v63+s8+$0x0], $0xffff;
	[tilespmem:s21+$0x4100] =	vst v15  }
0x35c: {  	v53 =	vadd.s32 v3, v49;
	[tilespmem:s18+$0x4180] =	vst v9;
	v15 =	vld.idx.msk [tilespmem:v16+s8+$0x0], $0xffff  }
0x35d: {  	v16 =	vadd.s32 v3, v56;
	v9 =	vld.idx.msk [tilespmem:v10+s8+$0x0], $0xffff  }
0x35e: {  	v10 =	vadd.s32 v57, v47  }
0x35f: {  	[tilespmem:s19+$0x4180] =	vst v11  }
0x360: {  	v11 =	vld.idx.msk [tilespmem:v40+s8+$0x0], $0xffff;
	[tilespmem:s20+$0x4180] =	vst v13  }
0x361: {  	v55 =	vadd.s32 v57, v48;
	v13 =	vld.idx.msk [tilespmem:v53+s8+$0x0], $0xffff;
	[tilespmem:s21+$0x4180] =	vst v15  }
0x362: {  	v63 =	vadd.s32 v57, v49;
	[tilespmem:s18+$0x4200] =	vst v9;
	v15 =	vld.idx.msk [tilespmem:v16+s8+$0x0], $0xffff  }
0x363: {  	v9 =	vadd.s32 v52, v45;
	v10 =	vld.idx.msk [tilespmem:v10+s8+$0x0], $0xffff  }
0x364: {  	[tilespmem:s16+$0x4280] =	vst v8  }
0x365: {  	v16 =	vadd.s32 v57, v56;
	[tilespmem:s19+$0x4200] =	vst v11  }
0x366: {  	v11 =	vadd.s32 v52, v47;
	v12 =	vld.idx.msk [tilespmem:v55+s8+$0x0], $0xffff;
	[tilespmem:s20+$0x4200] =	vst v13  }
0x367: {  	v40 =	vadd.s32 v52, v48;
	v14 =	vld.idx.msk [tilespmem:v63+s8+$0x0], $0xffff;
	[tilespmem:s21+$0x4200] =	vst v15  }
0x368: {  	v9 =	vld.idx.msk [tilespmem:v9+s8+$0x0], $0xffff;
	[tilespmem:s18+$0x4280] =	vst v10  }
0x369: {  	v63 =	vld [tilespmem:$0x1FF50]  }
0x36a: {  	v16 =	vld.idx.msk [tilespmem:v16+s8+$0x0], $0xffff  }
0x36b: {  	v15 =	vadd.s32 v52, v49;
	v11 =	vld.idx.msk [tilespmem:v11+s8+$0x0], $0xffff;
	[tilespmem:s19+$0x4280] =	vst v12  }
0x36c: {  	v8 =	vadd.s32 v52, v56;
	v13 =	vld.idx.msk [tilespmem:v40+s8+$0x0], $0xffff  }
0x36d: {  	[tilespmem:s20+$0x4280] =	vst v14  }
0x36e: {  	[tilespmem:s16+$0x4300] =	vst v9;
	v10 =	vadd.s32 v63, v45  }
0x36f: {  	v57 =	vadd.s32 v63, v47;
	[tilespmem:s21+$0x4280] =	vst v16  }
0x370: {  	v15 =	vld.idx.msk [tilespmem:v15+s8+$0x0], $0xffff;
	v40 =	vadd.s32 v63, v48;
	[tilespmem:s18+$0x4300] =	vst v11  }
0x371: {  	v8 =	vld.idx.msk [tilespmem:v8+s8+$0x0], $0xffff;
	[tilespmem:s19+$0x4300] =	vst v13  }
0x372: {  	v3 =	vmov v52;
	v52 =	vld [tilespmem:$0x1FF60]  }
0x373: {  	v16 =	vadd.s32 v63, v49;
	v10 =	vld.idx.msk [tilespmem:v10+s8+$0x0], $0xffff  }
0x374: {  	v9 =	vadd.s32 v63, v56;
	v12 =	vld.idx.msk [tilespmem:v57+s8+$0x0], $0xffff  }
0x375: {  	[tilespmem:s17+$0x7000] =	vst v41;
	v14 =	vld.idx.msk [tilespmem:v40+s8+$0x0], $0xffff  }
0x376: {  	[tilespmem:s20+$0x4300] =	vst v15  }
0x377: {  	[tilespmem:s21+$0x4300] =	vst v8;
	v11 =	vadd.s32 v52, v45  }
0x378: {  	v15 =	vld.idx.msk [tilespmem:v16+s8+$0x0], $0xffff;
	v53 =	vadd.s32 v52, v47;
	[tilespmem:s16+$0x4380] =	vst v10  }
0x379: {  	v9 =	vld.idx.msk [tilespmem:v9+s8+$0x0], $0xffff;
	v8 =	vadd.s32 v52, v48;
	[tilespmem:s18+$0x4380] =	vst v12  }
0x37a: {  	v19 =	vld [tilespmem:$0x1FDD0];
	[tilespmem:s19+$0x4380] =	vst v14  }
0x37b: {  	v40 =	vld [tilespmem:$0x1FF70]  }
0x37c: {  	v16 =	vadd.s32 v52, v49;
	v11 =	vld.idx.msk [tilespmem:v11+s8+$0x0], $0xffff  }
0x37d: {  	v10 =	vadd.s32 v52, v56;
	v13 =	vld.idx.msk [tilespmem:v53+s8+$0x0], $0xffff  }
0x37e: {  	[tilespmem:s20+$0x4380] =	vst v15;
	v8 =	vld.idx.msk [tilespmem:v8+s8+$0x0], $0xffff  }
0x37f: {  	[tilespmem:s21+$0x4380] =	vst v9  }
0x380: {  	[tilespmem:s15+$0x5380] =	vst v6;
	v55 =	vadd.s32 v19, v46  }
0x381: {  	v16 =	vld.idx.msk [tilespmem:v16+s8+$0x0], $0xffff;
	v57 =	vadd.s32 v40, v45;
	[tilespmem:s16+$0x5000] =	vst v11  }
0x382: {  	v10 =	vld.idx.msk [tilespmem:v10+s8+$0x0], $0xffff;
	v15 =	vadd.s32 v40, v47;
	[tilespmem:s18+$0x5000] =	vst v13  }
0x383: {  	v61 =	vmov v0;
	v0 =	vld [tilespmem:$0x1FDE0];
	[tilespmem:s19+$0x5000] =	vst v8  }
0x384: {  	v9 =	vadd.s32 v40, v48;
	v41 =	vld [tilespmem:$0x1FF80]  }
0x385: {  	v12 =	vld.idx.msk [tilespmem:v55+s8+$0x0], $0xffff  }
0x386: {  	v17 =	vadd.s32 v40, v49;
	v14 =	vld.idx.msk [tilespmem:v57+s8+$0x0], $0xffff  }
0x387: {  	v11 =	vadd.s32 v40, v56;
	v15 =	vld.idx.msk [tilespmem:v15+s8+$0x0], $0xffff  }
0x388: {  	[tilespmem:s20+$0x5000] =	vst v16  }
0x389: {  	[tilespmem:s21+$0x5000] =	vst v10;
	v9 =	vld.idx.msk [tilespmem:v9+s8+$0x0], $0xffff;
	v63 =	vadd.s32 v0, v44  }
0x38a: {  	[tilespmem:s17+$0x7080] =	vst v12  }
0x38b: {  	v17 =	vld.idx.msk [tilespmem:v17+s8+$0x0], $0xffff;
	v8 =	vadd.s32 v41, v45;
	[tilespmem:s16+$0x5080] =	vst v14  }
0x38c: {  	v11 =	vld.idx.msk [tilespmem:v11+s8+$0x0], $0xffff;
	v16 =	vadd.s32 v41, v47;
	[tilespmem:s18+$0x5080] =	vst v15  }
0x38d: {  	v10 =	vadd.s32 v41, v48;
	v53 =	vld [tilespmem:$0x1FDF0]  }
0x38e: {  	[tilespmem:s19+$0x5080] =	vst v9;
	v13 =	vld.idx.msk [tilespmem:v63+s8+$0x0], $0xffff  }
0x38f: {  	v6 =	vld [tilespmem:$0x1FE70]  }
0x390: {  	v40 =	vadd.s32 v41, v49;
	v8 =	vld.idx.msk [tilespmem:v8+s8+$0x0], $0xffff  }
0x391: {  	v41 =	vadd.s32 v41, v56;
	v16 =	vld.idx.msk [tilespmem:v16+s8+$0x0], $0xffff  }
0x392: {  	[tilespmem:s20+$0x5080] =	vst v17;
	v10 =	vld.idx.msk [tilespmem:v10+s8+$0x0], $0xffff  }
0x393: {  	[tilespmem:s21+$0x5080] =	vst v11  }
0x394: {  	v15 =	vadd.s32 v53, v46;
	[tilespmem:s15+$0x6000] =	vst v13  }
0x395: {  	v12 =	vld.idx.msk [tilespmem:v40+s8+$0x0], $0xffff;
	v9 =	vadd.s32 v6, v45;
	[tilespmem:s16+$0x5100] =	vst v8  }
0x396: {  	v14 =	vld.idx.msk [tilespmem:v41+s8+$0x0], $0xffff;
	v17 =	vadd.s32 v6, v47;
	[tilespmem:s18+$0x5100] =	vst v16  }
0x397: {  	v18 =	vmov v2;
	v2 =	vld [tilespmem:$0x1FE00];
	[tilespmem:s19+$0x5100] =	vst v10  }
0x398: {  	v63 =	vld [tilespmem:$0x1FEA0]  }
0x399: {  	v11 =	vadd.s32 v6, v48;
	v8 =	vld.idx.msk [tilespmem:v15+s8+$0x0], $0xffff  }
0x39a: {  	v57 =	vadd.s32 v6, v49;
	v9 =	vld.idx.msk [tilespmem:v9+s8+$0x0], $0xffff  }
0x39b: {  	v15 =	vadd.s32 v6, v56;
	v17 =	vld.idx.msk [tilespmem:v17+s8+$0x0], $0xffff  }
0x39c: {  	[tilespmem:s20+$0x5100] =	vst v12  }
0x39d: {  	[tilespmem:s21+$0x5100] =	vst v14;
	v16 =	vadd.s32 v2, v44  }
0x39e: {  	v11 =	vld.idx.msk [tilespmem:v11+s8+$0x0], $0xffff;
	v10 =	vadd.s32 v63, v45;
	[tilespmem:s17+$0x7100] =	vst v8  }
0x39f: {  	v13 =	vld.idx.msk [tilespmem:v57+s8+$0x0], $0xffff;
	v40 =	vadd.s32 v63, v47;
	[tilespmem:s16+$0x5180] =	vst v9  }
0x3a0: {  	v15 =	vld.idx.msk [tilespmem:v15+s8+$0x0], $0xffff;
	[tilespmem:s18+$0x5180] =	vst v17  }
0x3a1: {  	v6 =	vld [tilespmem:$0x1FE10]  }
0x3a2: {  	v9 =	vld.idx.msk [tilespmem:v16+s8+$0x0], $0xffff  }
0x3a3: {  	v8 =	vadd.s32 v63, v49;
	v10 =	vld.idx.msk [tilespmem:v10+s8+$0x0], $0xffff  }
0x3a4: {  	v41 =	vadd.s32 v63, v48;
	[tilespmem:s19+$0x5180] =	vst v11;
	v12 =	vld.idx.msk [tilespmem:v40+s8+$0x0], $0xffff  }
0x3a5: {  	[tilespmem:s20+$0x5180] =	vst v13  }
0x3a6: {  	v11 =	vadd.s32 v5, v45;
	[tilespmem:s21+$0x5180] =	vst v15  }
0x3a7: {  	v55 =	vadd.s32 v5, v47;
	[tilespmem:s15+$0x6080] =	vst v9  }
0x3a8: {  	v16 =	vadd.s32 v63, v56;
	v8 =	vld.idx.msk [tilespmem:v8+s8+$0x0], $0xffff;
	[tilespmem:s16+$0x5200] =	vst v10  }
0x3a9: {  	v14 =	vld.idx.msk [tilespmem:v41+s8+$0x0], $0xffff;
	v17 =	vadd.s32 v6, v46;
	[tilespmem:s18+$0x5200] =	vst v12  }
0x3aa: {  	v15 =	vadd.s32 v5, v48;
	v4 =	vld [tilespmem:$0x1FE20]  }
0x3ab: {  	v9 =	vadd.s32 v5, v49;
	v11 =	vld.idx.msk [tilespmem:v11+s8+$0x0], $0xffff  }
0x3ac: {  	v63 =	vadd.s32 v59, v45;
	v13 =	vld.idx.msk [tilespmem:v55+s8+$0x0], $0xffff  }
0x3ad: {  	v16 =	vld.idx.msk [tilespmem:v16+s8+$0x0], $0xffff;
	[tilespmem:s20+$0x5200] =	vst v8;
	v8 =	vadd.s32 v59, v47  }
0x3ae: {  	[tilespmem:s19+$0x5200] =	vst v14;
	v10 =	vld.idx.msk [tilespmem:v17+s8+$0x0], $0xffff;
	v17 =	vadd.s32 v5, v56  }
0x3af: {  	v15 =	vld.idx.msk [tilespmem:v15+s8+$0x0], $0xffff  }
0x3b0: {  	v9 =	vld.idx.msk [tilespmem:v9+s8+$0x0], $0xffff;
	v57 =	vadd.s32 v4, v44;
	[tilespmem:s16+$0x5280] =	vst v11  }
0x3b1: {  	[tilespmem:s18+$0x5280] =	vst v13;
	v14 =	vld.idx.msk [tilespmem:v63+s8+$0x0], $0xffff  }
0x3b2: {  	[tilespmem:s21+$0x5200] =	vst v16;
	v8 =	vld.idx.msk [tilespmem:v8+s8+$0x0], $0xffff  }
0x3b3: {  	v16 =	vadd.s32 v59, v48;
	[tilespmem:s17+$0x7180] =	vst v10;
	v17 =	vld.idx.msk [tilespmem:v17+s8+$0x0], $0xffff  }
0x3b4: {  	v10 =	vadd.s32 v59, v49;
	v52 =	vld [tilespmem:$0x1FE30]  }
0x3b5: {  	v40 =	vadd.s32 v59, v56;
	[tilespmem:s19+$0x5280] =	vst v15;
	v11 =	vld.idx.msk [tilespmem:v57+s8+$0x0], $0xffff  }
0x3b6: {  	[tilespmem:s20+$0x5280] =	vst v9  }
0x3b7: {  	v15 =	vadd.s32 v7, v45;
	[tilespmem:s16+$0x5300] =	vst v14  }
0x3b8: {  	v9 =	vadd.s32 v7, v47;
	v16 =	vld.idx.msk [tilespmem:v16+s8+$0x0], $0xffff;
	[tilespmem:s18+$0x5300] =	vst v8  }
0x3b9: {  	[tilespmem:s21+$0x5280] =	vst v17;
	v10 =	vld.idx.msk [tilespmem:v10+s8+$0x0], $0xffff;
	v41 =	vadd.s32 v52, v46  }
0x3ba: {  	v17 =	vadd.s32 v7, v48;
	v12 =	vld.idx.msk [tilespmem:v40+s8+$0x0], $0xffff;
	[tilespmem:s15+$0x6100] =	vst v11  }
0x3bb: {  	v55 =	vadd.s32 v7, v56;
	v5 =	vld [tilespmem:$0x1FE40]  }
0x3bc: {  	v15 =	vld.idx.msk [tilespmem:v15+s8+$0x0], $0xffff;
	v11 =	vadd.s32 v7, v49  }
0x3bd: {  	v9 =	vld.idx.msk [tilespmem:v9+s8+$0x0], $0xffff;
	[tilespmem:s19+$0x5300] =	vst v16;
	v16 =	vadd.s32 v0, v45  }
0x3be: {  	[tilespmem:s20+$0x5300] =	vst v10;
	v10 =	vadd.s32 v0, v47;
	v13 =	vld.idx.msk [tilespmem:v41+s8+$0x0], $0xffff  }
0x3bf: {  	v17 =	vld.idx.msk [tilespmem:v17+s8+$0x0], $0xffff;
	[tilespmem:s21+$0x5300] =	vst v12  }
0x3c0: {  	v14 =	vld.idx.msk [tilespmem:v55+s8+$0x0], $0xffff;
	v8 =	vadd.s32 v5, v44  }
0x3c1: {  	[tilespmem:s16+$0x5380] =	vst v15;
	v11 =	vld.idx.msk [tilespmem:v11+s8+$0x0], $0xffff  }
0x3c2: {  	[tilespmem:s18+$0x5380] =	vst v9;
	v16 =	vld.idx.msk [tilespmem:v16+s8+$0x0], $0xffff  }
0x3c3: {  	v57 =	vadd.s32 v0, v48;
	v10 =	vld.idx.msk [tilespmem:v10+s8+$0x0], $0xffff;
	[tilespmem:s17+$0x7200] =	vst v13  }
0x3c4: {  	v15 =	vadd.s32 v0, v56;
	v7 =	vld [tilespmem:$0x1FE50]  }
0x3c5: {  	[tilespmem:s19+$0x5380] =	vst v17;
	v17 =	vadd.s32 v2, v45;
	v8 =	vld.idx.msk [tilespmem:v8+s8+$0x0], $0xffff  }
0x3c6: {  	[tilespmem:s21+$0x5380] =	vst v14  }
0x3c7: {  	v59 =	vadd.s32 v0, v49;
	[tilespmem:s20+$0x5380] =	vst v11  }
0x3c8: {  	v11 =	vadd.s32 v2, v47;
	v12 =	vld.idx.msk [tilespmem:v57+s8+$0x0], $0xffff;
	[tilespmem:s16+$0x6000] =	vst v16  }
0x3c9: {  	v15 =	vld.idx.msk [tilespmem:v15+s8+$0x0], $0xffff;
	[tilespmem:s18+$0x6000] =	vst v10;
	v9 =	vadd.s32 v7, v46  }
0x3ca: {  	v63 =	vadd.s32 v2, v48;
	v17 =	vld.idx.msk [tilespmem:v17+s8+$0x0], $0xffff;
	[tilespmem:s15+$0x6180] =	vst v8  }
0x3cb: {  	v16 =	vadd.s32 v2, v56;
	v0 =	vld [tilespmem:$0x1FE60]  }
0x3cc: {  	v40 =	vadd.s32 v4, v45;
	v13 =	vld.idx.msk [tilespmem:v59+s8+$0x0], $0xffff  }
0x3cd: {  	v11 =	vld.idx.msk [tilespmem:v11+s8+$0x0], $0xffff;
	v8 =	vadd.s32 v2, v49  }
0x3ce: {  	v41 =	vadd.s32 v4, v47;
	[tilespmem:s19+$0x6000] =	vst v12;
	v9 =	vld.idx.msk [tilespmem:v9+s8+$0x0], $0xffff  }
0x3cf: {  	[tilespmem:s21+$0x6000] =	vst v15;
	v14 =	vld.idx.msk [tilespmem:v63+s8+$0x0], $0xffff  }
0x3d0: {  	v16 =	vld.idx.msk [tilespmem:v16+s8+$0x0], $0xffff;
	[tilespmem:s16+$0x6080] =	vst v17;
	v10 =	vadd.s32 v0, v44  }
0x3d1: {  	[tilespmem:s20+$0x6000] =	vst v13;
	v12 =	vld.idx.msk [tilespmem:v40+s8+$0x0], $0xffff  }
0x3d2: {  	[tilespmem:s18+$0x6080] =	vst v11;
	v8 =	vld.idx.msk [tilespmem:v8+s8+$0x0], $0xffff  }
0x3d3: {  	v15 =	vadd.s32 v4, v48;
	v13 =	vld.idx.msk [tilespmem:v41+s8+$0x0], $0xffff;
	[tilespmem:s17+$0x7280] =	vst v9  }
0x3d4: {  	v9 =	vadd.s32 v4, v49;
	v57 =	vld [tilespmem:$0x1FE80]  }
0x3d5: {  	v17 =	vadd.s32 v4, v56;
	[tilespmem:s19+$0x6080] =	vst v14;
	v10 =	vld.idx.msk [tilespmem:v10+s8+$0x0], $0xffff  }
0x3d6: {  	[tilespmem:s21+$0x6080] =	vst v16  }
0x3d7: {  	v55 =	vadd.s32 v5, v45;
	[tilespmem:s16+$0x6100] =	vst v12  }
0x3d8: {  	[tilespmem:s20+$0x6080] =	vst v8;
	v8 =	vadd.s32 v5, v47;
	v15 =	vld.idx.msk [tilespmem:v15+s8+$0x0], $0xffff  }
0x3d9: {  	[tilespmem:s18+$0x6100] =	vst v13;
	v9 =	vld.idx.msk [tilespmem:v9+s8+$0x0], $0xffff;
	v11 =	vadd.s32 v57, v46  }
0x3da: {  	v16 =	vadd.s32 v5, v48;
	v17 =	vld.idx.msk [tilespmem:v17+s8+$0x0], $0xffff;
	[tilespmem:s15+$0x6200] =	vst v10  }
0x3db: {  	v59 =	vadd.s32 v5, v56;
	v2 =	vld [tilespmem:$0x1FE90]  }
0x3dc: {  	v14 =	vld.idx.msk [tilespmem:v55+s8+$0x0], $0xffff;
	v10 =	vadd.s32 v5, v49  }
0x3dd: {  	v8 =	vld.idx.msk [tilespmem:v8+s8+$0x0], $0xffff;
	[tilespmem:s19+$0x6100] =	vst v15;
	v15 =	vadd.s32 v0, v45  }
0x3de: {  	[tilespmem:s20+$0x6100] =	vst v9;
	v9 =	vadd.s32 v0, v47;
	v11 =	vld.idx.msk [tilespmem:v11+s8+$0x0], $0xffff  }
0x3df: {  	[tilespmem:s21+$0x6100] =	vst v17;
	v16 =	vld.idx.msk [tilespmem:v16+s8+$0x0], $0xffff  }
0x3e0: {  	v12 =	vld.idx.msk [tilespmem:v59+s8+$0x0], $0xffff;
	v63 =	vadd.s32 v2, v44  }
0x3e1: {  	[tilespmem:s16+$0x6180] =	vst v14;
	v10 =	vld.idx.msk [tilespmem:v10+s8+$0x0], $0xffff  }
0x3e2: {  	[tilespmem:s18+$0x6180] =	vst v8;
	v15 =	vld.idx.msk [tilespmem:v15+s8+$0x0], $0xffff  }
0x3e3: {  	v17 =	vadd.s32 v0, v48;
	v9 =	vld.idx.msk [tilespmem:v9+s8+$0x0], $0xffff;
	[tilespmem:s17+$0x7300] =	vst v11  }
0x3e4: {  	v40 =	vadd.s32 v0, v56;
	v59 =	vld [tilespmem:$0x1FEB0]  }
0x3e5: {  	v11 =	vadd.s32 v0, v49;
	[tilespmem:s19+$0x6180] =	vst v16;
	v13 =	vld.idx.msk [tilespmem:v63+s8+$0x0], $0xffff  }
0x3e6: {  	[tilespmem:s21+$0x6180] =	vst v12  }
0x3e7: {  	v16 =	vadd.s32 v2, v45;
	[tilespmem:s20+$0x6180] =	vst v10  }
0x3e8: {  	v10 =	vadd.s32 v2, v47;
	v17 =	vld.idx.msk [tilespmem:v17+s8+$0x0], $0xffff;
	[tilespmem:s16+$0x6200] =	vst v15  }
0x3e9: {  	v14 =	vld.idx.msk [tilespmem:v40+s8+$0x0], $0xffff;
	[tilespmem:s18+$0x6200] =	vst v9;
	v8 =	vadd.s32 v59, v46  }
0x3ea: {  	v11 =	vld.idx.msk [tilespmem:v11+s8+$0x0], $0xffff;
	[tilespmem:s15+$0x6280] =	vst v13  }
0x3eb: {  	v0 =	vld [tilespmem:$0x1FEC0]  }
0x3ec: {  	v41 =	vadd.s32 v2, v48;
	v16 =	vld.idx.msk [tilespmem:v16+s8+$0x0], $0xffff  }
0x3ed: {  	v15 =	vadd.s32 v2, v56;
	v10 =	vld.idx.msk [tilespmem:v10+s8+$0x0], $0xffff  }
0x3ee: {  	v46 =	vadd.s32 v2, v49;
	[tilespmem:s19+$0x6200] =	vst v17;
	v8 =	vld.idx.msk [tilespmem:v8+s8+$0x0], $0xffff  }
0x3ef: {  	[tilespmem:s21+$0x6200] =	vst v14  }
0x3f0: {  	[tilespmem:s20+$0x6200] =	vst v11;
	v9 =	vadd.s32 v0, v44  }
0x3f1: {  	v12 =	vld.idx.msk [tilespmem:v41+s8+$0x0], $0xffff;
	[tilespmem:s16+$0x6280] =	vst v16;
	v17 =	vadd.s32 v0, v45  }
0x3f2: {  	v15 =	vld.idx.msk [tilespmem:v15+s8+$0x0], $0xffff;
	[tilespmem:s18+$0x6280] =	vst v10;
	v11 =	vadd.s32 v0, v47  }
0x3f3: {  	v13 =	vld.idx.msk [tilespmem:v46+s8+$0x0], $0xffff;
	[tilespmem:s17+$0x7380] =	vst v8  }
0x3f4: {  	v55 =	vadd.s32 v0, v48;
	v16 =	vadd.s32 v0, v56;
	v8 =	vadd.s32 v0, v49;
	v0 =	vld [tilespmem:$0x1FDB0]  }
0x3f5: {  	v9 =	vld.idx.msk [tilespmem:v9+s8+$0x0], $0xffff  }
0x3f6: {  	v17 =	vld.idx.msk [tilespmem:v17+s8+$0x0], $0xffff  }
0x3f7: {  	[tilespmem:s19+$0x6280] =	vst v12;
	v11 =	vld.idx.msk [tilespmem:v11+s8+$0x0], $0xffff  }
0x3f8: {  	[tilespmem:s20+$0x6280] =	vst v13  }
0x3f9: {  	[tilespmem:s21+$0x6280] =	vst v15  }
0x3fa: {  	[tilespmem:s15+$0x6300] =	vst v9  }
0x3fb: {  	v10 =	vadd.s32 v0, v44;
	[tilespmem:s16+$0x6300] =	vst v17  }
0x3fc: {  	v14 =	vld.idx.msk [tilespmem:v55+s8+$0x0], $0xffff;
	v63 =	vadd.s32 v0, v45;
	v40 =	vadd.s32 v0, v47;
	[tilespmem:s18+$0x6300] =	vst v11  }
0x3fd: {  	v15 =	vadd.s32 v0, v48;
	v9 =	vadd.s32 v0, v49;
	v17 =	vadd.s32 v0, v56;
	v0 =	vld [tilespmem:$0x1FDC0]  }
0x3fe: {  	v8 =	vld.idx.msk [tilespmem:v8+s8+$0x0], $0xffff  }
0x3ff: {  	v16 =	vld.idx.msk [tilespmem:v16+s8+$0x0], $0xffff  }
0x400: {  	v10 =	vld.idx.msk [tilespmem:v10+s8+$0x0], $0xffff  }
0x401: {  	v12 =	vld.idx.msk [tilespmem:v63+s8+$0x0], $0xffff  }
0x402: {  	[tilespmem:s19+$0x6300] =	vst v14;
	v13 =	vld.idx.msk [tilespmem:v40+s8+$0x0], $0xffff;
	v11 =	vadd.s32 v0, v44  }
0x403: {  	[tilespmem:s20+$0x6300] =	vst v8;
	v15 =	vld.idx.msk [tilespmem:v15+s8+$0x0], $0xffff;
	v41 =	vadd.s32 v0, v45  }
0x404: {  	[tilespmem:s21+$0x6300] =	vst v16;
	v9 =	vld.idx.msk [tilespmem:v9+s8+$0x0], $0xffff;
	v8 =	vadd.s32 v0, v47  }
0x405: {  	v17 =	vld.idx.msk [tilespmem:v17+s8+$0x0], $0xffff;
	v16 =	vadd.s32 v0, v48;
	[tilespmem:s15+$0x6380] =	vst v10  }
0x406: {  	v46 =	vadd.s32 v0, v56;
	[tilespmem:s16+$0x6380] =	vst v12  }
0x407: {  	v10 =	vadd.s32 v0, v49;
	[tilespmem:s18+$0x6380] =	vst v13;
	v11 =	vld.idx.msk [tilespmem:v11+s8+$0x0], $0xffff  }
0x408: {  	v55 =	vadd.s32 v19, v44;
	[tilespmem:s19+$0x6380] =	vst v15;
	v14 =	vld.idx.msk [tilespmem:v41+s8+$0x0], $0xffff  }
0x409: {  	v15 =	vadd.s32 v19, v45;
	[tilespmem:s20+$0x6380] =	vst v9;
	v8 =	vld.idx.msk [tilespmem:v8+s8+$0x0], $0xffff  }
0x40a: {  	v9 =	vadd.s32 v19, v47;
	[tilespmem:s21+$0x6380] =	vst v17;
	v16 =	vld.idx.msk [tilespmem:v16+s8+$0x0], $0xffff  }
0x40b: {  	v17 =	vadd.s32 v19, v48;
	v12 =	vld.idx.msk [tilespmem:v46+s8+$0x0], $0xffff  }
0x40c: {  	v10 =	vld.idx.msk [tilespmem:v10+s8+$0x0], $0xffff;
	[tilespmem:s15+$0x7000] =	vst v11  }
0x40d: {  	v0 =	vadd.s32 v19, v56;
	[tilespmem:s16+$0x7000] =	vst v14;
	v13 =	vld.idx.msk [tilespmem:v55+s8+$0x0], $0xffff  }
0x40e: {  	v11 =	vadd.s32 v19, v49;
	[tilespmem:s18+$0x7000] =	vst v8;
	v14 =	vld.idx.msk [tilespmem:v15+s8+$0x0], $0xffff  }
0x40f: {  	v8 =	vadd.s32 v53, v44;
	[tilespmem:s19+$0x7000] =	vst v16;
	v9 =	vld.idx.msk [tilespmem:v9+s8+$0x0], $0xffff  }
0x410: {  	[tilespmem:s21+$0x7000] =	vst v12;
	v15 =	vadd.s32 v53, v45;
	v16 =	vld.idx.msk [tilespmem:v17+s8+$0x0], $0xffff  }
0x411: {  	v63 =	vadd.s32 v53, v48;
	[tilespmem:s20+$0x7000] =	vst v10  }
0x412: {  	v0 =	vld.idx.msk [tilespmem:v0+s8+$0x0], $0xffff;
	v10 =	vadd.s32 v53, v47;
	[tilespmem:s15+$0x7080] =	vst v13  }
0x413: {  	v2 =	vadd.s32 v53, v56;
	v11 =	vld.idx.msk [tilespmem:v11+s8+$0x0], $0xffff;
	[tilespmem:s16+$0x7080] =	vst v14  }
0x414: {  	v40 =	vadd.s32 v53, v49;
	[tilespmem:s18+$0x7080] =	vst v9;
	v8 =	vld.idx.msk [tilespmem:v8+s8+$0x0], $0xffff  }
0x415: {  	v9 =	vadd.s32 v6, v44;
	[tilespmem:s19+$0x7080] =	vst v16;
	v14 =	vld.idx.msk [tilespmem:v15+s8+$0x0], $0xffff  }
0x416: {  	v15 =	vadd.s32 v6, v45;
	v12 =	vld.idx.msk [tilespmem:v63+s8+$0x0], $0xffff  }
0x417: {  	[tilespmem:s21+$0x7080] =	vst v0;
	v0 =	vadd.s32 v6, v48;
	v10 =	vld.idx.msk [tilespmem:v10+s8+$0x0], $0xffff  }
0x418: {  	v2 =	vld.idx.msk [tilespmem:v2+s8+$0x0], $0xffff;
	[tilespmem:s20+$0x7080] =	vst v11;
	v11 =	vadd.s32 v6, v47  }
0x419: {  	v13 =	vld.idx.msk [tilespmem:v40+s8+$0x0], $0xffff;
	[tilespmem:s15+$0x7100] =	vst v8  }
0x41a: {  	v16 =	vadd.s32 v6, v56;
	[tilespmem:s16+$0x7100] =	vst v14;
	v9 =	vld.idx.msk [tilespmem:v9+s8+$0x0], $0xffff  }
0x41b: {  	v8 =	vadd.s32 v6, v49;
	[tilespmem:s19+$0x7100] =	vst v12;
	v14 =	vld.idx.msk [tilespmem:v15+s8+$0x0], $0xffff  }
0x41c: {  	[tilespmem:s18+$0x7100] =	vst v10;
	v10 =	vadd.s32 v52, v44;
	v0 =	vld.idx.msk [tilespmem:v0+s8+$0x0], $0xffff  }
0x41d: {  	v41 =	vadd.s32 v52, v45;
	[tilespmem:s21+$0x7100] =	vst v2;
	v11 =	vld.idx.msk [tilespmem:v11+s8+$0x0], $0xffff  }
0x41e: {  	v2 =	vadd.s32 v52, v48;
	[tilespmem:s20+$0x7100] =	vst v13  }
0x41f: {  	v46 =	vadd.s32 v52, v47;
	v15 =	vld.idx.msk [tilespmem:v16+s8+$0x0], $0xffff;
	[tilespmem:s15+$0x7180] =	vst v9  }
0x420: {  	v4 =	vadd.s32 v52, v56;
	v8 =	vld.idx.msk [tilespmem:v8+s8+$0x0], $0xffff;
	[tilespmem:s16+$0x7180] =	vst v14  }
0x421: {  	v9 =	vadd.s32 v52, v49;
	[tilespmem:s19+$0x7180] =	vst v0;
	v10 =	vld.idx.msk [tilespmem:v10+s8+$0x0], $0xffff  }
0x422: {  	v12 =	vld.idx.msk [tilespmem:v41+s8+$0x0], $0xffff;
	[tilespmem:s18+$0x7180] =	vst v11;
	v11 =	vadd.s32 v7, v44  }
0x423: {  	v0 =	vadd.s32 v7, v45;
	v2 =	vld.idx.msk [tilespmem:v2+s8+$0x0], $0xffff  }
0x424: {  	[tilespmem:s21+$0x7180] =	vst v15;
	v52 =	vadd.s32 v7, v48;
	v13 =	vld.idx.msk [tilespmem:v46+s8+$0x0], $0xffff  }
0x425: {  	v4 =	vld.idx.msk [tilespmem:v4+s8+$0x0], $0xffff;
	[tilespmem:s20+$0x7180] =	vst v8;
	v8 =	vadd.s32 v7, v47  }
0x426: {  	v5 =	vadd.s32 v7, v56;
	v9 =	vld.idx.msk [tilespmem:v9+s8+$0x0], $0xffff;
	[tilespmem:s15+$0x7200] =	vst v10  }
0x427: {  	v10 =	vadd.s32 v7, v49;
	[tilespmem:s16+$0x7200] =	vst v12;
	v11 =	vld.idx.msk [tilespmem:v11+s8+$0x0], $0xffff  }
0x428: {  	[tilespmem:s19+$0x7200] =	vst v2;
	v0 =	vld.idx.msk [tilespmem:v0+s8+$0x0], $0xffff  }
0x429: {  	v53 =	vadd.s32 v57, v44;
	v55 =	vld.idx.msk [tilespmem:v52+s8+$0x0], $0xffff;
	[tilespmem:s18+$0x7200] =	vst v13  }
0x42a: {  	v2 =	vadd.s32 v57, v45;
	[tilespmem:s21+$0x7200] =	vst v4;
	v8 =	vld.idx.msk [tilespmem:v8+s8+$0x0], $0xffff  }
0x42b: {  	v4 =	vadd.s32 v57, v48;
	v5 =	vld.idx.msk [tilespmem:v5+s8+$0x0], $0xffff;
	[tilespmem:s20+$0x7200] =	vst v9  }
0x42c: {  	v9 =	vadd.s32 v57, v47;
	v10 =	vld.idx.msk [tilespmem:v10+s8+$0x0], $0xffff;
	[tilespmem:s15+$0x7280] =	vst v11  }
0x42d: {  	v11 =	vadd.s32 v57, v49;
	[tilespmem:s16+$0x7280] =	vst v0  }
0x42e: {  	v6 =	vadd.s32 v57, v56;
	[tilespmem:s19+$0x7280] =	vst v55;
	v0 =	vld.idx.msk [tilespmem:v53+s8+$0x0], $0xffff  }
0x42f: {  	v2 =	vld.idx.msk [tilespmem:v2+s8+$0x0], $0xffff;
	[tilespmem:s18+$0x7280] =	vst v8;
	v8 =	vadd.s32 v59, v44  }
0x430: {  	v63 =	vadd.s32 v59, v45;
	[tilespmem:s21+$0x7280] =	vst v5;
	v4 =	vld.idx.msk [tilespmem:v4+s8+$0x0], $0xffff  }
0x431: {  	v5 =	vadd.s32 v59, v48;
	v9 =	vld.idx.msk [tilespmem:v9+s8+$0x0], $0xffff;
	[tilespmem:s20+$0x7280] =	vst v10  }
0x432: {  	v10 =	vadd.s32 v59, v47;
	v11 =	vld.idx.msk [tilespmem:v11+s8+$0x0], $0xffff  }
0x433: {  	v6 =	vld.idx.msk [tilespmem:v6+s8+$0x0], $0xffff;
	[tilespmem:s15+$0x7300] =	vst v0;
	v0 =	vadd.s32 v59, v49  }
0x434: {  	[tilespmem:s16+$0x7300] =	vst v2;
	v2 =	vadd.s32 v59, v56;
	v7 =	vld.idx.msk [tilespmem:v8+s8+$0x0], $0xffff  }
0x435: {  	[tilespmem:s19+$0x7300] =	vst v4;
	v8 =	vld.idx.msk [tilespmem:v63+s8+$0x0], $0xffff  }
0x436: {  	v5 =	vld.idx.msk [tilespmem:v5+s8+$0x0], $0xffff;
	[tilespmem:s18+$0x7300] =	vst v9  }
0x437: {  	v4 =	vld.idx.msk [tilespmem:v10+s8+$0x0], $0xffff;
	[tilespmem:s20+$0x7300] =	vst v11  }
0x438: {  	[tilespmem:s21+$0x7300] =	vst v6;
	v0 =	vld.idx.msk [tilespmem:v0+s8+$0x0], $0xffff  }
0x439: {  	v2 =	vld.idx.msk [tilespmem:v2+s8+$0x0], $0xffff;
	[tilespmem:s15+$0x7380] =	vst v7  }
0x43a: {  	[tilespmem:s16+$0x7380] =	vst v8  }
0x43b: {  	p3 =	sne.s32 s14, $0x0;
	[tilespmem:s19+$0x7380] =	vst v5  }
0x43c: {  	s14 =	sshll.u32 @!p3 s13, $0x11;
	[tilespmem:s18+$0x7380] =	vst v4  }
0x43d: {  	s14 =	sadd.s32 @!p3 s14, s5;
	[tilespmem:s20+$0x7380] =	vst v0  }
0x43e: {  	s17 =	simm.s32 @!p3 $0x2600;
	s15 =	simm.s32 @!p3 $0x1000;
	s16 =	simm.s32 @!p3 $0x20000;
	[tilespmem:s21+$0x7380] =	vst v2  }
0x43f: {  	[hbm4b:s14+s15] =	stream.strided.scatter @!p3 [tilespmem:s17], [sflag:$0x1], $0x8000, s16, s15, $0x38;
	[tilespmem:$0x1A600] =	vst v63  }
0x440: {  	s14 =	sshll.u32 @p2 s13, $0x11;
	s15 =	simm.s32 @p2 $0x1000  }
0x441: {  	s16 =	simm.s32 @p2 $0x20000;
	s17 =	simm.s32 @p2 $0xA600;
	s14 =	sadd.s32 @p2 s14, s5  }
0x442: {  	[hbm4b:s14+s15] =	stream.strided.scatter @p2 [tilespmem:s17], [sflag:$0x2], $0x8000, s16, s15, $0x38;
	[tilespmem:$0x1A600] =	vst v63  }
0x443: {  	s14 =	sshll.u32 @p1 s13, $0x11;
	s15 =	simm.s32 @p1 $0x1000;
	s16 =	simm.s32 @p1 $0x20000  }
0x444: {  	s17 =	simm.s32 @p1 $0x12600;
	s13 =	sadd.s32 $0x1, s13;
	s14 =	sadd.s32 @p1 s14, s5  }
0x445: {  	[hbm4b:s14+s15] =	stream.strided.scatter @p1 [tilespmem:s17], [sflag:$0x3], $0x8000, s16, s15, $0x38;
	[tilespmem:$0x1A600] =	vst v63  }
0x446: {  	p1 =	sne.s32 s13, $0xC8  }
.Ltmp4:
0x447: {  	_ = 	snop;
	(pc) =	sbr.rel @p1 .LBB2_4-.Ltmp4, $4  }
0x448: {  	_ = 	snop  }
0x449: {  	v7 =	vld [tilespmem:$0x1FF90]  }
0x44a: {  	v8 =	vld [tilespmem:$0x1FFA0]  }
0x44b: {  	v19 =	vlaneseq.u32;
	v59 =	vmovc v62;
	v9 =	vmovc v3;
	v11 =	vmov v61;
	v61 =	vmov v58;
	v16 =	vld [tilespmem:$0x1FFB0]  }
0x44c: {  	_ =	swait.ge [sflag:s10], $0x8000  }
0x44d: {  	[sflag:s10] =	ssyncset.done $0x0  }
0x44e: {  	s12 =	sadd.s32 $0x1, s12;
	[sflag:s10] =	ssyncadd.s32 $0xFFFF8000  }
0x44f: {  	p1 =	sne.s32 s12, s6;
	_ =	swait.ge [sflag:s9], $0x8000  }
.Ltmp5:
0x450: {  	[sflag:s9] =	ssyncset.done $0x0;
	(pc) =	sbr.rel @p1 .LBB2_1-.Ltmp5, $4  }
0x451: {  	[sflag:s9] =	ssyncadd.s32 $0xFFFF8000  }
0x452: {  	_ =	swait.ge [sflag:s11], $0x8000  }
0x453: {  	[sflag:s11] =	ssyncset.done $0x0  }
0x454: {  	[sflag:s11] =	ssyncadd.s32 $0xFFFF8000  }
0x455: {  	_ =	sfence.sel $0x180000  }
0x456: {  	[bflag:$0x0] =	sbarrier.arrive $0xFFFF  }
0x457: {  	p0 =	sne.s32 s2, $0x0;
	_ =	strace $0x90000047  }
0x458: {  	s0 =	sadd.s32 @!p0 $0x100000, s0;
	[bflag:$0x2] =	sbarrier.arrive $0xFFFF  }
0x459: {  	[sflag:s0] =	ssyncadd.tile.s32 @!p0 $0x1;
	_ =	shalt  }
.Lfunc_end2:
_tile_overlayer_lowered:
.L_overlay_start_2:
0x45a: {  	(tag) =	ssettag $0x2  }
0x45b: {  	s0 =	rddreg [dreg:$0x0];
	s2 =	stileid.u32  }
0x45c: {  	s1 =	rddreg [dreg:$0x1];
	p0 =	sne.s32 s2, $0x0  }
0x45d: {  	s3 =	rddreg [dreg:$0x2];
	[bflag:$0x3] =	sbarrier.arrive $0xFFFF;
	s2 =	simm.s32 @!p0 $0x1C04  }
0x45e: {  	[timem:s3], [sflag:s2] =	dma.local @!p0 [hbm:s0], s1  }
0x45f: {  	s0 =	simm.s32 @!p0 $0x4  }
0x460: {  	_ =	swait.ge @!p0 [sflag:s0], s1  }
0x461: {  	s1 =	ssub.s32 @!p0 $0x0, s1;
	[sflag:s0] =	ssyncset.done @!p0 $0x0  }
0x462: {  	[sflag:s0] =	ssyncadd.s32 @!p0 s1  }
0x463: {  	[bflag:$0x3] =	sbarrier.arrive $0xFFFF  }
0x464: {  	_ =	shalt  }

</sc_bundles>
